<compile_context>
chip_gen: v7x
topology: tpu7x:2x2x1
jax: 0.10.2.dev20260603
libtpu: 0.0.44.dev20260713+nightly
codegen_flags: <defaults>
</compile_context>

<pallas_src>
import functools

import jax
import jax.numpy as jnp
from jax import lax
from jax.experimental import pallas as pl
from jax.experimental.pallas import tpu as pltpu
from jax.experimental.pallas import tpu_sc as plsc

N = 10000
D = 128
HD = D // 2
E = 320000
NPAD = 10240
NC, NS = 2, 16
NW = NC * NS
CH = 128
ECH = E // CH
NCH = ECH // NW
NCH2 = ECH // NS
NEX = ECH - NCH * NW
SUP = CH
NSUPT = E // SUP
NSUP = NSUPT // NS
NEXS = NSUPT - NSUP * NS
RPT = NPAD // NS
TB = 2048
TG = NPAD // TB


@functools.partial(
    pl.kernel,
    out_type=[
        jax.ShapeDtypeStruct((ECH, CH), jnp.int32),
        jax.ShapeDtypeStruct((ECH, CH), jnp.int32),
        jax.ShapeDtypeStruct((NC * NPAD,), jnp.float32),
    ],
    mesh=plsc.VectorSubcoreMesh(core_axis_name="c", subcore_axis_name="s"),
    scratch_types=[
        pltpu.VMEM((NCH + 1, CH), jnp.int32),
        pltpu.VMEM((NCH + 1, CH), jnp.int32),
        pltpu.VMEM((NCH + 1, CH), jnp.int32),
        pltpu.VMEM((NCH + 1, CH), jnp.int32),
        pltpu.VMEM((NCH + 1, CH), jnp.float32),
        pltpu.VMEM((RPT,), jnp.float32),
        pltpu.VMEM_SHARED((NPAD,), jnp.float32),
        pltpu.SemaphoreType.DMA,
    ],
    compiler_params=pltpu.CompilerParams(use_tc_tiling_on_sc=False),
)
def _sc_deg(ei3, rml2d, rmh2d, deg_part,
            row_v, col_v, rml_v, rmh_v, ew_v, zb, deg_sh, ssem):
    cid = lax.axis_index("c")
    sid = lax.axis_index("s")
    wid = cid * NS + sid
    has_ex = wid >= NW - NEX
    exrow = NCH * NW + wid - (NW - NEX)

    def zbody(i, carry):
        zb[pl.ds(i * 16, 16)] = jnp.zeros((16,), jnp.float32)
        return carry

    lax.fori_loop(0, RPT // 16, zbody, 0)
    pltpu.sync_copy(zb, deg_sh.at[pl.ds(sid * RPT, RPT)])
    plsc.subcore_barrier()

    pltpu.sync_copy(ei3.at[0, pl.ds(wid * NCH, NCH)], row_v.at[pl.ds(0, NCH)])
    pltpu.sync_copy(ei3.at[1, pl.ds(wid * NCH, NCH)], col_v.at[pl.ds(0, NCH)])

    @pl.when(has_ex)
    def _ldex():
        pltpu.sync_copy(ei3.at[0, pl.ds(exrow, 1)], row_v.at[pl.ds(NCH, 1)])
        pltpu.sync_copy(ei3.at[1, pl.ds(exrow, 1)], col_v.at[pl.ds(NCH, 1)])

    dummy = jnp.int32(N + 1) + lax.iota(jnp.int32, 16)

    def _chunk(j):
        for k in range(8):
            sl = pl.ds(k * 16, 16)
            r = row_v[j, sl]
            c = col_v[j, sl]
            eq = r == c
            ew_v[j, sl] = jnp.where(eq, jnp.float32(0), jnp.float32(1))
            rm2 = jnp.where(eq, dummy, r)
            rm2 = rm2 + rm2
            rml_v[j, sl] = rm2
            rmh_v[j, sl] = rm2 + 1

    def ebody(j, carry):
        _chunk(j)
        pltpu.async_copy(ew_v.at[j], deg_sh.at[row_v.at[j]], ssem, add=True)
        return carry

    lax.fori_loop(0, NCH, ebody, 0)

    @pl.when(has_ex)
    def _exc():
        _chunk(NCH)
        pltpu.sync_copy(ew_v.at[NCH], deg_sh.at[row_v.at[NCH]], add=True)

    def dbody(j, carry):
        pltpu.make_async_copy(
            ew_v.at[j], deg_sh.at[row_v.at[j]], ssem).wait()
        return carry

    lax.fori_loop(0, NCH, dbody, 0)
    plsc.subcore_barrier()
    pltpu.sync_copy(rml_v.at[pl.ds(0, NCH)], rml2d.at[pl.ds(wid * NCH, NCH)])
    pltpu.sync_copy(rmh_v.at[pl.ds(0, NCH)], rmh2d.at[pl.ds(wid * NCH, NCH)])

    @pl.when(has_ex)
    def _stex():
        pltpu.sync_copy(rml_v.at[pl.ds(NCH, 1)], rml2d.at[pl.ds(exrow, 1)])
        pltpu.sync_copy(rmh_v.at[pl.ds(NCH, 1)], rmh2d.at[pl.ds(exrow, 1)])

    pltpu.sync_copy(deg_sh.at[pl.ds(sid * RPT, RPT)], zb)
    pltpu.sync_copy(zb, deg_part.at[pl.ds(cid * NPAD + sid * RPT, RPT)])


@functools.partial(
    pl.kernel,
    out_type=jax.ShapeDtypeStruct((NPAD, D), jnp.float32),
    mesh=plsc.VectorSubcoreMesh(core_axis_name="c", subcore_axis_name="s"),
    scratch_types=[
        pltpu.VMEM(((NSUP + 1) * SUP,), jnp.int32),
        pltpu.VMEM(((NSUP + 1) * SUP,), jnp.int32),
        pltpu.VMEM((4, SUP, HD), jnp.float32),
        pltpu.VMEM((CH, HD), jnp.float32),
        pltpu.VMEM_SHARED((NPAD, HD), jnp.float32),
        pltpu.SemaphoreType.DMA,
        pltpu.SemaphoreType.DMA,
        pltpu.SemaphoreType.DMA,
        pltpu.SemaphoreType.DMA,
        pltpu.SemaphoreType.DMA,
    ],
    compiler_params=pltpu.CompilerParams(use_tc_tiling_on_sc=False),
)
def _sc_msg(rml3, rmh3, col3, ycat, acc,
            rm_v, col_v, gbuf, zbuf, acc_sh, g0, g1, g2, g3, ssem):
    cid = lax.axis_index("c")
    sid = lax.axis_index("s")
    gsems = (g0, g1, g2, g3)
    has_ex = sid >= NS - NEXS
    exrow = NSUP * NS + sid - (NS - NEXS)

    def zbody(i, carry):
        for k in range(HD // 16):
            zbuf[i, pl.ds(k * 16, 16)] = jnp.zeros((16,), jnp.float32)
        return carry

    lax.fori_loop(0, CH, zbody, 0)
    base = sid * RPT
    for v in range(RPT // CH):
        pltpu.sync_copy(zbuf, acc_sh.at[pl.ds(base + v * CH, CH)])
    plsc.subcore_barrier()

    @pl.when(cid == 0)
    def _lo():
        pltpu.sync_copy(rml3.at[pl.ds(sid * NSUP * SUP, NSUP * SUP)],
                        rm_v.at[pl.ds(0, NSUP * SUP)])

        @pl.when(has_ex)
        def _lox():
            pltpu.sync_copy(rml3.at[pl.ds(exrow * SUP, SUP)],
                            rm_v.at[pl.ds(NSUP * SUP, SUP)])

    @pl.when(cid == 1)
    def _hi():
        pltpu.sync_copy(rmh3.at[pl.ds(sid * NSUP * SUP, NSUP * SUP)],
                        rm_v.at[pl.ds(0, NSUP * SUP)])

        @pl.when(has_ex)
        def _hix():
            pltpu.sync_copy(rmh3.at[pl.ds(exrow * SUP, SUP)],
                            rm_v.at[pl.ds(NSUP * SUP, SUP)])

    pltpu.sync_copy(col3.at[pl.ds(sid * NSUP * SUP, NSUP * SUP)],
                    col_v.at[pl.ds(0, NSUP * SUP)])

    @pl.when(has_ex)
    def _cx():
        pltpu.sync_copy(col3.at[pl.ds(exrow * SUP, SUP)],
                        col_v.at[pl.ds(NSUP * SUP, SUP)])

    NJO = NSUP // 4

    def gidx(js):
        return rm_v.at[pl.ds(js * SUP, SUP)]

    def sidx(js):
        return col_v.at[pl.ds(js * SUP, SUP)]

    for q in range(3):
        pltpu.async_copy(ycat.at[gidx(q)], gbuf.at[q], gsems[q])

    def body(jo, carry):
        for t in range(4):
            js = 4 * jo + t
            fb = (t + 3) % 4
            if t == 0:
                @pl.when(jo > 0)
                def _ws():
                    pltpu.make_async_copy(
                        gbuf.at[fb], acc_sh.at[sidx(js - 1)], ssem).wait()

                pltpu.async_copy(ycat.at[gidx(js + 3)], gbuf.at[fb],
                                 gsems[fb])
            else:
                pltpu.make_async_copy(
                    gbuf.at[fb], acc_sh.at[sidx(js - 1)], ssem).wait()

                @pl.when(jo < NJO - 1)
                def _fg():
                    pltpu.async_copy(ycat.at[gidx(js + 3)], gbuf.at[fb],
                                     gsems[fb])

            pltpu.make_async_copy(ycat.at[gidx(js)], gbuf.at[t],
                                  gsems[t]).wait()
            pltpu.async_copy(gbuf.at[t], acc_sh.at[sidx(js)], ssem,
                             add=True)
        return carry

    lax.fori_loop(0, NJO, body, 0)
    pltpu.make_async_copy(
        gbuf.at[3], acc_sh.at[sidx(NSUP - 1)], ssem).wait()

    @pl.when(has_ex)
    def _exc():
        pltpu.sync_copy(ycat.at[gidx(NSUP)], gbuf.at[0])
        pltpu.sync_copy(gbuf.at[0], acc_sh.at[sidx(NSUP)], add=True)

    plsc.subcore_barrier()
    for v in range(RPT // CH):
        pltpu.sync_copy(acc_sh.at[pl.ds(base + v * CH, CH)], zbuf)
        pltpu.sync_copy(zbuf, acc.at[pl.ds(base + v * CH, CH),
                                     pl.ds(cid * HD, HD)])


def _disc(dp_ref):
    parts = []
    r = lax.broadcasted_iota(jnp.int32, (128, 128), 0)
    c = lax.broadcasted_iota(jnp.int32, (128, 128), 1)
    eye = r == c
    for g in range(TB // 128):
        sl = slice(g * 128, (g + 1) * 128)
        deg = dp_ref[0:1, sl] + dp_ref[1:2, sl] + 1.0
        disl = lax.rsqrt(deg)
        dmat = jnp.where(eye, jnp.broadcast_to(disl, (128, 128)), 0.0)
        parts.append(jnp.sum(dmat, axis=1, keepdims=True))
    return jnp.concatenate(parts, axis=0)


def _tc_prep(x_ref, w_ref, dp_ref, y_ref):
    i = pl.program_id(0)
    gr = i * TB + lax.broadcasted_iota(jnp.int32, (TB, 1), 0)
    y = _disc(dp_ref) * (x_ref[...] * w_ref[0:1, :])
    y_ref[...] = jnp.where(gr < N, y, 0.0)


def _tc_comb(acc_ref, y_ref, dp_ref, b_ref, out_ref):
    s = acc_ref[...] + y_ref[...]
    out_ref[...] = _disc(dp_ref) * s + b_ref[0:1, :]


def kernel(x, edge_index, W, b):
    ei3 = edge_index.reshape(2, ECH, CH)

    rml2d, rmh2d, deg_part = _sc_deg(ei3)

    wb = jnp.broadcast_to(W, (8, D))
    dp8 = jnp.pad(deg_part.reshape(NC, NPAD), ((0, 6), (0, 0)))
    y = pl.pallas_call(
        _tc_prep,
        grid=(TG,),
        in_specs=[
            pl.BlockSpec((TB, D), lambda i: (i, 0)),
            pl.BlockSpec((8, D), lambda i: (0, 0)),
            pl.BlockSpec((8, TB), lambda i: (0, i)),
        ],
        out_specs=pl.BlockSpec((TB, D), lambda i: (i, 0)),
        out_shape=jax.ShapeDtypeStruct((NPAD, D), jnp.float32),
    )(x, wb, dp8)

    rml3 = rml2d.reshape(E)
    rmh3 = rmh2d.reshape(E)
    col3 = ei3[1].reshape(E)
    acc = _sc_msg(rml3, rmh3, col3, y.reshape(2 * NPAD, HD))

    bb = jnp.broadcast_to(b[None, :], (8, D))
    out = pl.pallas_call(
        _tc_comb,
        grid=(TG,),
        in_specs=[
            pl.BlockSpec((TB, D), lambda i: (i, 0)),
            pl.BlockSpec((TB, D), lambda i: (i, 0)),
            pl.BlockSpec((8, TB), lambda i: (0, i)),
            pl.BlockSpec((8, D), lambda i: (0, 0)),
        ],
        out_specs=pl.BlockSpec((TB, D), lambda i: (i, 0)),
        out_shape=jax.ShapeDtypeStruct((N, D), jnp.float32),
    )(acc, y, dp8, bb)

    return out

# --- scband reference (transcript-rebuilt; emitter-appended) ---
"""Pipeline reference for scband-encoder-17394617549454 (READ-ONLY COPY).

The authoritative reference and input builder live on the scoring server;
editing this copy changes nothing except your own understanding.
"""

import jax, jax.numpy as jnp
import numpy as np

N = 10000
E = 320000
D = 128


def setup_inputs(seed: int = 0) -> dict:
    key = jax.random.key(seed)
    k1, k2 = jax.random.split(key)
    x = jax.random.normal(k1, (N, D), dtype=jnp.float32)
    edge_index = jax.random.randint(k2, (2, E), 0, N, dtype=jnp.int32)
    # Learned parameters per GCNAlign_GCNConv.reset_parameters():
    # weight init'd to ones, bias to zeros
    W = jnp.ones((1, D), dtype=jnp.float32)
    b = jnp.zeros((D,), dtype=jnp.float32)
    return {"x": x, "edge_index": edge_index, "W": W, "b": b}


def reference(x, edge_index, W, b):
    n = x.shape[0]
    # x = x * self.weight  (elementwise, weight shape [1, out_channels])
    x = x * W
    row, col = edge_index[0], edge_index[1]
    # add_remaining_self_loops(edge_weight=ones, fill_value=1):
    # equivalent static-shape form: zero out weights of existing self-loops,
    # then append a self-loop of weight 1 for every node.
    ew = jnp.where(row == col, 0.0, 1.0).astype(x.dtype)
    sl = jnp.arange(n, dtype=edge_index.dtype)
    row2 = jnp.concatenate([row, sl])
    col2 = jnp.concatenate([col, sl])
    ew2 = jnp.concatenate([ew, jnp.ones((n,), dtype=x.dtype)])
    # deg = scatter_add(edge_weight, row)
    deg = jnp.zeros((n,), dtype=x.dtype).at[row2].add(ew2)
    deg_inv_sqrt = jnp.power(deg, -0.5)
    deg_inv_sqrt = jnp.where(jnp.isinf(deg_inv_sqrt), 0.0, deg_inv_sqrt)
    norm = deg_inv_sqrt[row2] * ew2 * deg_inv_sqrt[col2]
    # propagate(aggr='add'): message = norm * x_j with j = edge_index[0],
    # aggregated at target i = edge_index[1]
    msg = norm[:, None] * x[row2]
    out = jnp.zeros_like(x).at[col2].add(msg)
    # update: add bias
    return out + b

if __name__ == "__main__":
    import jax
    _d = setup_inputs()
    print(jax.jit(kernel)(*tuple(_d.values())))

</pallas_src>

<mosaic_0001>
#map = affine_map<(d0, d1) -> (0)>
#map1 = affine_map<(d0, d1) -> (0, 0)>
module attributes {stable_mosaic.version = 14 : i64} {
  func.func @_sc_msg(%arg0: i32, %arg1: i32, %arg2: memref<320000xi32, #tpu.memory_space<hbm>>, %arg3: memref<320000xi32, #tpu.memory_space<hbm>>, %arg4: memref<320000xi32, #tpu.memory_space<hbm>>, %arg5: memref<20480x64xf32, #tpu.memory_space<hbm>>, %arg6: memref<10240x128xf32, #tpu.memory_space<hbm>>, %arg7: memref<20096xi32, #tpu.memory_space<vmem>>, %arg8: memref<20096xi32, #tpu.memory_space<vmem>>, %arg9: memref<4x128x64xf32, #tpu.memory_space<vmem>>, %arg10: memref<128x64xf32, #tpu.memory_space<vmem>>, %arg11: memref<10240x64xf32, #tpu.memory_space<vmem_shared>>, %arg12: memref<!tpu.dma_semaphore, #tpu.memory_space<semaphore_mem>>, %arg13: memref<!tpu.dma_semaphore, #tpu.memory_space<semaphore_mem>>, %arg14: memref<!tpu.dma_semaphore, #tpu.memory_space<semaphore_mem>>, %arg15: memref<!tpu.dma_semaphore, #tpu.memory_space<semaphore_mem>>, %arg16: memref<!tpu.dma_semaphore, #tpu.memory_space<semaphore_mem>>) attributes {dimension_semantics = [#tpu.dimension_semantics<core_parallel>, #tpu.dimension_semantics<subcore_parallel>], iteration_bounds = array<i64: 2, 16>, scalar_prefetch = 0 : i64, scratch_operands = 10 : i64, tpu.core_type = #tpu.core_type<sc_vector_subcore>, window_params = [{transform_indices = #map}, {transform_indices = #map}, {transform_indices = #map}, {transform_indices = #map1}, {transform_indices = #map1}]} {
    %ge3A = arith.constant 12 : i32
    %ge3A_0 = arith.cmpi sge, %arg1, %ge3A : i32
    %add3A = arith.constant 2496 : i32
    %add3A_1 = arith.addi %add3A, %arg1 : i32
    %sub3A = arith.constant 12 : i32
    %sub3A_2 = arith.subi %add3A_1, %sub3A : i32
    %scan3A = arith.constant 0 : i32
    %scan3A_3 = arith.constant 0 : i32
    %scan3A_4 = arith.constant 128 : i32
    %scan3A_5 = arith.addi %scan3A_3, %scan3A_4 : i32
    %scan3A_6 = arith.constant 1 : i32
    scf.for %scan3A_111 = %scan3A_3 to %scan3A_5 step %scan3A_6  : i32 {
      %broadcast_in_dim3A = arith.constant 0.000000e+00 : f32
      %broadcast_in_dim3A_112 = vector.broadcast %broadcast_in_dim3A : f32 to vector<16xf32>
      %swap3A = arith.index_cast %scan3A_111 : i32 to index
      %swap3A_113 = arith.constant 0 : index
      %swap3A_114 = tpu.vector_load %arg10[%swap3A, %swap3A_113] {strides = array<i32>} : memref<128x64xf32, #tpu.memory_space<vmem>>, vector<1x16xf32>,
      %swap3A_115 = vector.shape_cast %swap3A_114 : vector<1x16xf32> to vector<16xf32>
      %swap3A_116 = vector.shape_cast %broadcast_in_dim3A_112 : vector<16xf32> to vector<1x16xf32>
      tpu.vector_store %arg10[%swap3A, %swap3A_113], %swap3A_116 {strides = array<i32>} : memref<128x64xf32, #tpu.memory_space<vmem>>, vector<1x16xf32>,
      %broadcast_in_dim3A_117 = arith.constant 0.000000e+00 : f32
      %broadcast_in_dim3A_118 = vector.broadcast %broadcast_in_dim3A_117 : f32 to vector<16xf32>
      %swap3A_119 = arith.index_cast %scan3A_111 : i32 to index
      %swap3A_120 = arith.constant 16 : index
      %swap3A_121 = tpu.vector_load %arg10[%swap3A_119, %swap3A_120] {strides = array<i32>} : memref<128x64xf32, #tpu.memory_space<vmem>>, vector<1x16xf32>,
      %swap3A_122 = vector.shape_cast %swap3A_121 : vector<1x16xf32> to vector<16xf32>
      %swap3A_123 = vector.shape_cast %broadcast_in_dim3A_118 : vector<16xf32> to vector<1x16xf32>
      tpu.vector_store %arg10[%swap3A_119, %swap3A_120], %swap3A_123 {strides = array<i32>} : memref<128x64xf32, #tpu.memory_space<vmem>>, vector<1x16xf32>,
      %broadcast_in_dim3A_124 = arith.constant 0.000000e+00 : f32
      %broadcast_in_dim3A_125 = vector.broadcast %broadcast_in_dim3A_124 : f32 to vector<16xf32>
      %swap3A_126 = arith.index_cast %scan3A_111 : i32 to index
      %swap3A_127 = arith.constant 32 : index
      %swap3A_128 = tpu.vector_load %arg10[%swap3A_126, %swap3A_127] {strides = array<i32>} : memref<128x64xf32, #tpu.memory_space<vmem>>, vector<1x16xf32>,
      %swap3A_129 = vector.shape_cast %swap3A_128 : vector<1x16xf32> to vector<16xf32>
      %swap3A_130 = vector.shape_cast %broadcast_in_dim3A_125 : vector<16xf32> to vector<1x16xf32>
      tpu.vector_store %arg10[%swap3A_126, %swap3A_127], %swap3A_130 {strides = array<i32>} : memref<128x64xf32, #tpu.memory_space<vmem>>, vector<1x16xf32>,
      %broadcast_in_dim3A_131 = arith.constant 0.000000e+00 : f32
      %broadcast_in_dim3A_132 = vector.broadcast %broadcast_in_dim3A_131 : f32 to vector<16xf32>
      %swap3A_133 = arith.index_cast %scan3A_111 : i32 to index
      %swap3A_134 = arith.constant 48 : index
      %swap3A_135 = tpu.vector_load %arg10[%swap3A_133, %swap3A_134] {strides = array<i32>} : memref<128x64xf32, #tpu.memory_space<vmem>>, vector<1x16xf32>,
      %swap3A_136 = vector.shape_cast %swap3A_135 : vector<1x16xf32> to vector<16xf32>
      %swap3A_137 = vector.shape_cast %broadcast_in_dim3A_132 : vector<16xf32> to vector<1x16xf32>
      tpu.vector_store %arg10[%swap3A_133, %swap3A_134], %swap3A_137 {strides = array<i32>} : memref<128x64xf32, #tpu.memory_space<vmem>>, vector<1x16xf32>,
    }
    %scan3A_7 = arith.constant 128 : i32
    %mul3A = arith.constant 640 : i32
    %mul3A_8 = arith.muli %arg1, %mul3A : i32
    %add3A_9 = arith.constant 0 : i32
    %add3A_10 = arith.addi %mul3A_8, %add3A_9 : i32
    "tpu.region"() ({
      %run_scoped3A = tpu.sem_alloc : memref<!tpu.dma_semaphore, #tpu.memory_space<semaphore_mem>>
      %dma_start3A_111 = arith.constant 0 : i32
      %dma_start3A_112 = tpu.memref_slice %arg11[%add3A_10, %dma_start3A_111] : memref<10240x64xf32, #tpu.memory_space<vmem_shared>> -> memref<128x64xf32, #tpu.memory_space<vmem_shared>>
      %dma_start3A_113 = arith.constant 0 : i32
      %dma_start3A_114 = tpu.memref_slice %arg11[%add3A_10, %dma_start3A_113] : memref<10240x64xf32, #tpu.memory_space<vmem_shared>> -> memref<128x64xf32, #tpu.memory_space<vmem_shared>>
      tpu.enqueue_dma source(%arg10 : memref<128x64xf32, #tpu.memory_space<vmem>>) target(%dma_start3A_114 : memref<128x64xf32, #tpu.memory_space<vmem_shared>>) target_semaphore(%run_scoped3A : memref<!tpu.dma_semaphore, #tpu.memory_space<semaphore_mem>>)
      %dma_wait3A_115 = arith.constant 0 : i32
      %dma_wait3A_116 = tpu.memref_slice %arg11[%add3A_10, %dma_wait3A_115] : memref<10240x64xf32, #tpu.memory_space<vmem_shared>> -> memref<128x64xf32, #tpu.memory_space<vmem_shared>>
      %dma_wait3A_117 = arith.constant 0 : i32
      %dma_wait3A_118 = tpu.memref_slice %arg11[%add3A_10, %dma_wait3A_117] : memref<10240x64xf32, #tpu.memory_space<vmem_shared>> -> memref<128x64xf32, #tpu.memory_space<vmem_shared>>
      tpu.wait_dma2 semaphore(%run_scoped3A : memref<!tpu.dma_semaphore, #tpu.memory_space<semaphore_mem>>) src(%arg10 : memref<128x64xf32, #tpu.memory_space<vmem>>) dst(%dma_wait3A_118 : memref<128x64xf32, #tpu.memory_space<vmem_shared>>)
      tpu.yield
    }) : () -> ()
    %add3A_11 = arith.constant 128 : i32
    %add3A_12 = arith.addi %mul3A_8, %add3A_11 : i32
    "tpu.region"() ({
      %run_scoped3A = tpu.sem_alloc : memref<!tpu.dma_semaphore, #tpu.memory_space<semaphore_mem>>
      %dma_start3A_111 = arith.constant 0 : i32
      %dma_start3A_112 = tpu.memref_slice %arg11[%add3A_12, %dma_start3A_111] : memref<10240x64xf32, #tpu.memory_space<vmem_shared>> -> memref<128x64xf32, #tpu.memory_space<vmem_shared>>
      %dma_start3A_113 = arith.constant 0 : i32
      %dma_start3A_114 = tpu.memref_slice %arg11[%add3A_12, %dma_start3A_113] : memref<10240x64xf32, #tpu.memory_space<vmem_shared>> -> memref<128x64xf32, #tpu.memory_space<vmem_shared>>
      tpu.enqueue_dma source(%arg10 : memref<128x64xf32, #tpu.memory_space<vmem>>) target(%dma_start3A_114 : memref<128x64xf32, #tpu.memory_space<vmem_shared>>) target_semaphore(%run_scoped3A : memref<!tpu.dma_semaphore, #tpu.memory_space<semaphore_mem>>)
      %dma_wait3A_115 = arith.constant 0 : i32
      %dma_wait3A_116 = tpu.memref_slice %arg11[%add3A_12, %dma_wait3A_115] : memref<10240x64xf32, #tpu.memory_space<vmem_shared>> -> memref<128x64xf32, #tpu.memory_space<vmem_shared>>
      %dma_wait3A_117 = arith.constant 0 : i32
      %dma_wait3A_118 = tpu.memref_slice %arg11[%add3A_12, %dma_wait3A_117] : memref<10240x64xf32, #tpu.memory_space<vmem_shared>> -> memref<128x64xf32, #tpu.memory_space<vmem_shared>>
      tpu.wait_dma2 semaphore(%run_scoped3A : memref<!tpu.dma_semaphore, #tpu.memory_space<semaphore_mem>>) src(%arg10 : memref<128x64xf32, #tpu.memory_space<vmem>>) dst(%dma_wait3A_118 : memref<128x64xf32, #tpu.memory_space<vmem_shared>>)
      tpu.yield
    }) : () -> ()
    %add3A_13 = arith.constant 256 : i32
    %add3A_14 = arith.addi %mul3A_8, %add3A_13 : i32
    "tpu.region"() ({
      %run_scoped3A = tpu.sem_alloc : memref<!tpu.dma_semaphore, #tpu.memory_space<semaphore_mem>>
      %dma_start3A_111 = arith.constant 0 : i32
      %dma_start3A_112 = tpu.memref_slice %arg11[%add3A_14, %dma_start3A_111] : memref<10240x64xf32, #tpu.memory_space<vmem_shared>> -> memref<128x64xf32, #tpu.memory_space<vmem_shared>>
      %dma_start3A_113 = arith.constant 0 : i32
      %dma_start3A_114 = tpu.memref_slice %arg11[%add3A_14, %dma_start3A_113] : memref<10240x64xf32, #tpu.memory_space<vmem_shared>> -> memref<128x64xf32, #tpu.memory_space<vmem_shared>>
      tpu.enqueue_dma source(%arg10 : memref<128x64xf32, #tpu.memory_space<vmem>>) target(%dma_start3A_114 : memref<128x64xf32, #tpu.memory_space<vmem_shared>>) target_semaphore(%run_scoped3A : memref<!tpu.dma_semaphore, #tpu.memory_space<semaphore_mem>>)
      %dma_wait3A_115 = arith.constant 0 : i32
      %dma_wait3A_116 = tpu.memref_slice %arg11[%add3A_14, %dma_wait3A_115] : memref<10240x64xf32, #tpu.memory_space<vmem_shared>> -> memref<128x64xf32, #tpu.memory_space<vmem_shared>>
      %dma_wait3A_117 = arith.constant 0 : i32
      %dma_wait3A_118 = tpu.memref_slice %arg11[%add3A_14, %dma_wait3A_117] : memref<10240x64xf32, #tpu.memory_space<vmem_shared>> -> memref<128x64xf32, #tpu.memory_space<vmem_shared>>
      tpu.wait_dma2 semaphore(%run_scoped3A : memref<!tpu.dma_semaphore, #tpu.memory_space<semaphore_mem>>) src(%arg10 : memref<128x64xf32, #tpu.memory_space<vmem>>) dst(%dma_wait3A_118 : memref<128x64xf32, #tpu.memory_space<vmem_shared>>)
      tpu.yield
    }) : () -> ()
    %add3A_15 = arith.constant 384 : i32
    %add3A_16 = arith.addi %mul3A_8, %add3A_15 : i32
    "tpu.region"() ({
      %run_scoped3A = tpu.sem_alloc : memref<!tpu.dma_semaphore, #tpu.memory_space<semaphore_mem>>
      %dma_start3A_111 = arith.constant 0 : i32
      %dma_start3A_112 = tpu.memref_slice %arg11[%add3A_16, %dma_start3A_111] : memref<10240x64xf32, #tpu.memory_space<vmem_shared>> -> memref<128x64xf32, #tpu.memory_space<vmem_shared>>
      %dma_start3A_113 = arith.constant 0 : i32
      %dma_start3A_114 = tpu.memref_slice %arg11[%add3A_16, %dma_start3A_113] : memref<10240x64xf32, #tpu.memory_space<vmem_shared>> -> memref<128x64xf32, #tpu.memory_space<vmem_shared>>
      tpu.enqueue_dma source(%arg10 : memref<128x64xf32, #tpu.memory_space<vmem>>) target(%dma_start3A_114 : memref<128x64xf32, #tpu.memory_space<vmem_shared>>) target_semaphore(%run_scoped3A : memref<!tpu.dma_semaphore, #tpu.memory_space<semaphore_mem>>)
      %dma_wait3A_115 = arith.constant 0 : i32
      %dma_wait3A_116 = tpu.memref_slice %arg11[%add3A_16, %dma_wait3A_115] : memref<10240x64xf32, #tpu.memory_space<vmem_shared>> -> memref<128x64xf32, #tpu.memory_space<vmem_shared>>
      %dma_wait3A_117 = arith.constant 0 : i32
      %dma_wait3A_118 = tpu.memref_slice %arg11[%add3A_16, %dma_wait3A_117] : memref<10240x64xf32, #tpu.memory_space<vmem_shared>> -> memref<128x64xf32, #tpu.memory_space<vmem_shared>>
      tpu.wait_dma2 semaphore(%run_scoped3A : memref<!tpu.dma_semaphore, #tpu.memory_space<semaphore_mem>>) src(%arg10 : memref<128x64xf32, #tpu.memory_space<vmem>>) dst(%dma_wait3A_118 : memref<128x64xf32, #tpu.memory_space<vmem_shared>>)
      tpu.yield
    }) : () -> ()
    %add3A_17 = arith.constant 512 : i32
    %add3A_18 = arith.addi %mul3A_8, %add3A_17 : i32
    "tpu.region"() ({
      %run_scoped3A = tpu.sem_alloc : memref<!tpu.dma_semaphore, #tpu.memory_space<semaphore_mem>>
      %dma_start3A_111 = arith.constant 0 : i32
      %dma_start3A_112 = tpu.memref_slice %arg11[%add3A_18, %dma_start3A_111] : memref<10240x64xf32, #tpu.memory_space<vmem_shared>> -> memref<128x64xf32, #tpu.memory_space<vmem_shared>>
      %dma_start3A_113 = arith.constant 0 : i32
      %dma_start3A_114 = tpu.memref_slice %arg11[%add3A_18, %dma_start3A_113] : memref<10240x64xf32, #tpu.memory_space<vmem_shared>> -> memref<128x64xf32, #tpu.memory_space<vmem_shared>>
      tpu.enqueue_dma source(%arg10 : memref<128x64xf32, #tpu.memory_space<vmem>>) target(%dma_start3A_114 : memref<128x64xf32, #tpu.memory_space<vmem_shared>>) target_semaphore(%run_scoped3A : memref<!tpu.dma_semaphore, #tpu.memory_space<semaphore_mem>>)
      %dma_wait3A_115 = arith.constant 0 : i32
      %dma_wait3A_116 = tpu.memref_slice %arg11[%add3A_18, %dma_wait3A_115] : memref<10240x64xf32, #tpu.memory_space<vmem_shared>> -> memref<128x64xf32, #tpu.memory_space<vmem_shared>>
      %dma_wait3A_117 = arith.constant 0 : i32
      %dma_wait3A_118 = tpu.memref_slice %arg11[%add3A_18, %dma_wait3A_117] : memref<10240x64xf32, #tpu.memory_space<vmem_shared>> -> memref<128x64xf32, #tpu.memory_space<vmem_shared>>
      tpu.wait_dma2 semaphore(%run_scoped3A : memref<!tpu.dma_semaphore, #tpu.memory_space<semaphore_mem>>) src(%arg10 : memref<128x64xf32, #tpu.memory_space<vmem>>) dst(%dma_wait3A_118 : memref<128x64xf32, #tpu.memory_space<vmem_shared>>)
      tpu.yield
    }) : () -> ()
    %barrier3A = arith.constant 0 : index
    tpu.barrier barrier_id(%barrier3A)
    %eq3A = arith.constant 0 : i32
    %eq3A_19 = arith.cmpi eq, %arg0, %eq3A : i32
    %convert_element_type3A = arith.extui %eq3A_19 : i1 to i32
    %cond3A = arith.constant 0 : i32
    %cond3A_20 = arith.cmpi ne, %convert_element_type3A, %cond3A : i32
    scf.if %cond3A_20 {
      %mul3A_111 = arith.constant 156 : i32
      %mul3A_112 = arith.muli %arg1, %mul3A_111 : i32
      %mul3A_113 = arith.constant 128 : i32
      %mul3A_114 = arith.muli %mul3A_112, %mul3A_113 : i32
      "tpu.region"() ({
        %run_scoped3A = tpu.sem_alloc : memref<!tpu.dma_semaphore, #tpu.memory_space<semaphore_mem>>
        %dma_start3A_118 = arith.constant 0 : i32
        %dma_start3A_119 = tpu.memref_slice %arg7[%dma_start3A_118] : memref<20096xi32, #tpu.memory_space<vmem>> -> memref<19968xi32, #tpu.memory_space<vmem>>
        %dma_start3A_120 = tpu.memref_slice %arg2[%mul3A_114] : memref<320000xi32, #tpu.memory_space<hbm>> -> memref<19968xi32, #tpu.memory_space<hbm>>
        %dma_start3A_121 = arith.constant 0 : i32
        %dma_start3A_122 = tpu.memref_slice %arg7[%dma_start3A_121] : memref<20096xi32, #tpu.memory_space<vmem>> -> memref<19968xi32, #tpu.memory_space<vmem>>
        %dma_start3A_123 = tpu.memref_slice %arg2[%mul3A_114] : memref<320000xi32, #tpu.memory_space<hbm>> -> memref<19968xi32, #tpu.memory_space<hbm>>
        tpu.enqueue_dma source(%dma_start3A_123 : memref<19968xi32, #tpu.memory_space<hbm>>) target(%dma_start3A_122 : memref<19968xi32, #tpu.memory_space<vmem>>) target_semaphore(%run_scoped3A : memref<!tpu.dma_semaphore, #tpu.memory_space<semaphore_mem>>)
        %dma_wait3A_124 = arith.constant 0 : i32
        %dma_wait3A_125 = tpu.memref_slice %arg7[%dma_wait3A_124] : memref<20096xi32, #tpu.memory_space<vmem>> -> memref<19968xi32, #tpu.memory_space<vmem>>
        %dma_wait3A_126 = tpu.memref_slice %arg2[%mul3A_114] : memref<320000xi32, #tpu.memory_space<hbm>> -> memref<19968xi32, #tpu.memory_space<hbm>>
        %dma_wait3A_127 = arith.constant 0 : i32
        %dma_wait3A_128 = tpu.memref_slice %arg7[%dma_wait3A_127] : memref<20096xi32, #tpu.memory_space<vmem>> -> memref<19968xi32, #tpu.memory_space<vmem>>
        %dma_wait3A_129 = tpu.memref_slice %arg2[%mul3A_114] : memref<320000xi32, #tpu.memory_space<hbm>> -> memref<19968xi32, #tpu.memory_space<hbm>>
        tpu.wait_dma2 semaphore(%run_scoped3A : memref<!tpu.dma_semaphore, #tpu.memory_space<semaphore_mem>>) src(%dma_wait3A_129 : memref<19968xi32, #tpu.memory_space<hbm>>) dst(%dma_wait3A_128 : memref<19968xi32, #tpu.memory_space<vmem>>)
        tpu.yield
      }) : () -> ()
      %convert_element_type3A_115 = arith.extui %ge3A_0 : i1 to i32
      %cond3A_116 = arith.constant 0 : i32
      %cond3A_117 = arith.cmpi ne, %convert_element_type3A_115, %cond3A_116 : i32
      scf.if %cond3A_117 {
        %mul3A_118 = arith.constant 128 : i32
        %mul3A_119 = arith.muli %sub3A_2, %mul3A_118 : i32
        "tpu.region"() ({
          %run_scoped3A = tpu.sem_alloc : memref<!tpu.dma_semaphore, #tpu.memory_space<semaphore_mem>>
          %dma_start3A_120 = arith.constant 19968 : i32
          %dma_start3A_121 = tpu.memref_slice %arg7[%dma_start3A_120] : memref<20096xi32, #tpu.memory_space<vmem>> -> memref<128xi32, #tpu.memory_space<vmem>>
          %dma_start3A_122 = tpu.memref_slice %arg2[%mul3A_119] : memref<320000xi32, #tpu.memory_space<hbm>> -> memref<128xi32, #tpu.memory_space<hbm>>
          %dma_start3A_123 = arith.constant 19968 : i32
          %dma_start3A_124 = tpu.memref_slice %arg7[%dma_start3A_123] : memref<20096xi32, #tpu.memory_space<vmem>> -> memref<128xi32, #tpu.memory_space<vmem>>
          %dma_start3A_125 = tpu.memref_slice %arg2[%mul3A_119] : memref<320000xi32, #tpu.memory_space<hbm>> -> memref<128xi32, #tpu.memory_space<hbm>>
          tpu.enqueue_dma source(%dma_start3A_125 : memref<128xi32, #tpu.memory_space<hbm>>) target(%dma_start3A_124 : memref<128xi32, #tpu.memory_space<vmem>>) target_semaphore(%run_scoped3A : memref<!tpu.dma_semaphore, #tpu.memory_space<semaphore_mem>>)
          %dma_wait3A_126 = arith.constant 19968 : i32
          %dma_wait3A_127 = tpu.memref_slice %arg7[%dma_wait3A_126] : memref<20096xi32, #tpu.memory_space<vmem>> -> memref<128xi32, #tpu.memory_space<vmem>>
          %dma_wait3A_128 = tpu.memref_slice %arg2[%mul3A_119] : memref<320000xi32, #tpu.memory_space<hbm>> -> memref<128xi32, #tpu.memory_space<hbm>>
          %dma_wait3A_129 = arith.constant 19968 : i32
          %dma_wait3A_130 = tpu.memref_slice %arg7[%dma_wait3A_129] : memref<20096xi32, #tpu.memory_space<vmem>> -> memref<128xi32, #tpu.memory_space<vmem>>
          %dma_wait3A_131 = tpu.memref_slice %arg2[%mul3A_119] : memref<320000xi32, #tpu.memory_space<hbm>> -> memref<128xi32, #tpu.memory_space<hbm>>
          tpu.wait_dma2 semaphore(%run_scoped3A : memref<!tpu.dma_semaphore, #tpu.memory_space<semaphore_mem>>) src(%dma_wait3A_131 : memref<128xi32, #tpu.memory_space<hbm>>) dst(%dma_wait3A_130 : memref<128xi32, #tpu.memory_space<vmem>>)
          tpu.yield
        }) : () -> ()
      } else {
      }
    } else {
    }
    %eq3A_21 = arith.constant 1 : i32
    %eq3A_22 = arith.cmpi eq, %arg0, %eq3A_21 : i32
    %convert_element_type3A_23 = arith.extui %eq3A_22 : i1 to i32
    %cond3A_24 = arith.constant 0 : i32
    %cond3A_25 = arith.cmpi ne, %convert_element_type3A_23, %cond3A_24 : i32
    scf.if %cond3A_25 {
      %mul3A_111 = arith.constant 156 : i32
      %mul3A_112 = arith.muli %arg1, %mul3A_111 : i32
      %mul3A_113 = arith.constant 128 : i32
      %mul3A_114 = arith.muli %mul3A_112, %mul3A_113 : i32
      "tpu.region"() ({
        %run_scoped3A = tpu.sem_alloc : memref<!tpu.dma_semaphore, #tpu.memory_space<semaphore_mem>>
        %dma_start3A_118 = arith.constant 0 : i32
        %dma_start3A_119 = tpu.memref_slice %arg7[%dma_start3A_118] : memref<20096xi32, #tpu.memory_space<vmem>> -> memref<19968xi32, #tpu.memory_space<vmem>>
        %dma_start3A_120 = tpu.memref_slice %arg3[%mul3A_114] : memref<320000xi32, #tpu.memory_space<hbm>> -> memref<19968xi32, #tpu.memory_space<hbm>>
        %dma_start3A_121 = arith.constant 0 : i32
        %dma_start3A_122 = tpu.memref_slice %arg7[%dma_start3A_121] : memref<20096xi32, #tpu.memory_space<vmem>> -> memref<19968xi32, #tpu.memory_space<vmem>>
        %dma_start3A_123 = tpu.memref_slice %arg3[%mul3A_114] : memref<320000xi32, #tpu.memory_space<hbm>> -> memref<19968xi32, #tpu.memory_space<hbm>>
        tpu.enqueue_dma source(%dma_start3A_123 : memref<19968xi32, #tpu.memory_space<hbm>>) target(%dma_start3A_122 : memref<19968xi32, #tpu.memory_space<vmem>>) target_semaphore(%run_scoped3A : memref<!tpu.dma_semaphore, #tpu.memory_space<semaphore_mem>>)
        %dma_wait3A_124 = arith.constant 0 : i32
        %dma_wait3A_125 = tpu.memref_slice %arg7[%dma_wait3A_124] : memref<20096xi32, #tpu.memory_space<vmem>> -> memref<19968xi32, #tpu.memory_space<vmem>>
        %dma_wait3A_126 = tpu.memref_slice %arg3[%mul3A_114] : memref<320000xi32, #tpu.memory_space<hbm>> -> memref<19968xi32, #tpu.memory_space<hbm>>
        %dma_wait3A_127 = arith.constant 0 : i32
        %dma_wait3A_128 = tpu.memref_slice %arg7[%dma_wait3A_127] : memref<20096xi32, #tpu.memory_space<vmem>> -> memref<19968xi32, #tpu.memory_space<vmem>>
        %dma_wait3A_129 = tpu.memref_slice %arg3[%mul3A_114] : memref<320000xi32, #tpu.memory_space<hbm>> -> memref<19968xi32, #tpu.memory_space<hbm>>
        tpu.wait_dma2 semaphore(%run_scoped3A : memref<!tpu.dma_semaphore, #tpu.memory_space<semaphore_mem>>) src(%dma_wait3A_129 : memref<19968xi32, #tpu.memory_space<hbm>>) dst(%dma_wait3A_128 : memref<19968xi32, #tpu.memory_space<vmem>>)
        tpu.yield
      }) : () -> ()
      %convert_element_type3A_115 = arith.extui %ge3A_0 : i1 to i32
      %cond3A_116 = arith.constant 0 : i32
      %cond3A_117 = arith.cmpi ne, %convert_element_type3A_115, %cond3A_116 : i32
      scf.if %cond3A_117 {
        %mul3A_118 = arith.constant 128 : i32
        %mul3A_119 = arith.muli %sub3A_2, %mul3A_118 : i32
        "tpu.region"() ({
          %run_scoped3A = tpu.sem_alloc : memref<!tpu.dma_semaphore, #tpu.memory_space<semaphore_mem>>
          %dma_start3A_120 = arith.constant 19968 : i32
          %dma_start3A_121 = tpu.memref_slice %arg7[%dma_start3A_120] : memref<20096xi32, #tpu.memory_space<vmem>> -> memref<128xi32, #tpu.memory_space<vmem>>
          %dma_start3A_122 = tpu.memref_slice %arg3[%mul3A_119] : memref<320000xi32, #tpu.memory_space<hbm>> -> memref<128xi32, #tpu.memory_space<hbm>>
          %dma_start3A_123 = arith.constant 19968 : i32
          %dma_start3A_124 = tpu.memref_slice %arg7[%dma_start3A_123] : memref<20096xi32, #tpu.memory_space<vmem>> -> memref<128xi32, #tpu.memory_space<vmem>>
          %dma_start3A_125 = tpu.memref_slice %arg3[%mul3A_119] : memref<320000xi32, #tpu.memory_space<hbm>> -> memref<128xi32, #tpu.memory_space<hbm>>
          tpu.enqueue_dma source(%dma_start3A_125 : memref<128xi32, #tpu.memory_space<hbm>>) target(%dma_start3A_124 : memref<128xi32, #tpu.memory_space<vmem>>) target_semaphore(%run_scoped3A : memref<!tpu.dma_semaphore, #tpu.memory_space<semaphore_mem>>)
          %dma_wait3A_126 = arith.constant 19968 : i32
          %dma_wait3A_127 = tpu.memref_slice %arg7[%dma_wait3A_126] : memref<20096xi32, #tpu.memory_space<vmem>> -> memref<128xi32, #tpu.memory_space<vmem>>
          %dma_wait3A_128 = tpu.memref_slice %arg3[%mul3A_119] : memref<320000xi32, #tpu.memory_space<hbm>> -> memref<128xi32, #tpu.memory_space<hbm>>
          %dma_wait3A_129 = arith.constant 19968 : i32
          %dma_wait3A_130 = tpu.memref_slice %arg7[%dma_wait3A_129] : memref<20096xi32, #tpu.memory_space<vmem>> -> memref<128xi32, #tpu.memory_space<vmem>>
          %dma_wait3A_131 = tpu.memref_slice %arg3[%mul3A_119] : memref<320000xi32, #tpu.memory_space<hbm>> -> memref<128xi32, #tpu.memory_space<hbm>>
          tpu.wait_dma2 semaphore(%run_scoped3A : memref<!tpu.dma_semaphore, #tpu.memory_space<semaphore_mem>>) src(%dma_wait3A_131 : memref<128xi32, #tpu.memory_space<hbm>>) dst(%dma_wait3A_130 : memref<128xi32, #tpu.memory_space<vmem>>)
          tpu.yield
        }) : () -> ()
      } else {
      }
    } else {
    }
    %mul3A_26 = arith.constant 156 : i32
    %mul3A_27 = arith.muli %arg1, %mul3A_26 : i32
    %mul3A_28 = arith.constant 128 : i32
    %mul3A_29 = arith.muli %mul3A_27, %mul3A_28 : i32
    "tpu.region"() ({
      %run_scoped3A = tpu.sem_alloc : memref<!tpu.dma_semaphore, #tpu.memory_space<semaphore_mem>>
      %dma_start3A_111 = arith.constant 0 : i32
      %dma_start3A_112 = tpu.memref_slice %arg8[%dma_start3A_111] : memref<20096xi32, #tpu.memory_space<vmem>> -> memref<19968xi32, #tpu.memory_space<vmem>>
      %dma_start3A_113 = tpu.memref_slice %arg4[%mul3A_29] : memref<320000xi32, #tpu.memory_space<hbm>> -> memref<19968xi32, #tpu.memory_space<hbm>>
      %dma_start3A_114 = arith.constant 0 : i32
      %dma_start3A_115 = tpu.memref_slice %arg8[%dma_start3A_114] : memref<20096xi32, #tpu.memory_space<vmem>> -> memref<19968xi32, #tpu.memory_space<vmem>>
      %dma_start3A_116 = tpu.memref_slice %arg4[%mul3A_29] : memref<320000xi32, #tpu.memory_space<hbm>> -> memref<19968xi32, #tpu.memory_space<hbm>>
      tpu.enqueue_dma source(%dma_start3A_116 : memref<19968xi32, #tpu.memory_space<hbm>>) target(%dma_start3A_115 : memref<19968xi32, #tpu.memory_space<vmem>>) target_semaphore(%run_scoped3A : memref<!tpu.dma_semaphore, #tpu.memory_space<semaphore_mem>>)
      %dma_wait3A_117 = arith.constant 0 : i32
      %dma_wait3A_118 = tpu.memref_slice %arg8[%dma_wait3A_117] : memref<20096xi32, #tpu.memory_space<vmem>> -> memref<19968xi32, #tpu.memory_space<vmem>>
      %dma_wait3A_119 = tpu.memref_slice %arg4[%mul3A_29] : memref<320000xi32, #tpu.memory_space<hbm>> -> memref<19968xi32, #tpu.memory_space<hbm>>
      %dma_wait3A_120 = arith.constant 0 : i32
      %dma_wait3A_121 = tpu.memref_slice %arg8[%dma_wait3A_120] : memref<20096xi32, #tpu.memory_space<vmem>> -> memref<19968xi32, #tpu.memory_space<vmem>>
      %dma_wait3A_122 = tpu.memref_slice %arg4[%mul3A_29] : memref<320000xi32, #tpu.memory_space<hbm>> -> memref<19968xi32, #tpu.memory_space<hbm>>
      tpu.wait_dma2 semaphore(%run_scoped3A : memref<!tpu.dma_semaphore, #tpu.memory_space<semaphore_mem>>) src(%dma_wait3A_122 : memref<19968xi32, #tpu.memory_space<hbm>>) dst(%dma_wait3A_121 : memref<19968xi32, #tpu.memory_space<vmem>>)
      tpu.yield
    }) : () -> ()
    %convert_element_type3A_30 = arith.extui %ge3A_0 : i1 to i32
    %cond3A_31 = arith.constant 0 : i32
    %cond3A_32 = arith.cmpi ne, %convert_element_type3A_30, %cond3A_31 : i32
    scf.if %cond3A_32 {
      %mul3A_111 = arith.constant 128 : i32
      %mul3A_112 = arith.muli %sub3A_2, %mul3A_111 : i32
      "tpu.region"() ({
        %run_scoped3A = tpu.sem_alloc : memref<!tpu.dma_semaphore, #tpu.memory_space<semaphore_mem>>
        %dma_start3A_113 = arith.constant 19968 : i32
        %dma_start3A_114 = tpu.memref_slice %arg8[%dma_start3A_113] : memref<20096xi32, #tpu.memory_space<vmem>> -> memref<128xi32, #tpu.memory_space<vmem>>
        %dma_start3A_115 = tpu.memref_slice %arg4[%mul3A_112] : memref<320000xi32, #tpu.memory_space<hbm>> -> memref<128xi32, #tpu.memory_space<hbm>>
        %dma_start3A_116 = arith.constant 19968 : i32
        %dma_start3A_117 = tpu.memref_slice %arg8[%dma_start3A_116] : memref<20096xi32, #tpu.memory_space<vmem>> -> memref<128xi32, #tpu.memory_space<vmem>>
        %dma_start3A_118 = tpu.memref_slice %arg4[%mul3A_112] : memref<320000xi32, #tpu.memory_space<hbm>> -> memref<128xi32, #tpu.memory_space<hbm>>
        tpu.enqueue_dma source(%dma_start3A_118 : memref<128xi32, #tpu.memory_space<hbm>>) target(%dma_start3A_117 : memref<128xi32, #tpu.memory_space<vmem>>) target_semaphore(%run_scoped3A : memref<!tpu.dma_semaphore, #tpu.memory_space<semaphore_mem>>)
        %dma_wait3A_119 = arith.constant 19968 : i32
        %dma_wait3A_120 = tpu.memref_slice %arg8[%dma_wait3A_119] : memref<20096xi32, #tpu.memory_space<vmem>> -> memref<128xi32, #tpu.memory_space<vmem>>
        %dma_wait3A_121 = tpu.memref_slice %arg4[%mul3A_112] : memref<320000xi32, #tpu.memory_space<hbm>> -> memref<128xi32, #tpu.memory_space<hbm>>
        %dma_wait3A_122 = arith.constant 19968 : i32
        %dma_wait3A_123 = tpu.memref_slice %arg8[%dma_wait3A_122] : memref<20096xi32, #tpu.memory_space<vmem>> -> memref<128xi32, #tpu.memory_space<vmem>>
        %dma_wait3A_124 = tpu.memref_slice %arg4[%mul3A_112] : memref<320000xi32, #tpu.memory_space<hbm>> -> memref<128xi32, #tpu.memory_space<hbm>>
        tpu.wait_dma2 semaphore(%run_scoped3A : memref<!tpu.dma_semaphore, #tpu.memory_space<semaphore_mem>>) src(%dma_wait3A_124 : memref<128xi32, #tpu.memory_space<hbm>>) dst(%dma_wait3A_123 : memref<128xi32, #tpu.memory_space<vmem>>)
        tpu.yield
      }) : () -> ()
    } else {
    }
    %dma_start3A = arith.constant 0 : i32
    %dma_start3A_33 = arith.constant 0 : i32
    %dma_start3A_34 = arith.constant 0 : i32
    %dma_start3A_35 = tpu.memref_slice %arg9[%dma_start3A, %dma_start3A_33, %dma_start3A_34] : memref<4x128x64xf32, #tpu.memory_space<vmem>> -> memref<1x128x64xf32, #tpu.memory_space<vmem>>
    %dma_start3A_36 = tpu.memref_squeeze %dma_start3A_35 : memref<1x128x64xf32, #tpu.memory_space<vmem>> -> memref<128x64xf32, #tpu.memory_space<vmem>>
    %dma_start3A_37 = arith.constant 0 : i32
    %dma_start3A_38 = tpu.memref_slice %arg7[%dma_start3A_37] : memref<20096xi32, #tpu.memory_space<vmem>> -> memref<128xi32, #tpu.memory_space<vmem>>
    %dma_start3A_39 = arith.constant 0 : i32
    %dma_start3A_40 = arith.constant 0 : i32
    %dma_start3A_41 = tpu.memref_slice %arg5[%dma_start3A_39, %dma_start3A_40] : memref<20480x64xf32, #tpu.memory_space<hbm>> -> memref<20480x64xf32, #tpu.memory_space<hbm>>
    tpu.enqueue_indirect_dma source(%dma_start3A_41 : memref<20480x64xf32, #tpu.memory_space<hbm>>) target(%dma_start3A_36 : memref<128x64xf32, #tpu.memory_space<vmem>>) offsets(%dma_start3A_38 : memref<128xi32, #tpu.memory_space<vmem>>) semaphore(%arg12 : memref<!tpu.dma_semaphore, #tpu.memory_space<semaphore_mem>>)
    %dma_start3A_42 = arith.constant 1 : i32
    %dma_start3A_43 = arith.constant 0 : i32
    %dma_start3A_44 = arith.constant 0 : i32
    %dma_start3A_45 = tpu.memref_slice %arg9[%dma_start3A_42, %dma_start3A_43, %dma_start3A_44] : memref<4x128x64xf32, #tpu.memory_space<vmem>> -> memref<1x128x64xf32, #tpu.memory_space<vmem>>
    %dma_start3A_46 = tpu.memref_squeeze %dma_start3A_45 : memref<1x128x64xf32, #tpu.memory_space<vmem>> -> memref<128x64xf32, #tpu.memory_space<vmem>>
    %dma_start3A_47 = arith.constant 128 : i32
    %dma_start3A_48 = tpu.memref_slice %arg7[%dma_start3A_47] : memref<20096xi32, #tpu.memory_space<vmem>> -> memref<128xi32, #tpu.memory_space<vmem>>
    %dma_start3A_49 = arith.constant 0 : i32
    %dma_start3A_50 = arith.constant 0 : i32
    %dma_start3A_51 = tpu.memref_slice %arg5[%dma_start3A_49, %dma_start3A_50] : memref<20480x64xf32, #tpu.memory_space<hbm>> -> memref<20480x64xf32, #tpu.memory_space<hbm>>
    tpu.enqueue_indirect_dma source(%dma_start3A_51 : memref<20480x64xf32, #tpu.memory_space<hbm>>) target(%dma_start3A_46 : memref<128x64xf32, #tpu.memory_space<vmem>>) offsets(%dma_start3A_48 : memref<128xi32, #tpu.memory_space<vmem>>) semaphore(%arg13 : memref<!tpu.dma_semaphore, #tpu.memory_space<semaphore_mem>>)
    %dma_start3A_52 = arith.constant 2 : i32
    %dma_start3A_53 = arith.constant 0 : i32
    %dma_start3A_54 = arith.constant 0 : i32
    %dma_start3A_55 = tpu.memref_slice %arg9[%dma_start3A_52, %dma_start3A_53, %dma_start3A_54] : memref<4x128x64xf32, #tpu.memory_space<vmem>> -> memref<1x128x64xf32, #tpu.memory_space<vmem>>
    %dma_start3A_56 = tpu.memref_squeeze %dma_start3A_55 : memref<1x128x64xf32, #tpu.memory_space<vmem>> -> memref<128x64xf32, #tpu.memory_space<vmem>>
    %dma_start3A_57 = arith.constant 256 : i32
    %dma_start3A_58 = tpu.memref_slice %arg7[%dma_start3A_57] : memref<20096xi32, #tpu.memory_space<vmem>> -> memref<128xi32, #tpu.memory_space<vmem>>
    %dma_start3A_59 = arith.constant 0 : i32
    %dma_start3A_60 = arith.constant 0 : i32
    %dma_start3A_61 = tpu.memref_slice %arg5[%dma_start3A_59, %dma_start3A_60] : memref<20480x64xf32, #tpu.memory_space<hbm>> -> memref<20480x64xf32, #tpu.memory_space<hbm>>
    tpu.enqueue_indirect_dma source(%dma_start3A_61 : memref<20480x64xf32, #tpu.memory_space<hbm>>) target(%dma_start3A_56 : memref<128x64xf32, #tpu.memory_space<vmem>>) offsets(%dma_start3A_58 : memref<128xi32, #tpu.memory_space<vmem>>) semaphore(%arg14 : memref<!tpu.dma_semaphore, #tpu.memory_space<semaphore_mem>>)
    %scan3A_62 = arith.constant 0 : i32
    %scan3A_63 = arith.constant 0 : i32
    %scan3A_64 = arith.constant 39 : i32
    %scan3A_65 = arith.addi %scan3A_63, %scan3A_64 : i32
    %scan3A_66 = arith.constant 1 : i32
    scf.for %scan3A_111 = %scan3A_63 to %scan3A_65 step %scan3A_66  : i32 {
      %mul3A_112 = arith.constant 4 : i32
      %mul3A_113 = arith.muli %mul3A_112, %scan3A_111 : i32
      %add3A_114 = arith.constant 0 : i32
      %add3A_115 = arith.addi %mul3A_113, %add3A_114 : i32
      %gt3A = arith.constant 0 : i32
      %gt3A_116 = arith.cmpi sgt, %scan3A_111, %gt3A : i32
      %convert_element_type3A_117 = arith.extui %gt3A_116 : i1 to i32
      %cond3A_118 = arith.constant 0 : i32
      %cond3A_119 = arith.cmpi ne, %convert_element_type3A_117, %cond3A_118 : i32
      scf.if %cond3A_119 {
        %sub3A_286 = arith.constant 1 : i32
        %sub3A_287 = arith.subi %add3A_115, %sub3A_286 : i32
        %mul3A_288 = arith.constant 128 : i32
        %mul3A_289 = arith.muli %sub3A_287, %mul3A_288 : i32
        %dma_wait3A_290 = arith.constant 3 : i32
        %dma_wait3A_291 = arith.constant 0 : i32
        %dma_wait3A_292 = arith.constant 0 : i32
        %dma_wait3A_293 = tpu.memref_slice %arg9[%dma_wait3A_290, %dma_wait3A_291, %dma_wait3A_292] : memref<4x128x64xf32, #tpu.memory_space<vmem>> -> memref<1x128x64xf32, #tpu.memory_space<vmem>>
        %dma_wait3A_294 = tpu.memref_squeeze %dma_wait3A_293 : memref<1x128x64xf32, #tpu.memory_space<vmem>> -> memref<128x64xf32, #tpu.memory_space<vmem>>
        %dma_wait3A_295 = tpu.memref_slice %arg8[%mul3A_289] : memref<20096xi32, #tpu.memory_space<vmem>> -> memref<128xi32, #tpu.memory_space<vmem>>
        %dma_wait3A_296 = arith.constant 0 : i32
        %dma_wait3A_297 = arith.constant 0 : i32
        %dma_wait3A_298 = tpu.memref_slice %arg11[%dma_wait3A_296, %dma_wait3A_297] : memref<10240x64xf32, #tpu.memory_space<vmem_shared>> -> memref<10240x64xf32, #tpu.memory_space<vmem_shared>>
        tpu.wait_indirect_dma semaphore(%arg16 : memref<!tpu.dma_semaphore, #tpu.memory_space<semaphore_mem>>) src(%dma_wait3A_294 : memref<128x64xf32, #tpu.memory_space<vmem>>) dst(%dma_wait3A_298 : memref<10240x64xf32, #tpu.memory_space<vmem_shared>>)
      } else {
      }
      %add3A_120 = arith.constant 3 : i32
      %add3A_121 = arith.addi %add3A_115, %add3A_120 : i32
      %mul3A_122 = arith.constant 128 : i32
      %mul3A_123 = arith.muli %add3A_121, %mul3A_122 : i32
      %dma_start3A_124 = arith.constant 3 : i32
      %dma_start3A_125 = arith.constant 0 : i32
      %dma_start3A_126 = arith.constant 0 : i32
      %dma_start3A_127 = tpu.memref_slice %arg9[%dma_start3A_124, %dma_start3A_125, %dma_start3A_126] : memref<4x128x64xf32, #tpu.memory_space<vmem>> -> memref<1x128x64xf32, #tpu.memory_space<vmem>>
      %dma_start3A_128 = tpu.memref_squeeze %dma_start3A_127 : memref<1x128x64xf32, #tpu.memory_space<vmem>> -> memref<128x64xf32, #tpu.memory_space<vmem>>
      %dma_start3A_129 = tpu.memref_slice %arg7[%mul3A_123] : memref<20096xi32, #tpu.memory_space<vmem>> -> memref<128xi32, #tpu.memory_space<vmem>>
      %dma_start3A_130 = arith.constant 0 : i32
      %dma_start3A_131 = arith.constant 0 : i32
      %dma_start3A_132 = tpu.memref_slice %arg5[%dma_start3A_130, %dma_start3A_131] : memref<20480x64xf32, #tpu.memory_space<hbm>> -> memref<20480x64xf32, #tpu.memory_space<hbm>>
      tpu.enqueue_indirect_dma source(%dma_start3A_132 : memref<20480x64xf32, #tpu.memory_space<hbm>>) target(%dma_start3A_128 : memref<128x64xf32, #tpu.memory_space<vmem>>) offsets(%dma_start3A_129 : memref<128xi32, #tpu.memory_space<vmem>>) semaphore(%arg15 : memref<!tpu.dma_semaphore, #tpu.memory_space<semaphore_mem>>)
      %mul3A_133 = arith.constant 128 : i32
      %mul3A_134 = arith.muli %add3A_115, %mul3A_133 : i32
      %dma_wait3A_135 = arith.constant 0 : i32
      %dma_wait3A_136 = arith.constant 0 : i32
      %dma_wait3A_137 = arith.constant 0 : i32
      %dma_wait3A_138 = tpu.memref_slice %arg9[%dma_wait3A_135, %dma_wait3A_136, %dma_wait3A_137] : memref<4x128x64xf32, #tpu.memory_space<vmem>> -> memref<1x128x64xf32, #tpu.memory_space<vmem>>
      %dma_wait3A_139 = tpu.memref_squeeze %dma_wait3A_138 : memref<1x128x64xf32, #tpu.memory_space<vmem>> -> memref<128x64xf32, #tpu.memory_space<vmem>>
      %dma_wait3A_140 = tpu.memref_slice %arg7[%mul3A_134] : memref<20096xi32, #tpu.memory_space<vmem>> -> memref<128xi32, #tpu.memory_space<vmem>>
      %dma_wait3A_141 = arith.constant 0 : i32
      %dma_wait3A_142 = arith.constant 0 : i32
      %dma_wait3A_143 = tpu.memref_slice %arg5[%dma_wait3A_141, %dma_wait3A_142] : memref<20480x64xf32, #tpu.memory_space<hbm>> -> memref<20480x64xf32, #tpu.memory_space<hbm>>
      tpu.wait_indirect_dma semaphore(%arg12 : memref<!tpu.dma_semaphore, #tpu.memory_space<semaphore_mem>>) src(%dma_wait3A_143 : memref<20480x64xf32, #tpu.memory_space<hbm>>) dst(%dma_wait3A_139 : memref<128x64xf32, #tpu.memory_space<vmem>>)
      %mul3A_144 = arith.constant 128 : i32
      %mul3A_145 = arith.muli %add3A_115, %mul3A_144 : i32
      %dma_start3A_146 = arith.constant 0 : i32
      %dma_start3A_147 = arith.constant 0 : i32
      %dma_start3A_148 = arith.constant 0 : i32
      %dma_start3A_149 = tpu.memref_slice %arg9[%dma_start3A_146, %dma_start3A_147, %dma_start3A_148] : memref<4x128x64xf32, #tpu.memory_space<vmem>> -> memref<1x128x64xf32, #tpu.memory_space<vmem>>
      %dma_start3A_150 = tpu.memref_squeeze %dma_start3A_149 : memref<1x128x64xf32, #tpu.memory_space<vmem>> -> memref<128x64xf32, #tpu.memory_space<vmem>>
      %dma_start3A_151 = tpu.memref_slice %arg8[%mul3A_145] : memref<20096xi32, #tpu.memory_space<vmem>> -> memref<128xi32, #tpu.memory_space<vmem>>
      %dma_start3A_152 = arith.constant 0 : i32
      %dma_start3A_153 = arith.constant 0 : i32
      %dma_start3A_154 = tpu.memref_slice %arg11[%dma_start3A_152, %dma_start3A_153] : memref<10240x64xf32, #tpu.memory_space<vmem_shared>> -> memref<10240x64xf32, #tpu.memory_space<vmem_shared>>
      tpu.enqueue_indirect_dma source(%dma_start3A_150 : memref<128x64xf32, #tpu.memory_space<vmem>>) target(%dma_start3A_154 : memref<10240x64xf32, #tpu.memory_space<vmem_shared>>) offsets(%dma_start3A_151 : memref<128xi32, #tpu.memory_space<vmem>>) semaphore(%arg16 : memref<!tpu.dma_semaphore, #tpu.memory_space<semaphore_mem>>) {add = true}
      %mul3A_155 = arith.constant 4 : i32
      %mul3A_156 = arith.muli %mul3A_155, %scan3A_111 : i32
      %add3A_157 = arith.constant 1 : i32
      %add3A_158 = arith.addi %mul3A_156, %add3A_157 : i32
      %sub3A_159 = arith.constant 1 : i32
      %sub3A_160 = arith.subi %add3A_158, %sub3A_159 : i32
      %mul3A_161 = arith.constant 128 : i32
      %mul3A_162 = arith.muli %sub3A_160, %mul3A_161 : i32
      %dma_wait3A_163 = arith.constant 0 : i32
      %dma_wait3A_164 = arith.constant 0 : i32
      %dma_wait3A_165 = arith.constant 0 : i32
      %dma_wait3A_166 = tpu.memref_slice %arg9[%dma_wait3A_163, %dma_wait3A_164, %dma_wait3A_165] : memref<4x128x64xf32, #tpu.memory_space<vmem>> -> memref<1x128x64xf32, #tpu.memory_space<vmem>>
      %dma_wait3A_167 = tpu.memref_squeeze %dma_wait3A_166 : memref<1x128x64xf32, #tpu.memory_space<vmem>> -> memref<128x64xf32, #tpu.memory_space<vmem>>
      %dma_wait3A_168 = tpu.memref_slice %arg8[%mul3A_162] : memref<20096xi32, #tpu.memory_space<vmem>> -> memref<128xi32, #tpu.memory_space<vmem>>
      %dma_wait3A_169 = arith.constant 0 : i32
      %dma_wait3A_170 = arith.constant 0 : i32
      %dma_wait3A_171 = tpu.memref_slice %arg11[%dma_wait3A_169, %dma_wait3A_170] : memref<10240x64xf32, #tpu.memory_space<vmem_shared>> -> memref<10240x64xf32, #tpu.memory_space<vmem_shared>>
      tpu.wait_indirect_dma semaphore(%arg16 : memref<!tpu.dma_semaphore, #tpu.memory_space<semaphore_mem>>) src(%dma_wait3A_167 : memref<128x64xf32, #tpu.memory_space<vmem>>) dst(%dma_wait3A_171 : memref<10240x64xf32, #tpu.memory_space<vmem_shared>>)
      %lt3A = arith.constant 38 : i32
      %lt3A_172 = arith.cmpi slt, %scan3A_111, %lt3A : i32
      %convert_element_type3A_173 = arith.extui %lt3A_172 : i1 to i32
      %cond3A_174 = arith.constant 0 : i32
      %cond3A_175 = arith.cmpi ne, %convert_element_type3A_173, %cond3A_174 : i32
      scf.if %cond3A_175 {
        %add3A_286 = arith.constant 3 : i32
        %add3A_287 = arith.addi %add3A_158, %add3A_286 : i32
        %mul3A_288 = arith.constant 128 : i32
        %mul3A_289 = arith.muli %add3A_287, %mul3A_288 : i32
        %dma_start3A_290 = arith.constant 0 : i32
        %dma_start3A_291 = arith.constant 0 : i32
        %dma_start3A_292 = arith.constant 0 : i32
        %dma_start3A_293 = tpu.memref_slice %arg9[%dma_start3A_290, %dma_start3A_291, %dma_start3A_292] : memref<4x128x64xf32, #tpu.memory_space<vmem>> -> memref<1x128x64xf32, #tpu.memory_space<vmem>>
        %dma_start3A_294 = tpu.memref_squeeze %dma_start3A_293 : memref<1x128x64xf32, #tpu.memory_space<vmem>> -> memref<128x64xf32, #tpu.memory_space<vmem>>
        %dma_start3A_295 = tpu.memref_slice %arg7[%mul3A_289] : memref<20096xi32, #tpu.memory_space<vmem>> -> memref<128xi32, #tpu.memory_space<vmem>>
        %dma_start3A_296 = arith.constant 0 : i32
        %dma_start3A_297 = arith.constant 0 : i32
        %dma_start3A_298 = tpu.memref_slice %arg5[%dma_start3A_296, %dma_start3A_297] : memref<20480x64xf32, #tpu.memory_space<hbm>> -> memref<20480x64xf32, #tpu.memory_space<hbm>>
        tpu.enqueue_indirect_dma source(%dma_start3A_298 : memref<20480x64xf32, #tpu.memory_space<hbm>>) target(%dma_start3A_294 : memref<128x64xf32, #tpu.memory_space<vmem>>) offsets(%dma_start3A_295 : memref<128xi32, #tpu.memory_space<vmem>>) semaphore(%arg12 : memref<!tpu.dma_semaphore, #tpu.memory_space<semaphore_mem>>)
      } else {
      }
      %mul3A_176 = arith.constant 128 : i32
      %mul3A_177 = arith.muli %add3A_158, %mul3A_176 : i32
      %dma_wait3A_178 = arith.constant 1 : i32
      %dma_wait3A_179 = arith.constant 0 : i32
      %dma_wait3A_180 = arith.constant 0 : i32
      %dma_wait3A_181 = tpu.memref_slice %arg9[%dma_wait3A_178, %dma_wait3A_179, %dma_wait3A_180] : memref<4x128x64xf32, #tpu.memory_space<vmem>> -> memref<1x128x64xf32, #tpu.memory_space<vmem>>
      %dma_wait3A_182 = tpu.memref_squeeze %dma_wait3A_181 : memref<1x128x64xf32, #tpu.memory_space<vmem>> -> memref<128x64xf32, #tpu.memory_space<vmem>>
      %dma_wait3A_183 = tpu.memref_slice %arg7[%mul3A_177] : memref<20096xi32, #tpu.memory_space<vmem>> -> memref<128xi32, #tpu.memory_space<vmem>>
      %dma_wait3A_184 = arith.constant 0 : i32
      %dma_wait3A_185 = arith.constant 0 : i32
      %dma_wait3A_186 = tpu.memref_slice %arg5[%dma_wait3A_184, %dma_wait3A_185] : memref<20480x64xf32, #tpu.memory_space<hbm>> -> memref<20480x64xf32, #tpu.memory_space<hbm>>
      tpu.wait_indirect_dma semaphore(%arg13 : memref<!tpu.dma_semaphore, #tpu.memory_space<semaphore_mem>>) src(%dma_wait3A_186 : memref<20480x64xf32, #tpu.memory_space<hbm>>) dst(%dma_wait3A_182 : memref<128x64xf32, #tpu.memory_space<vmem>>)
      %mul3A_187 = arith.constant 128 : i32
      %mul3A_188 = arith.muli %add3A_158, %mul3A_187 : i32
      %dma_start3A_189 = arith.constant 1 : i32
      %dma_start3A_190 = arith.constant 0 : i32
      %dma_start3A_191 = arith.constant 0 : i32
      %dma_start3A_192 = tpu.memref_slice %arg9[%dma_start3A_189, %dma_start3A_190, %dma_start3A_191] : memref<4x128x64xf32, #tpu.memory_space<vmem>> -> memref<1x128x64xf32, #tpu.memory_space<vmem>>
      %dma_start3A_193 = tpu.memref_squeeze %dma_start3A_192 : memref<1x128x64xf32, #tpu.memory_space<vmem>> -> memref<128x64xf32, #tpu.memory_space<vmem>>
      %dma_start3A_194 = tpu.memref_slice %arg8[%mul3A_188] : memref<20096xi32, #tpu.memory_space<vmem>> -> memref<128xi32, #tpu.memory_space<vmem>>
      %dma_start3A_195 = arith.constant 0 : i32
      %dma_start3A_196 = arith.constant 0 : i32
      %dma_start3A_197 = tpu.memref_slice %arg11[%dma_start3A_195, %dma_start3A_196] : memref<10240x64xf32, #tpu.memory_space<vmem_shared>> -> memref<10240x64xf32, #tpu.memory_space<vmem_shared>>
      tpu.enqueue_indirect_dma source(%dma_start3A_193 : memref<128x64xf32, #tpu.memory_space<vmem>>) target(%dma_start3A_197 : memref<10240x64xf32, #tpu.memory_space<vmem_shared>>) offsets(%dma_start3A_194 : memref<128xi32, #tpu.memory_space<vmem>>) semaphore(%arg16 : memref<!tpu.dma_semaphore, #tpu.memory_space<semaphore_mem>>) {add = true}
      %mul3A_198 = arith.constant 4 : i32
      %mul3A_199 = arith.muli %mul3A_198, %scan3A_111 : i32
      %add3A_200 = arith.constant 2 : i32
      %add3A_201 = arith.addi %mul3A_199, %add3A_200 : i32
      %sub3A_202 = arith.constant 1 : i32
      %sub3A_203 = arith.subi %add3A_201, %sub3A_202 : i32
      %mul3A_204 = arith.constant 128 : i32
      %mul3A_205 = arith.muli %sub3A_203, %mul3A_204 : i32
      %dma_wait3A_206 = arith.constant 1 : i32
      %dma_wait3A_207 = arith.constant 0 : i32
      %dma_wait3A_208 = arith.constant 0 : i32
      %dma_wait3A_209 = tpu.memref_slice %arg9[%dma_wait3A_206, %dma_wait3A_207, %dma_wait3A_208] : memref<4x128x64xf32, #tpu.memory_space<vmem>> -> memref<1x128x64xf32, #tpu.memory_space<vmem>>
      %dma_wait3A_210 = tpu.memref_squeeze %dma_wait3A_209 : memref<1x128x64xf32, #tpu.memory_space<vmem>> -> memref<128x64xf32, #tpu.memory_space<vmem>>
      %dma_wait3A_211 = tpu.memref_slice %arg8[%mul3A_205] : memref<20096xi32, #tpu.memory_space<vmem>> -> memref<128xi32, #tpu.memory_space<vmem>>
      %dma_wait3A_212 = arith.constant 0 : i32
      %dma_wait3A_213 = arith.constant 0 : i32
      %dma_wait3A_214 = tpu.memref_slice %arg11[%dma_wait3A_212, %dma_wait3A_213] : memref<10240x64xf32, #tpu.memory_space<vmem_shared>> -> memref<10240x64xf32, #tpu.memory_space<vmem_shared>>
      tpu.wait_indirect_dma semaphore(%arg16 : memref<!tpu.dma_semaphore, #tpu.memory_space<semaphore_mem>>) src(%dma_wait3A_210 : memref<128x64xf32, #tpu.memory_space<vmem>>) dst(%dma_wait3A_214 : memref<10240x64xf32, #tpu.memory_space<vmem_shared>>)
      %lt3A_215 = arith.constant 38 : i32
      %lt3A_216 = arith.cmpi slt, %scan3A_111, %lt3A_215 : i32
      %convert_element_type3A_217 = arith.extui %lt3A_216 : i1 to i32
      %cond3A_218 = arith.constant 0 : i32
      %cond3A_219 = arith.cmpi ne, %convert_element_type3A_217, %cond3A_218 : i32
      scf.if %cond3A_219 {
        %add3A_286 = arith.constant 3 : i32
        %add3A_287 = arith.addi %add3A_201, %add3A_286 : i32
        %mul3A_288 = arith.constant 128 : i32
        %mul3A_289 = arith.muli %add3A_287, %mul3A_288 : i32
        %dma_start3A_290 = arith.constant 1 : i32
        %dma_start3A_291 = arith.constant 0 : i32
        %dma_start3A_292 = arith.constant 0 : i32
        %dma_start3A_293 = tpu.memref_slice %arg9[%dma_start3A_290, %dma_start3A_291, %dma_start3A_292] : memref<4x128x64xf32, #tpu.memory_space<vmem>> -> memref<1x128x64xf32, #tpu.memory_space<vmem>>
        %dma_start3A_294 = tpu.memref_squeeze %dma_start3A_293 : memref<1x128x64xf32, #tpu.memory_space<vmem>> -> memref<128x64xf32, #tpu.memory_space<vmem>>
        %dma_start3A_295 = tpu.memref_slice %arg7[%mul3A_289] : memref<20096xi32, #tpu.memory_space<vmem>> -> memref<128xi32, #tpu.memory_space<vmem>>
        %dma_start3A_296 = arith.constant 0 : i32
        %dma_start3A_297 = arith.constant 0 : i32
        %dma_start3A_298 = tpu.memref_slice %arg5[%dma_start3A_296, %dma_start3A_297] : memref<20480x64xf32, #tpu.memory_space<hbm>> -> memref<20480x64xf32, #tpu.memory_space<hbm>>
        tpu.enqueue_indirect_dma source(%dma_start3A_298 : memref<20480x64xf32, #tpu.memory_space<hbm>>) target(%dma_start3A_294 : memref<128x64xf32, #tpu.memory_space<vmem>>) offsets(%dma_start3A_295 : memref<128xi32, #tpu.memory_space<vmem>>) semaphore(%arg13 : memref<!tpu.dma_semaphore, #tpu.memory_space<semaphore_mem>>)
      } else {
      }
      %mul3A_220 = arith.constant 128 : i32
      %mul3A_221 = arith.muli %add3A_201, %mul3A_220 : i32
      %dma_wait3A_222 = arith.constant 2 : i32
      %dma_wait3A_223 = arith.constant 0 : i32
      %dma_wait3A_224 = arith.constant 0 : i32
      %dma_wait3A_225 = tpu.memref_slice %arg9[%dma_wait3A_222, %dma_wait3A_223, %dma_wait3A_224] : memref<4x128x64xf32, #tpu.memory_space<vmem>> -> memref<1x128x64xf32, #tpu.memory_space<vmem>>
      %dma_wait3A_226 = tpu.memref_squeeze %dma_wait3A_225 : memref<1x128x64xf32, #tpu.memory_space<vmem>> -> memref<128x64xf32, #tpu.memory_space<vmem>>
      %dma_wait3A_227 = tpu.memref_slice %arg7[%mul3A_221] : memref<20096xi32, #tpu.memory_space<vmem>> -> memref<128xi32, #tpu.memory_space<vmem>>
      %dma_wait3A_228 = arith.constant 0 : i32
      %dma_wait3A_229 = arith.constant 0 : i32
      %dma_wait3A_230 = tpu.memref_slice %arg5[%dma_wait3A_228, %dma_wait3A_229] : memref<20480x64xf32, #tpu.memory_space<hbm>> -> memref<20480x64xf32, #tpu.memory_space<hbm>>
      tpu.wait_indirect_dma semaphore(%arg14 : memref<!tpu.dma_semaphore, #tpu.memory_space<semaphore_mem>>) src(%dma_wait3A_230 : memref<20480x64xf32, #tpu.memory_space<hbm>>) dst(%dma_wait3A_226 : memref<128x64xf32, #tpu.memory_space<vmem>>)
      %mul3A_231 = arith.constant 128 : i32
      %mul3A_232 = arith.muli %add3A_201, %mul3A_231 : i32
      %dma_start3A_233 = arith.constant 2 : i32
      %dma_start3A_234 = arith.constant 0 : i32
      %dma_start3A_235 = arith.constant 0 : i32
      %dma_start3A_236 = tpu.memref_slice %arg9[%dma_start3A_233, %dma_start3A_234, %dma_start3A_235] : memref<4x128x64xf32, #tpu.memory_space<vmem>> -> memref<1x128x64xf32, #tpu.memory_space<vmem>>
      %dma_start3A_237 = tpu.memref_squeeze %dma_start3A_236 : memref<1x128x64xf32, #tpu.memory_space<vmem>> -> memref<128x64xf32, #tpu.memory_space<vmem>>
      %dma_start3A_238 = tpu.memref_slice %arg8[%mul3A_232] : memref<20096xi32, #tpu.memory_space<vmem>> -> memref<128xi32, #tpu.memory_space<vmem>>
      %dma_start3A_239 = arith.constant 0 : i32
      %dma_start3A_240 = arith.constant 0 : i32
      %dma_start3A_241 = tpu.memref_slice %arg11[%dma_start3A_239, %dma_start3A_240] : memref<10240x64xf32, #tpu.memory_space<vmem_shared>> -> memref<10240x64xf32, #tpu.memory_space<vmem_shared>>
      tpu.enqueue_indirect_dma source(%dma_start3A_237 : memref<128x64xf32, #tpu.memory_space<vmem>>) target(%dma_start3A_241 : memref<10240x64xf32, #tpu.memory_space<vmem_shared>>) offsets(%dma_start3A_238 : memref<128xi32, #tpu.memory_space<vmem>>) semaphore(%arg16 : memref<!tpu.dma_semaphore, #tpu.memory_space<semaphore_mem>>) {add = true}
      %mul3A_242 = arith.constant 4 : i32
      %mul3A_243 = arith.muli %mul3A_242, %scan3A_111 : i32
      %add3A_244 = arith.constant 3 : i32
      %add3A_245 = arith.addi %mul3A_243, %add3A_244 : i32
      %sub3A_246 = arith.constant 1 : i32
      %sub3A_247 = arith.subi %add3A_245, %sub3A_246 : i32
      %mul3A_248 = arith.constant 128 : i32
      %mul3A_249 = arith.muli %sub3A_247, %mul3A_248 : i32
      %dma_wait3A_250 = arith.constant 2 : i32
      %dma_wait3A_251 = arith.constant 0 : i32
      %dma_wait3A_252 = arith.constant 0 : i32
      %dma_wait3A_253 = tpu.memref_slice %arg9[%dma_wait3A_250, %dma_wait3A_251, %dma_wait3A_252] : memref<4x128x64xf32, #tpu.memory_space<vmem>> -> memref<1x128x64xf32, #tpu.memory_space<vmem>>
      %dma_wait3A_254 = tpu.memref_squeeze %dma_wait3A_253 : memref<1x128x64xf32, #tpu.memory_space<vmem>> -> memref<128x64xf32, #tpu.memory_space<vmem>>
      %dma_wait3A_255 = tpu.memref_slice %arg8[%mul3A_249] : memref<20096xi32, #tpu.memory_space<vmem>> -> memref<128xi32, #tpu.memory_space<vmem>>
      %dma_wait3A_256 = arith.constant 0 : i32
      %dma_wait3A_257 = arith.constant 0 : i32
      %dma_wait3A_258 = tpu.memref_slice %arg11[%dma_wait3A_256, %dma_wait3A_257] : memref<10240x64xf32, #tpu.memory_space<vmem_shared>> -> memref<10240x64xf32, #tpu.memory_space<vmem_shared>>
      tpu.wait_indirect_dma semaphore(%arg16 : memref<!tpu.dma_semaphore, #tpu.memory_space<semaphore_mem>>) src(%dma_wait3A_254 : memref<128x64xf32, #tpu.memory_space<vmem>>) dst(%dma_wait3A_258 : memref<10240x64xf32, #tpu.memory_space<vmem_shared>>)
      %lt3A_259 = arith.constant 38 : i32
      %lt3A_260 = arith.cmpi slt, %scan3A_111, %lt3A_259 : i32
      %convert_element_type3A_261 = arith.extui %lt3A_260 : i1 to i32
      %cond3A_262 = arith.constant 0 : i32
      %cond3A_263 = arith.cmpi ne, %convert_element_type3A_261, %cond3A_262 : i32
      scf.if %cond3A_263 {
        %add3A_286 = arith.constant 3 : i32
        %add3A_287 = arith.addi %add3A_245, %add3A_286 : i32
        %mul3A_288 = arith.constant 128 : i32
        %mul3A_289 = arith.muli %add3A_287, %mul3A_288 : i32
        %dma_start3A_290 = arith.constant 2 : i32
        %dma_start3A_291 = arith.constant 0 : i32
        %dma_start3A_292 = arith.constant 0 : i32
        %dma_start3A_293 = tpu.memref_slice %arg9[%dma_start3A_290, %dma_start3A_291, %dma_start3A_292] : memref<4x128x64xf32, #tpu.memory_space<vmem>> -> memref<1x128x64xf32, #tpu.memory_space<vmem>>
        %dma_start3A_294 = tpu.memref_squeeze %dma_start3A_293 : memref<1x128x64xf32, #tpu.memory_space<vmem>> -> memref<128x64xf32, #tpu.memory_space<vmem>>
        %dma_start3A_295 = tpu.memref_slice %arg7[%mul3A_289] : memref<20096xi32, #tpu.memory_space<vmem>> -> memref<128xi32, #tpu.memory_space<vmem>>
        %dma_start3A_296 = arith.constant 0 : i32
        %dma_start3A_297 = arith.constant 0 : i32
        %dma_start3A_298 = tpu.memref_slice %arg5[%dma_start3A_296, %dma_start3A_297] : memref<20480x64xf32, #tpu.memory_space<hbm>> -> memref<20480x64xf32, #tpu.memory_space<hbm>>
        tpu.enqueue_indirect_dma source(%dma_start3A_298 : memref<20480x64xf32, #tpu.memory_space<hbm>>) target(%dma_start3A_294 : memref<128x64xf32, #tpu.memory_space<vmem>>) offsets(%dma_start3A_295 : memref<128xi32, #tpu.memory_space<vmem>>) semaphore(%arg14 : memref<!tpu.dma_semaphore, #tpu.memory_space<semaphore_mem>>)
      } else {
      }
      %mul3A_264 = arith.constant 128 : i32
      %mul3A_265 = arith.muli %add3A_245, %mul3A_264 : i32
      %dma_wait3A_266 = arith.constant 3 : i32
      %dma_wait3A_267 = arith.constant 0 : i32
      %dma_wait3A_268 = arith.constant 0 : i32
      %dma_wait3A_269 = tpu.memref_slice %arg9[%dma_wait3A_266, %dma_wait3A_267, %dma_wait3A_268] : memref<4x128x64xf32, #tpu.memory_space<vmem>> -> memref<1x128x64xf32, #tpu.memory_space<vmem>>
      %dma_wait3A_270 = tpu.memref_squeeze %dma_wait3A_269 : memref<1x128x64xf32, #tpu.memory_space<vmem>> -> memref<128x64xf32, #tpu.memory_space<vmem>>
      %dma_wait3A_271 = tpu.memref_slice %arg7[%mul3A_265] : memref<20096xi32, #tpu.memory_space<vmem>> -> memref<128xi32, #tpu.memory_space<vmem>>
      %dma_wait3A_272 = arith.constant 0 : i32
      %dma_wait3A_273 = arith.constant 0 : i32
      %dma_wait3A_274 = tpu.memref_slice %arg5[%dma_wait3A_272, %dma_wait3A_273] : memref<20480x64xf32, #tpu.memory_space<hbm>> -> memref<20480x64xf32, #tpu.memory_space<hbm>>
      tpu.wait_indirect_dma semaphore(%arg15 : memref<!tpu.dma_semaphore, #tpu.memory_space<semaphore_mem>>) src(%dma_wait3A_274 : memref<20480x64xf32, #tpu.memory_space<hbm>>) dst(%dma_wait3A_270 : memref<128x64xf32, #tpu.memory_space<vmem>>)
      %mul3A_275 = arith.constant 128 : i32
      %mul3A_276 = arith.muli %add3A_245, %mul3A_275 : i32
      %dma_start3A_277 = arith.constant 3 : i32
      %dma_start3A_278 = arith.constant 0 : i32
      %dma_start3A_279 = arith.constant 0 : i32
      %dma_start3A_280 = tpu.memref_slice %arg9[%dma_start3A_277, %dma_start3A_278, %dma_start3A_279] : memref<4x128x64xf32, #tpu.memory_space<vmem>> -> memref<1x128x64xf32, #tpu.memory_space<vmem>>
      %dma_start3A_281 = tpu.memref_squeeze %dma_start3A_280 : memref<1x128x64xf32, #tpu.memory_space<vmem>> -> memref<128x64xf32, #tpu.memory_space<vmem>>
      %dma_start3A_282 = tpu.memref_slice %arg8[%mul3A_276] : memref<20096xi32, #tpu.memory_space<vmem>> -> memref<128xi32, #tpu.memory_space<vmem>>
      %dma_start3A_283 = arith.constant 0 : i32
      %dma_start3A_284 = arith.constant 0 : i32
      %dma_start3A_285 = tpu.memref_slice %arg11[%dma_start3A_283, %dma_start3A_284] : memref<10240x64xf32, #tpu.memory_space<vmem_shared>> -> memref<10240x64xf32, #tpu.memory_space<vmem_shared>>
      tpu.enqueue_indirect_dma source(%dma_start3A_281 : memref<128x64xf32, #tpu.memory_space<vmem>>) target(%dma_start3A_285 : memref<10240x64xf32, #tpu.memory_space<vmem_shared>>) offsets(%dma_start3A_282 : memref<128xi32, #tpu.memory_space<vmem>>) semaphore(%arg16 : memref<!tpu.dma_semaphore, #tpu.memory_space<semaphore_mem>>) {add = true}
    }
    %scan3A_67 = arith.constant 39 : i32
    %dma_wait3A = arith.constant 3 : i32
    %dma_wait3A_68 = arith.constant 0 : i32
    %dma_wait3A_69 = arith.constant 0 : i32
    %dma_wait3A_70 = tpu.memref_slice %arg9[%dma_wait3A, %dma_wait3A_68, %dma_wait3A_69] : memref<4x128x64xf32, #tpu.memory_space<vmem>> -> memref<1x128x64xf32, #tpu.memory_space<vmem>>
    %dma_wait3A_71 = tpu.memref_squeeze %dma_wait3A_70 : memref<1x128x64xf32, #tpu.memory_space<vmem>> -> memref<128x64xf32, #tpu.memory_space<vmem>>
    %dma_wait3A_72 = arith.constant 19840 : i32
    %dma_wait3A_73 = tpu.memref_slice %arg8[%dma_wait3A_72] : memref<20096xi32, #tpu.memory_space<vmem>> -> memref<128xi32, #tpu.memory_space<vmem>>
    %dma_wait3A_74 = arith.constant 0 : i32
    %dma_wait3A_75 = arith.constant 0 : i32
    %dma_wait3A_76 = tpu.memref_slice %arg11[%dma_wait3A_74, %dma_wait3A_75] : memref<10240x64xf32, #tpu.memory_space<vmem_shared>> -> memref<10240x64xf32, #tpu.memory_space<vmem_shared>>
    tpu.wait_indirect_dma semaphore(%arg16 : memref<!tpu.dma_semaphore, #tpu.memory_space<semaphore_mem>>) src(%dma_wait3A_71 : memref<128x64xf32, #tpu.memory_space<vmem>>) dst(%dma_wait3A_76 : memref<10240x64xf32, #tpu.memory_space<vmem_shared>>)
    %convert_element_type3A_77 = arith.extui %ge3A_0 : i1 to i32
    %cond3A_78 = arith.constant 0 : i32
    %cond3A_79 = arith.cmpi ne, %convert_element_type3A_77, %cond3A_78 : i32
    scf.if %cond3A_79 {
      %run_scoped3A = arith.constant 0 : i32
      "tpu.region"() ({
        %run_scoped3A_112 = tpu.sem_alloc : memref<!tpu.dma_semaphore, #tpu.memory_space<semaphore_mem>>
        %dma_start3A_113 = arith.constant 0 : i32
        %dma_start3A_114 = arith.constant 0 : i32
        %dma_start3A_115 = tpu.memref_slice %arg9[%run_scoped3A, %dma_start3A_113, %dma_start3A_114] : memref<4x128x64xf32, #tpu.memory_space<vmem>> -> memref<1x128x64xf32, #tpu.memory_space<vmem>>
        %dma_start3A_116 = tpu.memref_squeeze %dma_start3A_115 : memref<1x128x64xf32, #tpu.memory_space<vmem>> -> memref<128x64xf32, #tpu.memory_space<vmem>>
        %dma_start3A_117 = arith.constant 19968 : i32
        %dma_start3A_118 = tpu.memref_slice %arg7[%dma_start3A_117] : memref<20096xi32, #tpu.memory_space<vmem>> -> memref<128xi32, #tpu.memory_space<vmem>>
        %dma_start3A_119 = arith.constant 0 : i32
        %dma_start3A_120 = arith.constant 0 : i32
        %dma_start3A_121 = tpu.memref_slice %arg5[%dma_start3A_119, %dma_start3A_120] : memref<20480x64xf32, #tpu.memory_space<hbm>> -> memref<20480x64xf32, #tpu.memory_space<hbm>>
        tpu.enqueue_indirect_dma source(%dma_start3A_121 : memref<20480x64xf32, #tpu.memory_space<hbm>>) target(%dma_start3A_116 : memref<128x64xf32, #tpu.memory_space<vmem>>) offsets(%dma_start3A_118 : memref<128xi32, #tpu.memory_space<vmem>>) semaphore(%run_scoped3A_112 : memref<!tpu.dma_semaphore, #tpu.memory_space<semaphore_mem>>)
        %dma_wait3A_122 = arith.constant 0 : i32
        %dma_wait3A_123 = arith.constant 0 : i32
        %dma_wait3A_124 = tpu.memref_slice %arg9[%run_scoped3A, %dma_wait3A_122, %dma_wait3A_123] : memref<4x128x64xf32, #tpu.memory_space<vmem>> -> memref<1x128x64xf32, #tpu.memory_space<vmem>>
        %dma_wait3A_125 = tpu.memref_squeeze %dma_wait3A_124 : memref<1x128x64xf32, #tpu.memory_space<vmem>> -> memref<128x64xf32, #tpu.memory_space<vmem>>
        %dma_wait3A_126 = arith.constant 19968 : i32
        %dma_wait3A_127 = tpu.memref_slice %arg7[%dma_wait3A_126] : memref<20096xi32, #tpu.memory_space<vmem>> -> memref<128xi32, #tpu.memory_space<vmem>>
        %dma_wait3A_128 = arith.constant 0 : i32
        %dma_wait3A_129 = arith.constant 0 : i32
        %dma_wait3A_130 = tpu.memref_slice %arg5[%dma_wait3A_128, %dma_wait3A_129] : memref<20480x64xf32, #tpu.memory_space<hbm>> -> memref<20480x64xf32, #tpu.memory_space<hbm>>
        tpu.wait_indirect_dma semaphore(%run_scoped3A_112 : memref<!tpu.dma_semaphore, #tpu.memory_space<semaphore_mem>>) src(%dma_wait3A_130 : memref<20480x64xf32, #tpu.memory_space<hbm>>) dst(%dma_wait3A_125 : memref<128x64xf32, #tpu.memory_space<vmem>>)
        tpu.yield
      }) : () -> ()
      %run_scoped3A_111 = arith.constant 0 : i32
      "tpu.region"() ({
        %run_scoped3A_112 = tpu.sem_alloc : memref<!tpu.dma_semaphore, #tpu.memory_space<semaphore_mem>>
        %dma_start3A_113 = arith.constant 0 : i32
        %dma_start3A_114 = arith.constant 0 : i32
        %dma_start3A_115 = tpu.memref_slice %arg9[%run_scoped3A_111, %dma_start3A_113, %dma_start3A_114] : memref<4x128x64xf32, #tpu.memory_space<vmem>> -> memref<1x128x64xf32, #tpu.memory_space<vmem>>
        %dma_start3A_116 = tpu.memref_squeeze %dma_start3A_115 : memref<1x128x64xf32, #tpu.memory_space<vmem>> -> memref<128x64xf32, #tpu.memory_space<vmem>>
        %dma_start3A_117 = arith.constant 19968 : i32
        %dma_start3A_118 = tpu.memref_slice %arg8[%dma_start3A_117] : memref<20096xi32, #tpu.memory_space<vmem>> -> memref<128xi32, #tpu.memory_space<vmem>>
        %dma_start3A_119 = arith.constant 0 : i32
        %dma_start3A_120 = arith.constant 0 : i32
        %dma_start3A_121 = tpu.memref_slice %arg11[%dma_start3A_119, %dma_start3A_120] : memref<10240x64xf32, #tpu.memory_space<vmem_shared>> -> memref<10240x64xf32, #tpu.memory_space<vmem_shared>>
        tpu.enqueue_indirect_dma source(%dma_start3A_116 : memref<128x64xf32, #tpu.memory_space<vmem>>) target(%dma_start3A_121 : memref<10240x64xf32, #tpu.memory_space<vmem_shared>>) offsets(%dma_start3A_118 : memref<128xi32, #tpu.memory_space<vmem>>) semaphore(%run_scoped3A_112 : memref<!tpu.dma_semaphore, #tpu.memory_space<semaphore_mem>>) {add = true}
        %dma_wait3A_122 = arith.constant 0 : i32
        %dma_wait3A_123 = arith.constant 0 : i32
        %dma_wait3A_124 = tpu.memref_slice %arg9[%run_scoped3A_111, %dma_wait3A_122, %dma_wait3A_123] : memref<4x128x64xf32, #tpu.memory_space<vmem>> -> memref<1x128x64xf32, #tpu.memory_space<vmem>>
        %dma_wait3A_125 = tpu.memref_squeeze %dma_wait3A_124 : memref<1x128x64xf32, #tpu.memory_space<vmem>> -> memref<128x64xf32, #tpu.memory_space<vmem>>
        %dma_wait3A_126 = arith.constant 19968 : i32
        %dma_wait3A_127 = tpu.memref_slice %arg8[%dma_wait3A_126] : memref<20096xi32, #tpu.memory_space<vmem>> -> memref<128xi32, #tpu.memory_space<vmem>>
        %dma_wait3A_128 = arith.constant 0 : i32
        %dma_wait3A_129 = arith.constant 0 : i32
        %dma_wait3A_130 = tpu.memref_slice %arg11[%dma_wait3A_128, %dma_wait3A_129] : memref<10240x64xf32, #tpu.memory_space<vmem_shared>> -> memref<10240x64xf32, #tpu.memory_space<vmem_shared>>
        tpu.wait_indirect_dma semaphore(%run_scoped3A_112 : memref<!tpu.dma_semaphore, #tpu.memory_space<semaphore_mem>>) src(%dma_wait3A_125 : memref<128x64xf32, #tpu.memory_space<vmem>>) dst(%dma_wait3A_130 : memref<10240x64xf32, #tpu.memory_space<vmem_shared>>)
        tpu.yield
      }) : () -> ()
    } else {
    }
    %barrier3A_80 = arith.constant 0 : index
    tpu.barrier barrier_id(%barrier3A_80)
    %add3A_81 = arith.constant 0 : i32
    %add3A_82 = arith.addi %mul3A_8, %add3A_81 : i32
    "tpu.region"() ({
      %run_scoped3A = tpu.sem_alloc : memref<!tpu.dma_semaphore, #tpu.memory_space<semaphore_mem>>
      %dma_start3A_111 = arith.constant 0 : i32
      %dma_start3A_112 = tpu.memref_slice %arg11[%add3A_82, %dma_start3A_111] : memref<10240x64xf32, #tpu.memory_space<vmem_shared>> -> memref<128x64xf32, #tpu.memory_space<vmem_shared>>
      %dma_start3A_113 = arith.constant 0 : i32
      %dma_start3A_114 = tpu.memref_slice %arg11[%add3A_82, %dma_start3A_113] : memref<10240x64xf32, #tpu.memory_space<vmem_shared>> -> memref<128x64xf32, #tpu.memory_space<vmem_shared>>
      tpu.enqueue_dma source(%dma_start3A_114 : memref<128x64xf32, #tpu.memory_space<vmem_shared>>) target(%arg10 : memref<128x64xf32, #tpu.memory_space<vmem>>) target_semaphore(%run_scoped3A : memref<!tpu.dma_semaphore, #tpu.memory_space<semaphore_mem>>)
      %dma_wait3A_115 = arith.constant 0 : i32
      %dma_wait3A_116 = tpu.memref_slice %arg11[%add3A_82, %dma_wait3A_115] : memref<10240x64xf32, #tpu.memory_space<vmem_shared>> -> memref<128x64xf32, #tpu.memory_space<vmem_shared>>
      %dma_wait3A_117 = arith.constant 0 : i32
      %dma_wait3A_118 = tpu.memref_slice %arg11[%add3A_82, %dma_wait3A_117] : memref<10240x64xf32, #tpu.memory_space<vmem_shared>> -> memref<128x64xf32, #tpu.memory_space<vmem_shared>>
      tpu.wait_dma2 semaphore(%run_scoped3A : memref<!tpu.dma_semaphore, #tpu.memory_space<semaphore_mem>>) src(%dma_wait3A_118 : memref<128x64xf32, #tpu.memory_space<vmem_shared>>) dst(%arg10 : memref<128x64xf32, #tpu.memory_space<vmem>>)
      tpu.yield
    }) : () -> ()
    %add3A_83 = arith.constant 0 : i32
    %add3A_84 = arith.addi %mul3A_8, %add3A_83 : i32
    %mul3A_85 = arith.constant 64 : i32
    %mul3A_86 = arith.muli %arg0, %mul3A_85 : i32
    "tpu.region"() ({
      %run_scoped3A = tpu.sem_alloc : memref<!tpu.dma_semaphore, #tpu.memory_space<semaphore_mem>>
      %dma_start3A_111 = tpu.memref_slice %arg6[%add3A_84, %mul3A_86] : memref<10240x128xf32, #tpu.memory_space<hbm>> -> memref<128x64xf32, #tpu.memory_space<hbm>>
      %dma_start3A_112 = tpu.memref_slice %arg6[%add3A_84, %mul3A_86] : memref<10240x128xf32, #tpu.memory_space<hbm>> -> memref<128x64xf32, #tpu.memory_space<hbm>>
      tpu.enqueue_dma source(%arg10 : memref<128x64xf32, #tpu.memory_space<vmem>>) target(%dma_start3A_112 : memref<128x64xf32, #tpu.memory_space<hbm>>) target_semaphore(%run_scoped3A : memref<!tpu.dma_semaphore, #tpu.memory_space<semaphore_mem>>)
      %dma_wait3A_113 = tpu.memref_slice %arg6[%add3A_84, %mul3A_86] : memref<10240x128xf32, #tpu.memory_space<hbm>> -> memref<128x64xf32, #tpu.memory_space<hbm>>
      %dma_wait3A_114 = tpu.memref_slice %arg6[%add3A_84, %mul3A_86] : memref<10240x128xf32, #tpu.memory_space<hbm>> -> memref<128x64xf32, #tpu.memory_space<hbm>>
      tpu.wait_dma2 semaphore(%run_scoped3A : memref<!tpu.dma_semaphore, #tpu.memory_space<semaphore_mem>>) src(%arg10 : memref<128x64xf32, #tpu.memory_space<vmem>>) dst(%dma_wait3A_114 : memref<128x64xf32, #tpu.memory_space<hbm>>)
      tpu.yield
    }) : () -> ()
    %add3A_87 = arith.constant 128 : i32
    %add3A_88 = arith.addi %mul3A_8, %add3A_87 : i32
    "tpu.region"() ({
      %run_scoped3A = tpu.sem_alloc : memref<!tpu.dma_semaphore, #tpu.memory_space<semaphore_mem>>
      %dma_start3A_111 = arith.constant 0 : i32
      %dma_start3A_112 = tpu.memref_slice %arg11[%add3A_88, %dma_start3A_111] : memref<10240x64xf32, #tpu.memory_space<vmem_shared>> -> memref<128x64xf32, #tpu.memory_space<vmem_shared>>
      %dma_start3A_113 = arith.constant 0 : i32
      %dma_start3A_114 = tpu.memref_slice %arg11[%add3A_88, %dma_start3A_113] : memref<10240x64xf32, #tpu.memory_space<vmem_shared>> -> memref<128x64xf32, #tpu.memory_space<vmem_shared>>
      tpu.enqueue_dma source(%dma_start3A_114 : memref<128x64xf32, #tpu.memory_space<vmem_shared>>) target(%arg10 : memref<128x64xf32, #tpu.memory_space<vmem>>) target_semaphore(%run_scoped3A : memref<!tpu.dma_semaphore, #tpu.memory_space<semaphore_mem>>)
      %dma_wait3A_115 = arith.constant 0 : i32
      %dma_wait3A_116 = tpu.memref_slice %arg11[%add3A_88, %dma_wait3A_115] : memref<10240x64xf32, #tpu.memory_space<vmem_shared>> -> memref<128x64xf32, #tpu.memory_space<vmem_shared>>
      %dma_wait3A_117 = arith.constant 0 : i32
      %dma_wait3A_118 = tpu.memref_slice %arg11[%add3A_88, %dma_wait3A_117] : memref<10240x64xf32, #tpu.memory_space<vmem_shared>> -> memref<128x64xf32, #tpu.memory_space<vmem_shared>>
      tpu.wait_dma2 semaphore(%run_scoped3A : memref<!tpu.dma_semaphore, #tpu.memory_space<semaphore_mem>>) src(%dma_wait3A_118 : memref<128x64xf32, #tpu.memory_space<vmem_shared>>) dst(%arg10 : memref<128x64xf32, #tpu.memory_space<vmem>>)
      tpu.yield
    }) : () -> ()
    %add3A_89 = arith.constant 128 : i32
    %add3A_90 = arith.addi %mul3A_8, %add3A_89 : i32
    %mul3A_91 = arith.constant 64 : i32
    %mul3A_92 = arith.muli %arg0, %mul3A_91 : i32
    "tpu.region"() ({
      %run_scoped3A = tpu.sem_alloc : memref<!tpu.dma_semaphore, #tpu.memory_space<semaphore_mem>>
      %dma_start3A_111 = tpu.memref_slice %arg6[%add3A_90, %mul3A_92] : memref<10240x128xf32, #tpu.memory_space<hbm>> -> memref<128x64xf32, #tpu.memory_space<hbm>>
      %dma_start3A_112 = tpu.memref_slice %arg6[%add3A_90, %mul3A_92] : memref<10240x128xf32, #tpu.memory_space<hbm>> -> memref<128x64xf32, #tpu.memory_space<hbm>>
      tpu.enqueue_dma source(%arg10 : memref<128x64xf32, #tpu.memory_space<vmem>>) target(%dma_start3A_112 : memref<128x64xf32, #tpu.memory_space<hbm>>) target_semaphore(%run_scoped3A : memref<!tpu.dma_semaphore, #tpu.memory_space<semaphore_mem>>)
      %dma_wait3A_113 = tpu.memref_slice %arg6[%add3A_90, %mul3A_92] : memref<10240x128xf32, #tpu.memory_space<hbm>> -> memref<128x64xf32, #tpu.memory_space<hbm>>
      %dma_wait3A_114 = tpu.memref_slice %arg6[%add3A_90, %mul3A_92] : memref<10240x128xf32, #tpu.memory_space<hbm>> -> memref<128x64xf32, #tpu.memory_space<hbm>>
      tpu.wait_dma2 semaphore(%run_scoped3A : memref<!tpu.dma_semaphore, #tpu.memory_space<semaphore_mem>>) src(%arg10 : memref<128x64xf32, #tpu.memory_space<vmem>>) dst(%dma_wait3A_114 : memref<128x64xf32, #tpu.memory_space<hbm>>)
      tpu.yield
    }) : () -> ()
    %add3A_93 = arith.constant 256 : i32
    %add3A_94 = arith.addi %mul3A_8, %add3A_93 : i32
    "tpu.region"() ({
      %run_scoped3A = tpu.sem_alloc : memref<!tpu.dma_semaphore, #tpu.memory_space<semaphore_mem>>
      %dma_start3A_111 = arith.constant 0 : i32
      %dma_start3A_112 = tpu.memref_slice %arg11[%add3A_94, %dma_start3A_111] : memref<10240x64xf32, #tpu.memory_space<vmem_shared>> -> memref<128x64xf32, #tpu.memory_space<vmem_shared>>
      %dma_start3A_113 = arith.constant 0 : i32
      %dma_start3A_114 = tpu.memref_slice %arg11[%add3A_94, %dma_start3A_113] : memref<10240x64xf32, #tpu.memory_space<vmem_shared>> -> memref<128x64xf32, #tpu.memory_space<vmem_shared>>
      tpu.enqueue_dma source(%dma_start3A_114 : memref<128x64xf32, #tpu.memory_space<vmem_shared>>) target(%arg10 : memref<128x64xf32, #tpu.memory_space<vmem>>) target_semaphore(%run_scoped3A : memref<!tpu.dma_semaphore, #tpu.memory_space<semaphore_mem>>)
      %dma_wait3A_115 = arith.constant 0 : i32
      %dma_wait3A_116 = tpu.memref_slice %arg11[%add3A_94, %dma_wait3A_115] : memref<10240x64xf32, #tpu.memory_space<vmem_shared>> -> memref<128x64xf32, #tpu.memory_space<vmem_shared>>
      %dma_wait3A_117 = arith.constant 0 : i32
      %dma_wait3A_118 = tpu.memref_slice %arg11[%add3A_94, %dma_wait3A_117] : memref<10240x64xf32, #tpu.memory_space<vmem_shared>> -> memref<128x64xf32, #tpu.memory_space<vmem_shared>>
      tpu.wait_dma2 semaphore(%run_scoped3A : memref<!tpu.dma_semaphore, #tpu.memory_space<semaphore_mem>>) src(%dma_wait3A_118 : memref<128x64xf32, #tpu.memory_space<vmem_shared>>) dst(%arg10 : memref<128x64xf32, #tpu.memory_space<vmem>>)
      tpu.yield
    }) : () -> ()
    %add3A_95 = arith.constant 256 : i32
    %add3A_96 = arith.addi %mul3A_8, %add3A_95 : i32
    %mul3A_97 = arith.constant 64 : i32
    %mul3A_98 = arith.muli %arg0, %mul3A_97 : i32
    "tpu.region"() ({
      %run_scoped3A = tpu.sem_alloc : memref<!tpu.dma_semaphore, #tpu.memory_space<semaphore_mem>>
      %dma_start3A_111 = tpu.memref_slice %arg6[%add3A_96, %mul3A_98] : memref<10240x128xf32, #tpu.memory_space<hbm>> -> memref<128x64xf32, #tpu.memory_space<hbm>>
      %dma_start3A_112 = tpu.memref_slice %arg6[%add3A_96, %mul3A_98] : memref<10240x128xf32, #tpu.memory_space<hbm>> -> memref<128x64xf32, #tpu.memory_space<hbm>>
      tpu.enqueue_dma source(%arg10 : memref<128x64xf32, #tpu.memory_space<vmem>>) target(%dma_start3A_112 : memref<128x64xf32, #tpu.memory_space<hbm>>) target_semaphore(%run_scoped3A : memref<!tpu.dma_semaphore, #tpu.memory_space<semaphore_mem>>)
      %dma_wait3A_113 = tpu.memref_slice %arg6[%add3A_96, %mul3A_98] : memref<10240x128xf32, #tpu.memory_space<hbm>> -> memref<128x64xf32, #tpu.memory_space<hbm>>
      %dma_wait3A_114 = tpu.memref_slice %arg6[%add3A_96, %mul3A_98] : memref<10240x128xf32, #tpu.memory_space<hbm>> -> memref<128x64xf32, #tpu.memory_space<hbm>>
      tpu.wait_dma2 semaphore(%run_scoped3A : memref<!tpu.dma_semaphore, #tpu.memory_space<semaphore_mem>>) src(%arg10 : memref<128x64xf32, #tpu.memory_space<vmem>>) dst(%dma_wait3A_114 : memref<128x64xf32, #tpu.memory_space<hbm>>)
      tpu.yield
    }) : () -> ()
    %add3A_99 = arith.constant 384 : i32
    %add3A_100 = arith.addi %mul3A_8, %add3A_99 : i32
    "tpu.region"() ({
      %run_scoped3A = tpu.sem_alloc : memref<!tpu.dma_semaphore, #tpu.memory_space<semaphore_mem>>
      %dma_start3A_111 = arith.constant 0 : i32
      %dma_start3A_112 = tpu.memref_slice %arg11[%add3A_100, %dma_start3A_111] : memref<10240x64xf32, #tpu.memory_space<vmem_shared>> -> memref<128x64xf32, #tpu.memory_space<vmem_shared>>
      %dma_start3A_113 = arith.constant 0 : i32
      %dma_start3A_114 = tpu.memref_slice %arg11[%add3A_100, %dma_start3A_113] : memref<10240x64xf32, #tpu.memory_space<vmem_shared>> -> memref<128x64xf32, #tpu.memory_space<vmem_shared>>
      tpu.enqueue_dma source(%dma_start3A_114 : memref<128x64xf32, #tpu.memory_space<vmem_shared>>) target(%arg10 : memref<128x64xf32, #tpu.memory_space<vmem>>) target_semaphore(%run_scoped3A : memref<!tpu.dma_semaphore, #tpu.memory_space<semaphore_mem>>)
      %dma_wait3A_115 = arith.constant 0 : i32
      %dma_wait3A_116 = tpu.memref_slice %arg11[%add3A_100, %dma_wait3A_115] : memref<10240x64xf32, #tpu.memory_space<vmem_shared>> -> memref<128x64xf32, #tpu.memory_space<vmem_shared>>
      %dma_wait3A_117 = arith.constant 0 : i32
      %dma_wait3A_118 = tpu.memref_slice %arg11[%add3A_100, %dma_wait3A_117] : memref<10240x64xf32, #tpu.memory_space<vmem_shared>> -> memref<128x64xf32, #tpu.memory_space<vmem_shared>>
      tpu.wait_dma2 semaphore(%run_scoped3A : memref<!tpu.dma_semaphore, #tpu.memory_space<semaphore_mem>>) src(%dma_wait3A_118 : memref<128x64xf32, #tpu.memory_space<vmem_shared>>) dst(%arg10 : memref<128x64xf32, #tpu.memory_space<vmem>>)
      tpu.yield
    }) : () -> ()
    %add3A_101 = arith.constant 384 : i32
    %add3A_102 = arith.addi %mul3A_8, %add3A_101 : i32
    %mul3A_103 = arith.constant 64 : i32
    %mul3A_104 = arith.muli %arg0, %mul3A_103 : i32
    "tpu.region"() ({
      %run_scoped3A = tpu.sem_alloc : memref<!tpu.dma_semaphore, #tpu.memory_space<semaphore_mem>>
      %dma_start3A_111 = tpu.memref_slice %arg6[%add3A_102, %mul3A_104] : memref<10240x128xf32, #tpu.memory_space<hbm>> -> memref<128x64xf32, #tpu.memory_space<hbm>>
      %dma_start3A_112 = tpu.memref_slice %arg6[%add3A_102, %mul3A_104] : memref<10240x128xf32, #tpu.memory_space<hbm>> -> memref<128x64xf32, #tpu.memory_space<hbm>>
      tpu.enqueue_dma source(%arg10 : memref<128x64xf32, #tpu.memory_space<vmem>>) target(%dma_start3A_112 : memref<128x64xf32, #tpu.memory_space<hbm>>) target_semaphore(%run_scoped3A : memref<!tpu.dma_semaphore, #tpu.memory_space<semaphore_mem>>)
      %dma_wait3A_113 = tpu.memref_slice %arg6[%add3A_102, %mul3A_104] : memref<10240x128xf32, #tpu.memory_space<hbm>> -> memref<128x64xf32, #tpu.memory_space<hbm>>
      %dma_wait3A_114 = tpu.memref_slice %arg6[%add3A_102, %mul3A_104] : memref<10240x128xf32, #tpu.memory_space<hbm>> -> memref<128x64xf32, #tpu.memory_space<hbm>>
      tpu.wait_dma2 semaphore(%run_scoped3A : memref<!tpu.dma_semaphore, #tpu.memory_space<semaphore_mem>>) src(%arg10 : memref<128x64xf32, #tpu.memory_space<vmem>>) dst(%dma_wait3A_114 : memref<128x64xf32, #tpu.memory_space<hbm>>)
      tpu.yield
    }) : () -> ()
    %add3A_105 = arith.constant 512 : i32
    %add3A_106 = arith.addi %mul3A_8, %add3A_105 : i32
    "tpu.region"() ({
      %run_scoped3A = tpu.sem_alloc : memref<!tpu.dma_semaphore, #tpu.memory_space<semaphore_mem>>
      %dma_start3A_111 = arith.constant 0 : i32
      %dma_start3A_112 = tpu.memref_slice %arg11[%add3A_106, %dma_start3A_111] : memref<10240x64xf32, #tpu.memory_space<vmem_shared>> -> memref<128x64xf32, #tpu.memory_space<vmem_shared>>
      %dma_start3A_113 = arith.constant 0 : i32
      %dma_start3A_114 = tpu.memref_slice %arg11[%add3A_106, %dma_start3A_113] : memref<10240x64xf32, #tpu.memory_space<vmem_shared>> -> memref<128x64xf32, #tpu.memory_space<vmem_shared>>
      tpu.enqueue_dma source(%dma_start3A_114 : memref<128x64xf32, #tpu.memory_space<vmem_shared>>) target(%arg10 : memref<128x64xf32, #tpu.memory_space<vmem>>) target_semaphore(%run_scoped3A : memref<!tpu.dma_semaphore, #tpu.memory_space<semaphore_mem>>)
      %dma_wait3A_115 = arith.constant 0 : i32
      %dma_wait3A_116 = tpu.memref_slice %arg11[%add3A_106, %dma_wait3A_115] : memref<10240x64xf32, #tpu.memory_space<vmem_shared>> -> memref<128x64xf32, #tpu.memory_space<vmem_shared>>
      %dma_wait3A_117 = arith.constant 0 : i32
      %dma_wait3A_118 = tpu.memref_slice %arg11[%add3A_106, %dma_wait3A_117] : memref<10240x64xf32, #tpu.memory_space<vmem_shared>> -> memref<128x64xf32, #tpu.memory_space<vmem_shared>>
      tpu.wait_dma2 semaphore(%run_scoped3A : memref<!tpu.dma_semaphore, #tpu.memory_space<semaphore_mem>>) src(%dma_wait3A_118 : memref<128x64xf32, #tpu.memory_space<vmem_shared>>) dst(%arg10 : memref<128x64xf32, #tpu.memory_space<vmem>>)
      tpu.yield
    }) : () -> ()
    %add3A_107 = arith.constant 512 : i32
    %add3A_108 = arith.addi %mul3A_8, %add3A_107 : i32
    %mul3A_109 = arith.constant 64 : i32
    %mul3A_110 = arith.muli %arg0, %mul3A_109 : i32
    "tpu.region"() ({
      %run_scoped3A = tpu.sem_alloc : memref<!tpu.dma_semaphore, #tpu.memory_space<semaphore_mem>>
      %dma_start3A_111 = tpu.memref_slice %arg6[%add3A_108, %mul3A_110] : memref<10240x128xf32, #tpu.memory_space<hbm>> -> memref<128x64xf32, #tpu.memory_space<hbm>>
      %dma_start3A_112 = tpu.memref_slice %arg6[%add3A_108, %mul3A_110] : memref<10240x128xf32, #tpu.memory_space<hbm>> -> memref<128x64xf32, #tpu.memory_space<hbm>>
      tpu.enqueue_dma source(%arg10 : memref<128x64xf32, #tpu.memory_space<vmem>>) target(%dma_start3A_112 : memref<128x64xf32, #tpu.memory_space<hbm>>) target_semaphore(%run_scoped3A : memref<!tpu.dma_semaphore, #tpu.memory_space<semaphore_mem>>)
      %dma_wait3A_113 = tpu.memref_slice %arg6[%add3A_108, %mul3A_110] : memref<10240x128xf32, #tpu.memory_space<hbm>> -> memref<128x64xf32, #tpu.memory_space<hbm>>
      %dma_wait3A_114 = tpu.memref_slice %arg6[%add3A_108, %mul3A_110] : memref<10240x128xf32, #tpu.memory_space<hbm>> -> memref<128x64xf32, #tpu.memory_space<hbm>>
      tpu.wait_dma2 semaphore(%run_scoped3A : memref<!tpu.dma_semaphore, #tpu.memory_space<semaphore_mem>>) src(%arg10 : memref<128x64xf32, #tpu.memory_space<vmem>>) dst(%dma_wait3A_114 : memref<128x64xf32, #tpu.memory_space<hbm>>)
      tpu.yield
    }) : () -> ()
    return
  }
}

#map = affine_map<(d0, d1) -> (0, 0, 0)>
#map1 = affine_map<(d0, d1) -> (0, 0)>
#map2 = affine_map<(d0, d1) -> (0)>
module attributes {stable_mosaic.version = 14 : i64} {
  func.func @_sc_deg(%arg0: i32, %arg1: i32, %arg2: memref<2x2500x128xi32, #tpu.memory_space<hbm>>, %arg3: memref<2500x128xi32, #tpu.memory_space<hbm>>, %arg4: memref<2500x128xi32, #tpu.memory_space<hbm>>, %arg5: memref<20480xf32, #tpu.memory_space<hbm>>, %arg6: memref<79x128xi32, #tpu.memory_space<vmem>>, %arg7: memref<79x128xi32, #tpu.memory_space<vmem>>, %arg8: memref<79x128xi32, #tpu.memory_space<vmem>>, %arg9: memref<79x128xi32, #tpu.memory_space<vmem>>, %arg10: memref<79x128xf32, #tpu.memory_space<vmem>>, %arg11: memref<640xf32, #tpu.memory_space<vmem>>, %arg12: memref<10240xf32, #tpu.memory_space<vmem_shared>>, %arg13: memref<!tpu.dma_semaphore, #tpu.memory_space<semaphore_mem>>) attributes {dimension_semantics = [#tpu.dimension_semantics<core_parallel>, #tpu.dimension_semantics<subcore_parallel>], iteration_bounds = array<i64: 2, 16>, scalar_prefetch = 0 : i64, scratch_operands = 8 : i64, tpu.core_type = #tpu.core_type<sc_vector_subcore>, window_params = [{transform_indices = #map}, {transform_indices = #map1}, {transform_indices = #map1}, {transform_indices = #map2}]} {
    %mul3A = arith.constant 16 : i32
    %mul3A_0 = arith.muli %arg0, %mul3A : i32
    %add3A = arith.addi %mul3A_0, %arg1 : i32
    %ge3A = arith.constant 28 : i32
    %ge3A_1 = arith.cmpi sge, %add3A, %ge3A : i32
    %add3A_2 = arith.constant 2496 : i32
    %add3A_3 = arith.addi %add3A_2, %add3A : i32
    %sub3A = arith.constant 28 : i32
    %sub3A_4 = arith.subi %add3A_3, %sub3A : i32
    %scan3A = arith.constant 0 : i32
    %scan3A_5 = arith.constant 0 : i32
    %scan3A_6 = arith.constant 40 : i32
    %scan3A_7 = arith.addi %scan3A_5, %scan3A_6 : i32
    %scan3A_8 = arith.constant 1 : i32
    scf.for %scan3A_51 = %scan3A_5 to %scan3A_7 step %scan3A_8  : i32 {
      %broadcast_in_dim3A = arith.constant 0.000000e+00 : f32
      %broadcast_in_dim3A_52 = vector.broadcast %broadcast_in_dim3A : f32 to vector<16xf32>
      %mul3A_53 = arith.constant 16 : i32
      %mul3A_54 = arith.muli %scan3A_51, %mul3A_53 : i32
      %swap3A = arith.index_cast %mul3A_54 : i32 to index
      %swap3A_55 = tpu.vector_load %arg11[%swap3A] {strides = array<i32>} : memref<640xf32, #tpu.memory_space<vmem>>, vector<16xf32>,
      %swap3A_56 = vector.shape_cast %swap3A_55 : vector<16xf32> to vector<16xf32>
      %swap3A_57 = vector.shape_cast %broadcast_in_dim3A_52 : vector<16xf32> to vector<16xf32>
      tpu.vector_store %arg11[%swap3A], %swap3A_57 {strides = array<i32>} : memref<640xf32, #tpu.memory_space<vmem>>, vector<16xf32>,
    }
    %scan3A_9 = arith.constant 40 : i32
    %mul3A_10 = arith.constant 640 : i32
    %mul3A_11 = arith.muli %arg1, %mul3A_10 : i32
    "tpu.region"() ({
      %run_scoped3A_51 = tpu.sem_alloc : memref<!tpu.dma_semaphore, #tpu.memory_space<semaphore_mem>>
      %dma_start3A = tpu.memref_slice %arg12[%mul3A_11] : memref<10240xf32, #tpu.memory_space<vmem_shared>> -> memref<640xf32, #tpu.memory_space<vmem_shared>>
      %dma_start3A_52 = tpu.memref_slice %arg12[%mul3A_11] : memref<10240xf32, #tpu.memory_space<vmem_shared>> -> memref<640xf32, #tpu.memory_space<vmem_shared>>
      tpu.enqueue_dma source(%arg11 : memref<640xf32, #tpu.memory_space<vmem>>) target(%dma_start3A_52 : memref<640xf32, #tpu.memory_space<vmem_shared>>) target_semaphore(%run_scoped3A_51 : memref<!tpu.dma_semaphore, #tpu.memory_space<semaphore_mem>>)
      %dma_wait3A = tpu.memref_slice %arg12[%mul3A_11] : memref<10240xf32, #tpu.memory_space<vmem_shared>> -> memref<640xf32, #tpu.memory_space<vmem_shared>>
      %dma_wait3A_53 = tpu.memref_slice %arg12[%mul3A_11] : memref<10240xf32, #tpu.memory_space<vmem_shared>> -> memref<640xf32, #tpu.memory_space<vmem_shared>>
      tpu.wait_dma2 semaphore(%run_scoped3A_51 : memref<!tpu.dma_semaphore, #tpu.memory_space<semaphore_mem>>) src(%arg11 : memref<640xf32, #tpu.memory_space<vmem>>) dst(%dma_wait3A_53 : memref<640xf32, #tpu.memory_space<vmem_shared>>)
      tpu.yield
    }) : () -> ()
    %barrier3A = arith.constant 0 : index
    tpu.barrier barrier_id(%barrier3A)
    %mul3A_12 = arith.constant 78 : i32
    %mul3A_13 = arith.muli %add3A, %mul3A_12 : i32
    %run_scoped3A = arith.constant 0 : i32
    "tpu.region"() ({
      %run_scoped3A_51 = tpu.sem_alloc : memref<!tpu.dma_semaphore, #tpu.memory_space<semaphore_mem>>
      %dma_start3A = arith.constant 0 : i32
      %dma_start3A_52 = arith.constant 0 : i32
      %dma_start3A_53 = tpu.memref_slice %arg6[%dma_start3A, %dma_start3A_52] : memref<79x128xi32, #tpu.memory_space<vmem>> -> memref<78x128xi32, #tpu.memory_space<vmem>>
      %dma_start3A_54 = arith.constant 0 : i32
      %dma_start3A_55 = tpu.memref_slice %arg2[%run_scoped3A, %mul3A_13, %dma_start3A_54] : memref<2x2500x128xi32, #tpu.memory_space<hbm>> -> memref<1x78x128xi32, #tpu.memory_space<hbm>>
      %dma_start3A_56 = tpu.memref_squeeze %dma_start3A_55 : memref<1x78x128xi32, #tpu.memory_space<hbm>> -> memref<78x128xi32, #tpu.memory_space<hbm>>
      %dma_start3A_57 = arith.constant 0 : i32
      %dma_start3A_58 = arith.constant 0 : i32
      %dma_start3A_59 = tpu.memref_slice %arg6[%dma_start3A_57, %dma_start3A_58] : memref<79x128xi32, #tpu.memory_space<vmem>> -> memref<78x128xi32, #tpu.memory_space<vmem>>
      %dma_start3A_60 = arith.constant 0 : i32
      %dma_start3A_61 = tpu.memref_slice %arg2[%run_scoped3A, %mul3A_13, %dma_start3A_60] : memref<2x2500x128xi32, #tpu.memory_space<hbm>> -> memref<1x78x128xi32, #tpu.memory_space<hbm>>
      %dma_start3A_62 = tpu.memref_squeeze %dma_start3A_61 : memref<1x78x128xi32, #tpu.memory_space<hbm>> -> memref<78x128xi32, #tpu.memory_space<hbm>>
      tpu.enqueue_dma source(%dma_start3A_62 : memref<78x128xi32, #tpu.memory_space<hbm>>) target(%dma_start3A_59 : memref<78x128xi32, #tpu.memory_space<vmem>>) target_semaphore(%run_scoped3A_51 : memref<!tpu.dma_semaphore, #tpu.memory_space<semaphore_mem>>)
      %dma_wait3A = arith.constant 0 : i32
      %dma_wait3A_63 = arith.constant 0 : i32
      %dma_wait3A_64 = tpu.memref_slice %arg6[%dma_wait3A, %dma_wait3A_63] : memref<79x128xi32, #tpu.memory_space<vmem>> -> memref<78x128xi32, #tpu.memory_space<vmem>>
      %dma_wait3A_65 = arith.constant 0 : i32
      %dma_wait3A_66 = tpu.memref_slice %arg2[%run_scoped3A, %mul3A_13, %dma_wait3A_65] : memref<2x2500x128xi32, #tpu.memory_space<hbm>> -> memref<1x78x128xi32, #tpu.memory_space<hbm>>
      %dma_wait3A_67 = tpu.memref_squeeze %dma_wait3A_66 : memref<1x78x128xi32, #tpu.memory_space<hbm>> -> memref<78x128xi32, #tpu.memory_space<hbm>>
      %dma_wait3A_68 = arith.constant 0 : i32
      %dma_wait3A_69 = arith.constant 0 : i32
      %dma_wait3A_70 = tpu.memref_slice %arg6[%dma_wait3A_68, %dma_wait3A_69] : memref<79x128xi32, #tpu.memory_space<vmem>> -> memref<78x128xi32, #tpu.memory_space<vmem>>
      %dma_wait3A_71 = arith.constant 0 : i32
      %dma_wait3A_72 = tpu.memref_slice %arg2[%run_scoped3A, %mul3A_13, %dma_wait3A_71] : memref<2x2500x128xi32, #tpu.memory_space<hbm>> -> memref<1x78x128xi32, #tpu.memory_space<hbm>>
      %dma_wait3A_73 = tpu.memref_squeeze %dma_wait3A_72 : memref<1x78x128xi32, #tpu.memory_space<hbm>> -> memref<78x128xi32, #tpu.memory_space<hbm>>
      tpu.wait_dma2 semaphore(%run_scoped3A_51 : memref<!tpu.dma_semaphore, #tpu.memory_space<semaphore_mem>>) src(%dma_wait3A_73 : memref<78x128xi32, #tpu.memory_space<hbm>>) dst(%dma_wait3A_70 : memref<78x128xi32, #tpu.memory_space<vmem>>)
      tpu.yield
    }) : () -> ()
    %mul3A_14 = arith.constant 78 : i32
    %mul3A_15 = arith.muli %add3A, %mul3A_14 : i32
    %run_scoped3A_16 = arith.constant 1 : i32
    "tpu.region"() ({
      %run_scoped3A_51 = tpu.sem_alloc : memref<!tpu.dma_semaphore, #tpu.memory_space<semaphore_mem>>
      %dma_start3A = arith.constant 0 : i32
      %dma_start3A_52 = arith.constant 0 : i32
      %dma_start3A_53 = tpu.memref_slice %arg7[%dma_start3A, %dma_start3A_52] : memref<79x128xi32, #tpu.memory_space<vmem>> -> memref<78x128xi32, #tpu.memory_space<vmem>>
      %dma_start3A_54 = arith.constant 0 : i32
      %dma_start3A_55 = tpu.memref_slice %arg2[%run_scoped3A_16, %mul3A_15, %dma_start3A_54] : memref<2x2500x128xi32, #tpu.memory_space<hbm>> -> memref<1x78x128xi32, #tpu.memory_space<hbm>>
      %dma_start3A_56 = tpu.memref_squeeze %dma_start3A_55 : memref<1x78x128xi32, #tpu.memory_space<hbm>> -> memref<78x128xi32, #tpu.memory_space<hbm>>
      %dma_start3A_57 = arith.constant 0 : i32
      %dma_start3A_58 = arith.constant 0 : i32
      %dma_start3A_59 = tpu.memref_slice %arg7[%dma_start3A_57, %dma_start3A_58] : memref<79x128xi32, #tpu.memory_space<vmem>> -> memref<78x128xi32, #tpu.memory_space<vmem>>
      %dma_start3A_60 = arith.constant 0 : i32
      %dma_start3A_61 = tpu.memref_slice %arg2[%run_scoped3A_16, %mul3A_15, %dma_start3A_60] : memref<2x2500x128xi32, #tpu.memory_space<hbm>> -> memref<1x78x128xi32, #tpu.memory_space<hbm>>
      %dma_start3A_62 = tpu.memref_squeeze %dma_start3A_61 : memref<1x78x128xi32, #tpu.memory_space<hbm>> -> memref<78x128xi32, #tpu.memory_space<hbm>>
      tpu.enqueue_dma source(%dma_start3A_62 : memref<78x128xi32, #tpu.memory_space<hbm>>) target(%dma_start3A_59 : memref<78x128xi32, #tpu.memory_space<vmem>>) target_semaphore(%run_scoped3A_51 : memref<!tpu.dma_semaphore, #tpu.memory_space<semaphore_mem>>)
      %dma_wait3A = arith.constant 0 : i32
      %dma_wait3A_63 = arith.constant 0 : i32
      %dma_wait3A_64 = tpu.memref_slice %arg7[%dma_wait3A, %dma_wait3A_63] : memref<79x128xi32, #tpu.memory_space<vmem>> -> memref<78x128xi32, #tpu.memory_space<vmem>>
      %dma_wait3A_65 = arith.constant 0 : i32
      %dma_wait3A_66 = tpu.memref_slice %arg2[%run_scoped3A_16, %mul3A_15, %dma_wait3A_65] : memref<2x2500x128xi32, #tpu.memory_space<hbm>> -> memref<1x78x128xi32, #tpu.memory_space<hbm>>
      %dma_wait3A_67 = tpu.memref_squeeze %dma_wait3A_66 : memref<1x78x128xi32, #tpu.memory_space<hbm>> -> memref<78x128xi32, #tpu.memory_space<hbm>>
      %dma_wait3A_68 = arith.constant 0 : i32
      %dma_wait3A_69 = arith.constant 0 : i32
      %dma_wait3A_70 = tpu.memref_slice %arg7[%dma_wait3A_68, %dma_wait3A_69] : memref<79x128xi32, #tpu.memory_space<vmem>> -> memref<78x128xi32, #tpu.memory_space<vmem>>
      %dma_wait3A_71 = arith.constant 0 : i32
      %dma_wait3A_72 = tpu.memref_slice %arg2[%run_scoped3A_16, %mul3A_15, %dma_wait3A_71] : memref<2x2500x128xi32, #tpu.memory_space<hbm>> -> memref<1x78x128xi32, #tpu.memory_space<hbm>>
      %dma_wait3A_73 = tpu.memref_squeeze %dma_wait3A_72 : memref<1x78x128xi32, #tpu.memory_space<hbm>> -> memref<78x128xi32, #tpu.memory_space<hbm>>
      tpu.wait_dma2 semaphore(%run_scoped3A_51 : memref<!tpu.dma_semaphore, #tpu.memory_space<semaphore_mem>>) src(%dma_wait3A_73 : memref<78x128xi32, #tpu.memory_space<hbm>>) dst(%dma_wait3A_70 : memref<78x128xi32, #tpu.memory_space<vmem>>)
      tpu.yield
    }) : () -> ()
    %convert_element_type3A = arith.extui %ge3A_1 : i1 to i32
    %cond3A = arith.constant 0 : i32
    %cond3A_17 = arith.cmpi ne, %convert_element_type3A, %cond3A : i32
    scf.if %cond3A_17 {
      %run_scoped3A_51 = arith.constant 0 : i32
      "tpu.region"() ({
        %run_scoped3A_53 = tpu.sem_alloc : memref<!tpu.dma_semaphore, #tpu.memory_space<semaphore_mem>>
        %dma_start3A = arith.constant 78 : i32
        %dma_start3A_54 = arith.constant 0 : i32
        %dma_start3A_55 = tpu.memref_slice %arg6[%dma_start3A, %dma_start3A_54] : memref<79x128xi32, #tpu.memory_space<vmem>> -> memref<1x128xi32, #tpu.memory_space<vmem>>
        %dma_start3A_56 = arith.constant 0 : i32
        %dma_start3A_57 = tpu.memref_slice %arg2[%run_scoped3A_51, %sub3A_4, %dma_start3A_56] : memref<2x2500x128xi32, #tpu.memory_space<hbm>> -> memref<1x1x128xi32, #tpu.memory_space<hbm>>
        %dma_start3A_58 = tpu.memref_squeeze %dma_start3A_57 : memref<1x1x128xi32, #tpu.memory_space<hbm>> -> memref<1x128xi32, #tpu.memory_space<hbm>>
        %dma_start3A_59 = arith.constant 78 : i32
        %dma_start3A_60 = arith.constant 0 : i32
        %dma_start3A_61 = tpu.memref_slice %arg6[%dma_start3A_59, %dma_start3A_60] : memref<79x128xi32, #tpu.memory_space<vmem>> -> memref<1x128xi32, #tpu.memory_space<vmem>>
        %dma_start3A_62 = arith.constant 0 : i32
        %dma_start3A_63 = tpu.memref_slice %arg2[%run_scoped3A_51, %sub3A_4, %dma_start3A_62] : memref<2x2500x128xi32, #tpu.memory_space<hbm>> -> memref<1x1x128xi32, #tpu.memory_space<hbm>>
        %dma_start3A_64 = tpu.memref_squeeze %dma_start3A_63 : memref<1x1x128xi32, #tpu.memory_space<hbm>> -> memref<1x128xi32, #tpu.memory_space<hbm>>
        tpu.enqueue_dma source(%dma_start3A_64 : memref<1x128xi32, #tpu.memory_space<hbm>>) target(%dma_start3A_61 : memref<1x128xi32, #tpu.memory_space<vmem>>) target_semaphore(%run_scoped3A_53 : memref<!tpu.dma_semaphore, #tpu.memory_space<semaphore_mem>>)
        %dma_wait3A = arith.constant 78 : i32
        %dma_wait3A_65 = arith.constant 0 : i32
        %dma_wait3A_66 = tpu.memref_slice %arg6[%dma_wait3A, %dma_wait3A_65] : memref<79x128xi32, #tpu.memory_space<vmem>> -> memref<1x128xi32, #tpu.memory_space<vmem>>
        %dma_wait3A_67 = arith.constant 0 : i32
        %dma_wait3A_68 = tpu.memref_slice %arg2[%run_scoped3A_51, %sub3A_4, %dma_wait3A_67] : memref<2x2500x128xi32, #tpu.memory_space<hbm>> -> memref<1x1x128xi32, #tpu.memory_space<hbm>>
        %dma_wait3A_69 = tpu.memref_squeeze %dma_wait3A_68 : memref<1x1x128xi32, #tpu.memory_space<hbm>> -> memref<1x128xi32, #tpu.memory_space<hbm>>
        %dma_wait3A_70 = arith.constant 78 : i32
        %dma_wait3A_71 = arith.constant 0 : i32
        %dma_wait3A_72 = tpu.memref_slice %arg6[%dma_wait3A_70, %dma_wait3A_71] : memref<79x128xi32, #tpu.memory_space<vmem>> -> memref<1x128xi32, #tpu.memory_space<vmem>>
        %dma_wait3A_73 = arith.constant 0 : i32
        %dma_wait3A_74 = tpu.memref_slice %arg2[%run_scoped3A_51, %sub3A_4, %dma_wait3A_73] : memref<2x2500x128xi32, #tpu.memory_space<hbm>> -> memref<1x1x128xi32, #tpu.memory_space<hbm>>
        %dma_wait3A_75 = tpu.memref_squeeze %dma_wait3A_74 : memref<1x1x128xi32, #tpu.memory_space<hbm>> -> memref<1x128xi32, #tpu.memory_space<hbm>>
        tpu.wait_dma2 semaphore(%run_scoped3A_53 : memref<!tpu.dma_semaphore, #tpu.memory_space<semaphore_mem>>) src(%dma_wait3A_75 : memref<1x128xi32, #tpu.memory_space<hbm>>) dst(%dma_wait3A_72 : memref<1x128xi32, #tpu.memory_space<vmem>>)
        tpu.yield
      }) : () -> ()
      %run_scoped3A_52 = arith.constant 1 : i32
      "tpu.region"() ({
        %run_scoped3A_53 = tpu.sem_alloc : memref<!tpu.dma_semaphore, #tpu.memory_space<semaphore_mem>>
        %dma_start3A = arith.constant 78 : i32
        %dma_start3A_54 = arith.constant 0 : i32
        %dma_start3A_55 = tpu.memref_slice %arg7[%dma_start3A, %dma_start3A_54] : memref<79x128xi32, #tpu.memory_space<vmem>> -> memref<1x128xi32, #tpu.memory_space<vmem>>
        %dma_start3A_56 = arith.constant 0 : i32
        %dma_start3A_57 = tpu.memref_slice %arg2[%run_scoped3A_52, %sub3A_4, %dma_start3A_56] : memref<2x2500x128xi32, #tpu.memory_space<hbm>> -> memref<1x1x128xi32, #tpu.memory_space<hbm>>
        %dma_start3A_58 = tpu.memref_squeeze %dma_start3A_57 : memref<1x1x128xi32, #tpu.memory_space<hbm>> -> memref<1x128xi32, #tpu.memory_space<hbm>>
        %dma_start3A_59 = arith.constant 78 : i32
        %dma_start3A_60 = arith.constant 0 : i32
        %dma_start3A_61 = tpu.memref_slice %arg7[%dma_start3A_59, %dma_start3A_60] : memref<79x128xi32, #tpu.memory_space<vmem>> -> memref<1x128xi32, #tpu.memory_space<vmem>>
        %dma_start3A_62 = arith.constant 0 : i32
        %dma_start3A_63 = tpu.memref_slice %arg2[%run_scoped3A_52, %sub3A_4, %dma_start3A_62] : memref<2x2500x128xi32, #tpu.memory_space<hbm>> -> memref<1x1x128xi32, #tpu.memory_space<hbm>>
        %dma_start3A_64 = tpu.memref_squeeze %dma_start3A_63 : memref<1x1x128xi32, #tpu.memory_space<hbm>> -> memref<1x128xi32, #tpu.memory_space<hbm>>
        tpu.enqueue_dma source(%dma_start3A_64 : memref<1x128xi32, #tpu.memory_space<hbm>>) target(%dma_start3A_61 : memref<1x128xi32, #tpu.memory_space<vmem>>) target_semaphore(%run_scoped3A_53 : memref<!tpu.dma_semaphore, #tpu.memory_space<semaphore_mem>>)
        %dma_wait3A = arith.constant 78 : i32
        %dma_wait3A_65 = arith.constant 0 : i32
        %dma_wait3A_66 = tpu.memref_slice %arg7[%dma_wait3A, %dma_wait3A_65] : memref<79x128xi32, #tpu.memory_space<vmem>> -> memref<1x128xi32, #tpu.memory_space<vmem>>
        %dma_wait3A_67 = arith.constant 0 : i32
        %dma_wait3A_68 = tpu.memref_slice %arg2[%run_scoped3A_52, %sub3A_4, %dma_wait3A_67] : memref<2x2500x128xi32, #tpu.memory_space<hbm>> -> memref<1x1x128xi32, #tpu.memory_space<hbm>>
        %dma_wait3A_69 = tpu.memref_squeeze %dma_wait3A_68 : memref<1x1x128xi32, #tpu.memory_space<hbm>> -> memref<1x128xi32, #tpu.memory_space<hbm>>
        %dma_wait3A_70 = arith.constant 78 : i32
        %dma_wait3A_71 = arith.constant 0 : i32
        %dma_wait3A_72 = tpu.memref_slice %arg7[%dma_wait3A_70, %dma_wait3A_71] : memref<79x128xi32, #tpu.memory_space<vmem>> -> memref<1x128xi32, #tpu.memory_space<vmem>>
        %dma_wait3A_73 = arith.constant 0 : i32
        %dma_wait3A_74 = tpu.memref_slice %arg2[%run_scoped3A_52, %sub3A_4, %dma_wait3A_73] : memref<2x2500x128xi32, #tpu.memory_space<hbm>> -> memref<1x1x128xi32, #tpu.memory_space<hbm>>
        %dma_wait3A_75 = tpu.memref_squeeze %dma_wait3A_74 : memref<1x1x128xi32, #tpu.memory_space<hbm>> -> memref<1x128xi32, #tpu.memory_space<hbm>>
        tpu.wait_dma2 semaphore(%run_scoped3A_53 : memref<!tpu.dma_semaphore, #tpu.memory_space<semaphore_mem>>) src(%dma_wait3A_75 : memref<1x128xi32, #tpu.memory_space<hbm>>) dst(%dma_wait3A_72 : memref<1x128xi32, #tpu.memory_space<vmem>>)
        tpu.yield
      }) : () -> ()
    } else {
    }
    %iota3A = tpu.iota {dimensions = array<i32: 0>} : vector<16xi32>
    %add3A_18 = arith.constant 10001 : i32
    %add3A_19 = vector.broadcast %add3A_18 : i32 to vector<16xi32>
    %add3A_20 = arith.addi %add3A_19, %iota3A : vector<16xi32>
    %scan3A_21 = arith.constant 0 : i32
    %scan3A_22 = arith.constant 0 : i32
    %scan3A_23 = arith.constant 78 : i32
    %scan3A_24 = arith.addi %scan3A_22, %scan3A_23 : i32
    %scan3A_25 = arith.constant 1 : i32
    scf.for %scan3A_51 = %scan3A_22 to %scan3A_24 step %scan3A_25  : i32 {
      %get3A = arith.index_cast %scan3A_51 : i32 to index
      %get3A_52 = arith.constant 0 : index
      %get3A_53 = tpu.vector_load %arg6[%get3A, %get3A_52] {strides = array<i32>} : memref<79x128xi32, #tpu.memory_space<vmem>>, vector<1x16xi32>,
      %get3A_54 = vector.shape_cast %get3A_53 : vector<1x16xi32> to vector<16xi32>
      %get3A_55 = arith.index_cast %scan3A_51 : i32 to index
      %get3A_56 = arith.constant 0 : index
      %get3A_57 = tpu.vector_load %arg7[%get3A_55, %get3A_56] {strides = array<i32>} : memref<79x128xi32, #tpu.memory_space<vmem>>, vector<1x16xi32>,
      %get3A_58 = vector.shape_cast %get3A_57 : vector<1x16xi32> to vector<16xi32>
      %eq3A = arith.cmpi eq, %get3A_54, %get3A_58 : vector<16xi32>
      %jit3A = arith.constant 0.000000e+00 : f32
      %jit3A_59 = arith.constant 1.000000e+00 : f32
      %broadcast_in_dim3A = vector.broadcast %jit3A : f32 to vector<16xf32>
      %broadcast_in_dim3A_60 = vector.broadcast %jit3A_59 : f32 to vector<16xf32>
      %select_n3A = arith.select %eq3A, %broadcast_in_dim3A, %broadcast_in_dim3A_60 : vector<16xi1>, vector<16xf32>
      %swap3A = arith.index_cast %scan3A_51 : i32 to index
      %swap3A_61 = arith.constant 0 : index
      %swap3A_62 = tpu.vector_load %arg10[%swap3A, %swap3A_61] {strides = array<i32>} : memref<79x128xf32, #tpu.memory_space<vmem>>, vector<1x16xf32>,
      %swap3A_63 = vector.shape_cast %swap3A_62 : vector<1x16xf32> to vector<16xf32>
      %swap3A_64 = vector.shape_cast %select_n3A : vector<16xf32> to vector<1x16xf32>
      tpu.vector_store %arg10[%swap3A, %swap3A_61], %swap3A_64 {strides = array<i32>} : memref<79x128xf32, #tpu.memory_space<vmem>>, vector<1x16xf32>,
      %select_n3A_65 = arith.select %eq3A, %add3A_20, %get3A_54 : vector<16xi1>, vector<16xi32>
      %add3A_66 = arith.addi %select_n3A_65, %select_n3A_65 : vector<16xi32>
      %swap3A_67 = arith.index_cast %scan3A_51 : i32 to index
      %swap3A_68 = arith.constant 0 : index
      %swap3A_69 = tpu.vector_load %arg8[%swap3A_67, %swap3A_68] {strides = array<i32>} : memref<79x128xi32, #tpu.memory_space<vmem>>, vector<1x16xi32>,
      %swap3A_70 = vector.shape_cast %swap3A_69 : vector<1x16xi32> to vector<16xi32>
      %swap3A_71 = vector.shape_cast %add3A_66 : vector<16xi32> to vector<1x16xi32>
      tpu.vector_store %arg8[%swap3A_67, %swap3A_68], %swap3A_71 {strides = array<i32>} : memref<79x128xi32, #tpu.memory_space<vmem>>, vector<1x16xi32>,
      %add3A_72 = arith.constant 1 : i32
      %add3A_73 = vector.broadcast %add3A_72 : i32 to vector<16xi32>
      %add3A_74 = arith.addi %add3A_66, %add3A_73 : vector<16xi32>
      %swap3A_75 = arith.index_cast %scan3A_51 : i32 to index
      %swap3A_76 = arith.constant 0 : index
      %swap3A_77 = tpu.vector_load %arg9[%swap3A_75, %swap3A_76] {strides = array<i32>} : memref<79x128xi32, #tpu.memory_space<vmem>>, vector<1x16xi32>,
      %swap3A_78 = vector.shape_cast %swap3A_77 : vector<1x16xi32> to vector<16xi32>
      %swap3A_79 = vector.shape_cast %add3A_74 : vector<16xi32> to vector<1x16xi32>
      tpu.vector_store %arg9[%swap3A_75, %swap3A_76], %swap3A_79 {strides = array<i32>} : memref<79x128xi32, #tpu.memory_space<vmem>>, vector<1x16xi32>,
      %get3A_80 = arith.index_cast %scan3A_51 : i32 to index
      %get3A_81 = arith.constant 16 : index
      %get3A_82 = tpu.vector_load %arg6[%get3A_80, %get3A_81] {strides = array<i32>} : memref<79x128xi32, #tpu.memory_space<vmem>>, vector<1x16xi32>,
      %get3A_83 = vector.shape_cast %get3A_82 : vector<1x16xi32> to vector<16xi32>
      %get3A_84 = arith.index_cast %scan3A_51 : i32 to index
      %get3A_85 = arith.constant 16 : index
      %get3A_86 = tpu.vector_load %arg7[%get3A_84, %get3A_85] {strides = array<i32>} : memref<79x128xi32, #tpu.memory_space<vmem>>, vector<1x16xi32>,
      %get3A_87 = vector.shape_cast %get3A_86 : vector<1x16xi32> to vector<16xi32>
      %eq3A_88 = arith.cmpi eq, %get3A_83, %get3A_87 : vector<16xi32>
      %jit3A_89 = arith.constant 0.000000e+00 : f32
      %jit3A_90 = arith.constant 1.000000e+00 : f32
      %broadcast_in_dim3A_91 = vector.broadcast %jit3A_89 : f32 to vector<16xf32>
      %broadcast_in_dim3A_92 = vector.broadcast %jit3A_90 : f32 to vector<16xf32>
      %select_n3A_93 = arith.select %eq3A_88, %broadcast_in_dim3A_91, %broadcast_in_dim3A_92 : vector<16xi1>, vector<16xf32>
      %swap3A_94 = arith.index_cast %scan3A_51 : i32 to index
      %swap3A_95 = arith.constant 16 : index
      %swap3A_96 = tpu.vector_load %arg10[%swap3A_94, %swap3A_95] {strides = array<i32>} : memref<79x128xf32, #tpu.memory_space<vmem>>, vector<1x16xf32>,
      %swap3A_97 = vector.shape_cast %swap3A_96 : vector<1x16xf32> to vector<16xf32>
      %swap3A_98 = vector.shape_cast %select_n3A_93 : vector<16xf32> to vector<1x16xf32>
      tpu.vector_store %arg10[%swap3A_94, %swap3A_95], %swap3A_98 {strides = array<i32>} : memref<79x128xf32, #tpu.memory_space<vmem>>, vector<1x16xf32>,
      %select_n3A_99 = arith.select %eq3A_88, %add3A_20, %get3A_83 : vector<16xi1>, vector<16xi32>
      %add3A_100 = arith.addi %select_n3A_99, %select_n3A_99 : vector<16xi32>
      %swap3A_101 = arith.index_cast %scan3A_51 : i32 to index
      %swap3A_102 = arith.constant 16 : index
      %swap3A_103 = tpu.vector_load %arg8[%swap3A_101, %swap3A_102] {strides = array<i32>} : memref<79x128xi32, #tpu.memory_space<vmem>>, vector<1x16xi32>,
      %swap3A_104 = vector.shape_cast %swap3A_103 : vector<1x16xi32> to vector<16xi32>
      %swap3A_105 = vector.shape_cast %add3A_100 : vector<16xi32> to vector<1x16xi32>
      tpu.vector_store %arg8[%swap3A_101, %swap3A_102], %swap3A_105 {strides = array<i32>} : memref<79x128xi32, #tpu.memory_space<vmem>>, vector<1x16xi32>,
      %add3A_106 = arith.constant 1 : i32
      %add3A_107 = vector.broadcast %add3A_106 : i32 to vector<16xi32>
      %add3A_108 = arith.addi %add3A_100, %add3A_107 : vector<16xi32>
      %swap3A_109 = arith.index_cast %scan3A_51 : i32 to index
      %swap3A_110 = arith.constant 16 : index
      %swap3A_111 = tpu.vector_load %arg9[%swap3A_109, %swap3A_110] {strides = array<i32>} : memref<79x128xi32, #tpu.memory_space<vmem>>, vector<1x16xi32>,
      %swap3A_112 = vector.shape_cast %swap3A_111 : vector<1x16xi32> to vector<16xi32>
      %swap3A_113 = vector.shape_cast %add3A_108 : vector<16xi32> to vector<1x16xi32>
      tpu.vector_store %arg9[%swap3A_109, %swap3A_110], %swap3A_113 {strides = array<i32>} : memref<79x128xi32, #tpu.memory_space<vmem>>, vector<1x16xi32>,
      %get3A_114 = arith.index_cast %scan3A_51 : i32 to index
      %get3A_115 = arith.constant 32 : index
      %get3A_116 = tpu.vector_load %arg6[%get3A_114, %get3A_115] {strides = array<i32>} : memref<79x128xi32, #tpu.memory_space<vmem>>, vector<1x16xi32>,
      %get3A_117 = vector.shape_cast %get3A_116 : vector<1x16xi32> to vector<16xi32>
      %get3A_118 = arith.index_cast %scan3A_51 : i32 to index
      %get3A_119 = arith.constant 32 : index
      %get3A_120 = tpu.vector_load %arg7[%get3A_118, %get3A_119] {strides = array<i32>} : memref<79x128xi32, #tpu.memory_space<vmem>>, vector<1x16xi32>,
      %get3A_121 = vector.shape_cast %get3A_120 : vector<1x16xi32> to vector<16xi32>
      %eq3A_122 = arith.cmpi eq, %get3A_117, %get3A_121 : vector<16xi32>
      %jit3A_123 = arith.constant 0.000000e+00 : f32
      %jit3A_124 = arith.constant 1.000000e+00 : f32
      %broadcast_in_dim3A_125 = vector.broadcast %jit3A_123 : f32 to vector<16xf32>
      %broadcast_in_dim3A_126 = vector.broadcast %jit3A_124 : f32 to vector<16xf32>
      %select_n3A_127 = arith.select %eq3A_122, %broadcast_in_dim3A_125, %broadcast_in_dim3A_126 : vector<16xi1>, vector<16xf32>
      %swap3A_128 = arith.index_cast %scan3A_51 : i32 to index
      %swap3A_129 = arith.constant 32 : index
      %swap3A_130 = tpu.vector_load %arg10[%swap3A_128, %swap3A_129] {strides = array<i32>} : memref<79x128xf32, #tpu.memory_space<vmem>>, vector<1x16xf32>,
      %swap3A_131 = vector.shape_cast %swap3A_130 : vector<1x16xf32> to vector<16xf32>
      %swap3A_132 = vector.shape_cast %select_n3A_127 : vector<16xf32> to vector<1x16xf32>
      tpu.vector_store %arg10[%swap3A_128, %swap3A_129], %swap3A_132 {strides = array<i32>} : memref<79x128xf32, #tpu.memory_space<vmem>>, vector<1x16xf32>,
      %select_n3A_133 = arith.select %eq3A_122, %add3A_20, %get3A_117 : vector<16xi1>, vector<16xi32>
      %add3A_134 = arith.addi %select_n3A_133, %select_n3A_133 : vector<16xi32>
      %swap3A_135 = arith.index_cast %scan3A_51 : i32 to index
      %swap3A_136 = arith.constant 32 : index
      %swap3A_137 = tpu.vector_load %arg8[%swap3A_135, %swap3A_136] {strides = array<i32>} : memref<79x128xi32, #tpu.memory_space<vmem>>, vector<1x16xi32>,
      %swap3A_138 = vector.shape_cast %swap3A_137 : vector<1x16xi32> to vector<16xi32>
      %swap3A_139 = vector.shape_cast %add3A_134 : vector<16xi32> to vector<1x16xi32>
      tpu.vector_store %arg8[%swap3A_135, %swap3A_136], %swap3A_139 {strides = array<i32>} : memref<79x128xi32, #tpu.memory_space<vmem>>, vector<1x16xi32>,
      %add3A_140 = arith.constant 1 : i32
      %add3A_141 = vector.broadcast %add3A_140 : i32 to vector<16xi32>
      %add3A_142 = arith.addi %add3A_134, %add3A_141 : vector<16xi32>
      %swap3A_143 = arith.index_cast %scan3A_51 : i32 to index
      %swap3A_144 = arith.constant 32 : index
      %swap3A_145 = tpu.vector_load %arg9[%swap3A_143, %swap3A_144] {strides = array<i32>} : memref<79x128xi32, #tpu.memory_space<vmem>>, vector<1x16xi32>,
      %swap3A_146 = vector.shape_cast %swap3A_145 : vector<1x16xi32> to vector<16xi32>
      %swap3A_147 = vector.shape_cast %add3A_142 : vector<16xi32> to vector<1x16xi32>
      tpu.vector_store %arg9[%swap3A_143, %swap3A_144], %swap3A_147 {strides = array<i32>} : memref<79x128xi32, #tpu.memory_space<vmem>>, vector<1x16xi32>,
      %get3A_148 = arith.index_cast %scan3A_51 : i32 to index
      %get3A_149 = arith.constant 48 : index
      %get3A_150 = tpu.vector_load %arg6[%get3A_148, %get3A_149] {strides = array<i32>} : memref<79x128xi32, #tpu.memory_space<vmem>>, vector<1x16xi32>,
      %get3A_151 = vector.shape_cast %get3A_150 : vector<1x16xi32> to vector<16xi32>
      %get3A_152 = arith.index_cast %scan3A_51 : i32 to index
      %get3A_153 = arith.constant 48 : index
      %get3A_154 = tpu.vector_load %arg7[%get3A_152, %get3A_153] {strides = array<i32>} : memref<79x128xi32, #tpu.memory_space<vmem>>, vector<1x16xi32>,
      %get3A_155 = vector.shape_cast %get3A_154 : vector<1x16xi32> to vector<16xi32>
      %eq3A_156 = arith.cmpi eq, %get3A_151, %get3A_155 : vector<16xi32>
      %jit3A_157 = arith.constant 0.000000e+00 : f32
      %jit3A_158 = arith.constant 1.000000e+00 : f32
      %broadcast_in_dim3A_159 = vector.broadcast %jit3A_157 : f32 to vector<16xf32>
      %broadcast_in_dim3A_160 = vector.broadcast %jit3A_158 : f32 to vector<16xf32>
      %select_n3A_161 = arith.select %eq3A_156, %broadcast_in_dim3A_159, %broadcast_in_dim3A_160 : vector<16xi1>, vector<16xf32>
      %swap3A_162 = arith.index_cast %scan3A_51 : i32 to index
      %swap3A_163 = arith.constant 48 : index
      %swap3A_164 = tpu.vector_load %arg10[%swap3A_162, %swap3A_163] {strides = array<i32>} : memref<79x128xf32, #tpu.memory_space<vmem>>, vector<1x16xf32>,
      %swap3A_165 = vector.shape_cast %swap3A_164 : vector<1x16xf32> to vector<16xf32>
      %swap3A_166 = vector.shape_cast %select_n3A_161 : vector<16xf32> to vector<1x16xf32>
      tpu.vector_store %arg10[%swap3A_162, %swap3A_163], %swap3A_166 {strides = array<i32>} : memref<79x128xf32, #tpu.memory_space<vmem>>, vector<1x16xf32>,
      %select_n3A_167 = arith.select %eq3A_156, %add3A_20, %get3A_151 : vector<16xi1>, vector<16xi32>
      %add3A_168 = arith.addi %select_n3A_167, %select_n3A_167 : vector<16xi32>
      %swap3A_169 = arith.index_cast %scan3A_51 : i32 to index
      %swap3A_170 = arith.constant 48 : index
      %swap3A_171 = tpu.vector_load %arg8[%swap3A_169, %swap3A_170] {strides = array<i32>} : memref<79x128xi32, #tpu.memory_space<vmem>>, vector<1x16xi32>,
      %swap3A_172 = vector.shape_cast %swap3A_171 : vector<1x16xi32> to vector<16xi32>
      %swap3A_173 = vector.shape_cast %add3A_168 : vector<16xi32> to vector<1x16xi32>
      tpu.vector_store %arg8[%swap3A_169, %swap3A_170], %swap3A_173 {strides = array<i32>} : memref<79x128xi32, #tpu.memory_space<vmem>>, vector<1x16xi32>,
      %add3A_174 = arith.constant 1 : i32
      %add3A_175 = vector.broadcast %add3A_174 : i32 to vector<16xi32>
      %add3A_176 = arith.addi %add3A_168, %add3A_175 : vector<16xi32>
      %swap3A_177 = arith.index_cast %scan3A_51 : i32 to index
      %swap3A_178 = arith.constant 48 : index
      %swap3A_179 = tpu.vector_load %arg9[%swap3A_177, %swap3A_178] {strides = array<i32>} : memref<79x128xi32, #tpu.memory_space<vmem>>, vector<1x16xi32>,
      %swap3A_180 = vector.shape_cast %swap3A_179 : vector<1x16xi32> to vector<16xi32>
      %swap3A_181 = vector.shape_cast %add3A_176 : vector<16xi32> to vector<1x16xi32>
      tpu.vector_store %arg9[%swap3A_177, %swap3A_178], %swap3A_181 {strides = array<i32>} : memref<79x128xi32, #tpu.memory_space<vmem>>, vector<1x16xi32>,
      %get3A_182 = arith.index_cast %scan3A_51 : i32 to index
      %get3A_183 = arith.constant 64 : index
      %get3A_184 = tpu.vector_load %arg6[%get3A_182, %get3A_183] {strides = array<i32>} : memref<79x128xi32, #tpu.memory_space<vmem>>, vector<1x16xi32>,
      %get3A_185 = vector.shape_cast %get3A_184 : vector<1x16xi32> to vector<16xi32>
      %get3A_186 = arith.index_cast %scan3A_51 : i32 to index
      %get3A_187 = arith.constant 64 : index
      %get3A_188 = tpu.vector_load %arg7[%get3A_186, %get3A_187] {strides = array<i32>} : memref<79x128xi32, #tpu.memory_space<vmem>>, vector<1x16xi32>,
      %get3A_189 = vector.shape_cast %get3A_188 : vector<1x16xi32> to vector<16xi32>
      %eq3A_190 = arith.cmpi eq, %get3A_185, %get3A_189 : vector<16xi32>
      %jit3A_191 = arith.constant 0.000000e+00 : f32
      %jit3A_192 = arith.constant 1.000000e+00 : f32
      %broadcast_in_dim3A_193 = vector.broadcast %jit3A_191 : f32 to vector<16xf32>
      %broadcast_in_dim3A_194 = vector.broadcast %jit3A_192 : f32 to vector<16xf32>
      %select_n3A_195 = arith.select %eq3A_190, %broadcast_in_dim3A_193, %broadcast_in_dim3A_194 : vector<16xi1>, vector<16xf32>
      %swap3A_196 = arith.index_cast %scan3A_51 : i32 to index
      %swap3A_197 = arith.constant 64 : index
      %swap3A_198 = tpu.vector_load %arg10[%swap3A_196, %swap3A_197] {strides = array<i32>} : memref<79x128xf32, #tpu.memory_space<vmem>>, vector<1x16xf32>,
      %swap3A_199 = vector.shape_cast %swap3A_198 : vector<1x16xf32> to vector<16xf32>
      %swap3A_200 = vector.shape_cast %select_n3A_195 : vector<16xf32> to vector<1x16xf32>
      tpu.vector_store %arg10[%swap3A_196, %swap3A_197], %swap3A_200 {strides = array<i32>} : memref<79x128xf32, #tpu.memory_space<vmem>>, vector<1x16xf32>,
      %select_n3A_201 = arith.select %eq3A_190, %add3A_20, %get3A_185 : vector<16xi1>, vector<16xi32>
      %add3A_202 = arith.addi %select_n3A_201, %select_n3A_201 : vector<16xi32>
      %swap3A_203 = arith.index_cast %scan3A_51 : i32 to index
      %swap3A_204 = arith.constant 64 : index
      %swap3A_205 = tpu.vector_load %arg8[%swap3A_203, %swap3A_204] {strides = array<i32>} : memref<79x128xi32, #tpu.memory_space<vmem>>, vector<1x16xi32>,
      %swap3A_206 = vector.shape_cast %swap3A_205 : vector<1x16xi32> to vector<16xi32>
      %swap3A_207 = vector.shape_cast %add3A_202 : vector<16xi32> to vector<1x16xi32>
      tpu.vector_store %arg8[%swap3A_203, %swap3A_204], %swap3A_207 {strides = array<i32>} : memref<79x128xi32, #tpu.memory_space<vmem>>, vector<1x16xi32>,
      %add3A_208 = arith.constant 1 : i32
      %add3A_209 = vector.broadcast %add3A_208 : i32 to vector<16xi32>
      %add3A_210 = arith.addi %add3A_202, %add3A_209 : vector<16xi32>
      %swap3A_211 = arith.index_cast %scan3A_51 : i32 to index
      %swap3A_212 = arith.constant 64 : index
      %swap3A_213 = tpu.vector_load %arg9[%swap3A_211, %swap3A_212] {strides = array<i32>} : memref<79x128xi32, #tpu.memory_space<vmem>>, vector<1x16xi32>,
      %swap3A_214 = vector.shape_cast %swap3A_213 : vector<1x16xi32> to vector<16xi32>
      %swap3A_215 = vector.shape_cast %add3A_210 : vector<16xi32> to vector<1x16xi32>
      tpu.vector_store %arg9[%swap3A_211, %swap3A_212], %swap3A_215 {strides = array<i32>} : memref<79x128xi32, #tpu.memory_space<vmem>>, vector<1x16xi32>,
      %get3A_216 = arith.index_cast %scan3A_51 : i32 to index
      %get3A_217 = arith.constant 80 : index
      %get3A_218 = tpu.vector_load %arg6[%get3A_216, %get3A_217] {strides = array<i32>} : memref<79x128xi32, #tpu.memory_space<vmem>>, vector<1x16xi32>,
      %get3A_219 = vector.shape_cast %get3A_218 : vector<1x16xi32> to vector<16xi32>
      %get3A_220 = arith.index_cast %scan3A_51 : i32 to index
      %get3A_221 = arith.constant 80 : index
      %get3A_222 = tpu.vector_load %arg7[%get3A_220, %get3A_221] {strides = array<i32>} : memref<79x128xi32, #tpu.memory_space<vmem>>, vector<1x16xi32>,
      %get3A_223 = vector.shape_cast %get3A_222 : vector<1x16xi32> to vector<16xi32>
      %eq3A_224 = arith.cmpi eq, %get3A_219, %get3A_223 : vector<16xi32>
      %jit3A_225 = arith.constant 0.000000e+00 : f32
      %jit3A_226 = arith.constant 1.000000e+00 : f32
      %broadcast_in_dim3A_227 = vector.broadcast %jit3A_225 : f32 to vector<16xf32>
      %broadcast_in_dim3A_228 = vector.broadcast %jit3A_226 : f32 to vector<16xf32>
      %select_n3A_229 = arith.select %eq3A_224, %broadcast_in_dim3A_227, %broadcast_in_dim3A_228 : vector<16xi1>, vector<16xf32>
      %swap3A_230 = arith.index_cast %scan3A_51 : i32 to index
      %swap3A_231 = arith.constant 80 : index
      %swap3A_232 = tpu.vector_load %arg10[%swap3A_230, %swap3A_231] {strides = array<i32>} : memref<79x128xf32, #tpu.memory_space<vmem>>, vector<1x16xf32>,
      %swap3A_233 = vector.shape_cast %swap3A_232 : vector<1x16xf32> to vector<16xf32>
      %swap3A_234 = vector.shape_cast %select_n3A_229 : vector<16xf32> to vector<1x16xf32>
      tpu.vector_store %arg10[%swap3A_230, %swap3A_231], %swap3A_234 {strides = array<i32>} : memref<79x128xf32, #tpu.memory_space<vmem>>, vector<1x16xf32>,
      %select_n3A_235 = arith.select %eq3A_224, %add3A_20, %get3A_219 : vector<16xi1>, vector<16xi32>
      %add3A_236 = arith.addi %select_n3A_235, %select_n3A_235 : vector<16xi32>
      %swap3A_237 = arith.index_cast %scan3A_51 : i32 to index
      %swap3A_238 = arith.constant 80 : index
      %swap3A_239 = tpu.vector_load %arg8[%swap3A_237, %swap3A_238] {strides = array<i32>} : memref<79x128xi32, #tpu.memory_space<vmem>>, vector<1x16xi32>,
      %swap3A_240 = vector.shape_cast %swap3A_239 : vector<1x16xi32> to vector<16xi32>
      %swap3A_241 = vector.shape_cast %add3A_236 : vector<16xi32> to vector<1x16xi32>
      tpu.vector_store %arg8[%swap3A_237, %swap3A_238], %swap3A_241 {strides = array<i32>} : memref<79x128xi32, #tpu.memory_space<vmem>>, vector<1x16xi32>,
      %add3A_242 = arith.constant 1 : i32
      %add3A_243 = vector.broadcast %add3A_242 : i32 to vector<16xi32>
      %add3A_244 = arith.addi %add3A_236, %add3A_243 : vector<16xi32>
      %swap3A_245 = arith.index_cast %scan3A_51 : i32 to index
      %swap3A_246 = arith.constant 80 : index
      %swap3A_247 = tpu.vector_load %arg9[%swap3A_245, %swap3A_246] {strides = array<i32>} : memref<79x128xi32, #tpu.memory_space<vmem>>, vector<1x16xi32>,
      %swap3A_248 = vector.shape_cast %swap3A_247 : vector<1x16xi32> to vector<16xi32>
      %swap3A_249 = vector.shape_cast %add3A_244 : vector<16xi32> to vector<1x16xi32>
      tpu.vector_store %arg9[%swap3A_245, %swap3A_246], %swap3A_249 {strides = array<i32>} : memref<79x128xi32, #tpu.memory_space<vmem>>, vector<1x16xi32>,
      %get3A_250 = arith.index_cast %scan3A_51 : i32 to index
      %get3A_251 = arith.constant 96 : index
      %get3A_252 = tpu.vector_load %arg6[%get3A_250, %get3A_251] {strides = array<i32>} : memref<79x128xi32, #tpu.memory_space<vmem>>, vector<1x16xi32>,
      %get3A_253 = vector.shape_cast %get3A_252 : vector<1x16xi32> to vector<16xi32>
      %get3A_254 = arith.index_cast %scan3A_51 : i32 to index
      %get3A_255 = arith.constant 96 : index
      %get3A_256 = tpu.vector_load %arg7[%get3A_254, %get3A_255] {strides = array<i32>} : memref<79x128xi32, #tpu.memory_space<vmem>>, vector<1x16xi32>,
      %get3A_257 = vector.shape_cast %get3A_256 : vector<1x16xi32> to vector<16xi32>
      %eq3A_258 = arith.cmpi eq, %get3A_253, %get3A_257 : vector<16xi32>
      %jit3A_259 = arith.constant 0.000000e+00 : f32
      %jit3A_260 = arith.constant 1.000000e+00 : f32
      %broadcast_in_dim3A_261 = vector.broadcast %jit3A_259 : f32 to vector<16xf32>
      %broadcast_in_dim3A_262 = vector.broadcast %jit3A_260 : f32 to vector<16xf32>
      %select_n3A_263 = arith.select %eq3A_258, %broadcast_in_dim3A_261, %broadcast_in_dim3A_262 : vector<16xi1>, vector<16xf32>
      %swap3A_264 = arith.index_cast %scan3A_51 : i32 to index
      %swap3A_265 = arith.constant 96 : index
      %swap3A_266 = tpu.vector_load %arg10[%swap3A_264, %swap3A_265] {strides = array<i32>} : memref<79x128xf32, #tpu.memory_space<vmem>>, vector<1x16xf32>,
      %swap3A_267 = vector.shape_cast %swap3A_266 : vector<1x16xf32> to vector<16xf32>
      %swap3A_268 = vector.shape_cast %select_n3A_263 : vector<16xf32> to vector<1x16xf32>
      tpu.vector_store %arg10[%swap3A_264, %swap3A_265], %swap3A_268 {strides = array<i32>} : memref<79x128xf32, #tpu.memory_space<vmem>>, vector<1x16xf32>,
      %select_n3A_269 = arith.select %eq3A_258, %add3A_20, %get3A_253 : vector<16xi1>, vector<16xi32>
      %add3A_270 = arith.addi %select_n3A_269, %select_n3A_269 : vector<16xi32>
      %swap3A_271 = arith.index_cast %scan3A_51 : i32 to index
      %swap3A_272 = arith.constant 96 : index
      %swap3A_273 = tpu.vector_load %arg8[%swap3A_271, %swap3A_272] {strides = array<i32>} : memref<79x128xi32, #tpu.memory_space<vmem>>, vector<1x16xi32>,
      %swap3A_274 = vector.shape_cast %swap3A_273 : vector<1x16xi32> to vector<16xi32>
      %swap3A_275 = vector.shape_cast %add3A_270 : vector<16xi32> to vector<1x16xi32>
      tpu.vector_store %arg8[%swap3A_271, %swap3A_272], %swap3A_275 {strides = array<i32>} : memref<79x128xi32, #tpu.memory_space<vmem>>, vector<1x16xi32>,
      %add3A_276 = arith.constant 1 : i32
      %add3A_277 = vector.broadcast %add3A_276 : i32 to vector<16xi32>
      %add3A_278 = arith.addi %add3A_270, %add3A_277 : vector<16xi32>
      %swap3A_279 = arith.index_cast %scan3A_51 : i32 to index
      %swap3A_280 = arith.constant 96 : index
      %swap3A_281 = tpu.vector_load %arg9[%swap3A_279, %swap3A_280] {strides = array<i32>} : memref<79x128xi32, #tpu.memory_space<vmem>>, vector<1x16xi32>,
      %swap3A_282 = vector.shape_cast %swap3A_281 : vector<1x16xi32> to vector<16xi32>
      %swap3A_283 = vector.shape_cast %add3A_278 : vector<16xi32> to vector<1x16xi32>
      tpu.vector_store %arg9[%swap3A_279, %swap3A_280], %swap3A_283 {strides = array<i32>} : memref<79x128xi32, #tpu.memory_space<vmem>>, vector<1x16xi32>,
      %get3A_284 = arith.index_cast %scan3A_51 : i32 to index
      %get3A_285 = arith.constant 112 : index
      %get3A_286 = tpu.vector_load %arg6[%get3A_284, %get3A_285] {strides = array<i32>} : memref<79x128xi32, #tpu.memory_space<vmem>>, vector<1x16xi32>,
      %get3A_287 = vector.shape_cast %get3A_286 : vector<1x16xi32> to vector<16xi32>
      %get3A_288 = arith.index_cast %scan3A_51 : i32 to index
      %get3A_289 = arith.constant 112 : index
      %get3A_290 = tpu.vector_load %arg7[%get3A_288, %get3A_289] {strides = array<i32>} : memref<79x128xi32, #tpu.memory_space<vmem>>, vector<1x16xi32>,
      %get3A_291 = vector.shape_cast %get3A_290 : vector<1x16xi32> to vector<16xi32>
      %eq3A_292 = arith.cmpi eq, %get3A_287, %get3A_291 : vector<16xi32>
      %jit3A_293 = arith.constant 0.000000e+00 : f32
      %jit3A_294 = arith.constant 1.000000e+00 : f32
      %broadcast_in_dim3A_295 = vector.broadcast %jit3A_293 : f32 to vector<16xf32>
      %broadcast_in_dim3A_296 = vector.broadcast %jit3A_294 : f32 to vector<16xf32>
      %select_n3A_297 = arith.select %eq3A_292, %broadcast_in_dim3A_295, %broadcast_in_dim3A_296 : vector<16xi1>, vector<16xf32>
      %swap3A_298 = arith.index_cast %scan3A_51 : i32 to index
      %swap3A_299 = arith.constant 112 : index
      %swap3A_300 = tpu.vector_load %arg10[%swap3A_298, %swap3A_299] {strides = array<i32>} : memref<79x128xf32, #tpu.memory_space<vmem>>, vector<1x16xf32>,
      %swap3A_301 = vector.shape_cast %swap3A_300 : vector<1x16xf32> to vector<16xf32>
      %swap3A_302 = vector.shape_cast %select_n3A_297 : vector<16xf32> to vector<1x16xf32>
      tpu.vector_store %arg10[%swap3A_298, %swap3A_299], %swap3A_302 {strides = array<i32>} : memref<79x128xf32, #tpu.memory_space<vmem>>, vector<1x16xf32>,
      %select_n3A_303 = arith.select %eq3A_292, %add3A_20, %get3A_287 : vector<16xi1>, vector<16xi32>
      %add3A_304 = arith.addi %select_n3A_303, %select_n3A_303 : vector<16xi32>
      %swap3A_305 = arith.index_cast %scan3A_51 : i32 to index
      %swap3A_306 = arith.constant 112 : index
      %swap3A_307 = tpu.vector_load %arg8[%swap3A_305, %swap3A_306] {strides = array<i32>} : memref<79x128xi32, #tpu.memory_space<vmem>>, vector<1x16xi32>,
      %swap3A_308 = vector.shape_cast %swap3A_307 : vector<1x16xi32> to vector<16xi32>
      %swap3A_309 = vector.shape_cast %add3A_304 : vector<16xi32> to vector<1x16xi32>
      tpu.vector_store %arg8[%swap3A_305, %swap3A_306], %swap3A_309 {strides = array<i32>} : memref<79x128xi32, #tpu.memory_space<vmem>>, vector<1x16xi32>,
      %add3A_310 = arith.constant 1 : i32
      %add3A_311 = vector.broadcast %add3A_310 : i32 to vector<16xi32>
      %add3A_312 = arith.addi %add3A_304, %add3A_311 : vector<16xi32>
      %swap3A_313 = arith.index_cast %scan3A_51 : i32 to index
      %swap3A_314 = arith.constant 112 : index
      %swap3A_315 = tpu.vector_load %arg9[%swap3A_313, %swap3A_314] {strides = array<i32>} : memref<79x128xi32, #tpu.memory_space<vmem>>, vector<1x16xi32>,
      %swap3A_316 = vector.shape_cast %swap3A_315 : vector<1x16xi32> to vector<16xi32>
      %swap3A_317 = vector.shape_cast %add3A_312 : vector<16xi32> to vector<1x16xi32>
      tpu.vector_store %arg9[%swap3A_313, %swap3A_314], %swap3A_317 {strides = array<i32>} : memref<79x128xi32, #tpu.memory_space<vmem>>, vector<1x16xi32>,
      %dma_start3A = arith.constant 0 : i32
      %dma_start3A_318 = tpu.memref_slice %arg10[%scan3A_51, %dma_start3A] : memref<79x128xf32, #tpu.memory_space<vmem>> -> memref<1x128xf32, #tpu.memory_space<vmem>>
      %dma_start3A_319 = tpu.memref_squeeze %dma_start3A_318 : memref<1x128xf32, #tpu.memory_space<vmem>> -> memref<128xf32, #tpu.memory_space<vmem>>
      %dma_start3A_320 = arith.constant 0 : i32
      %dma_start3A_321 = tpu.memref_slice %arg6[%scan3A_51, %dma_start3A_320] : memref<79x128xi32, #tpu.memory_space<vmem>> -> memref<1x128xi32, #tpu.memory_space<vmem>>
      %dma_start3A_322 = tpu.memref_squeeze %dma_start3A_321 : memref<1x128xi32, #tpu.memory_space<vmem>> -> memref<128xi32, #tpu.memory_space<vmem>>
      %dma_start3A_323 = arith.constant 0 : i32
      %dma_start3A_324 = tpu.memref_slice %arg12[%dma_start3A_323] : memref<10240xf32, #tpu.memory_space<vmem_shared>> -> memref<10240xf32, #tpu.memory_space<vmem_shared>>
      tpu.enqueue_indirect_dma source(%dma_start3A_319 : memref<128xf32, #tpu.memory_space<vmem>>) target(%dma_start3A_324 : memref<10240xf32, #tpu.memory_space<vmem_shared>>) offsets(%dma_start3A_322 : memref<128xi32, #tpu.memory_space<vmem>>) semaphore(%arg13 : memref<!tpu.dma_semaphore, #tpu.memory_space<semaphore_mem>>) {add = true}
    }
    %scan3A_26 = arith.constant 78 : i32
    %convert_element_type3A_27 = arith.extui %ge3A_1 : i1 to i32
    %cond3A_28 = arith.constant 0 : i32
    %cond3A_29 = arith.cmpi ne, %convert_element_type3A_27, %cond3A_28 : i32
    scf.if %cond3A_29 {
      %get3A = arith.constant 78 : i32
      %get3A_51 = arith.index_cast %get3A : i32 to index
      %get3A_52 = arith.constant 0 : index
      %get3A_53 = tpu.vector_load %arg6[%get3A_51, %get3A_52] {strides = array<i32>} : memref<79x128xi32, #tpu.memory_space<vmem>>, vector<1x16xi32>,
      %get3A_54 = vector.shape_cast %get3A_53 : vector<1x16xi32> to vector<16xi32>
      %get3A_55 = arith.constant 78 : i32
      %get3A_56 = arith.index_cast %get3A_55 : i32 to index
      %get3A_57 = arith.constant 0 : index
      %get3A_58 = tpu.vector_load %arg7[%get3A_56, %get3A_57] {strides = array<i32>} : memref<79x128xi32, #tpu.memory_space<vmem>>, vector<1x16xi32>,
      %get3A_59 = vector.shape_cast %get3A_58 : vector<1x16xi32> to vector<16xi32>
      %eq3A = arith.cmpi eq, %get3A_54, %get3A_59 : vector<16xi32>
      %jit3A = arith.constant 0.000000e+00 : f32
      %jit3A_60 = arith.constant 1.000000e+00 : f32
      %broadcast_in_dim3A = vector.broadcast %jit3A : f32 to vector<16xf32>
      %broadcast_in_dim3A_61 = vector.broadcast %jit3A_60 : f32 to vector<16xf32>
      %select_n3A = arith.select %eq3A, %broadcast_in_dim3A, %broadcast_in_dim3A_61 : vector<16xi1>, vector<16xf32>
      %swap3A = arith.constant 78 : i32
      %swap3A_62 = arith.index_cast %swap3A : i32 to index
      %swap3A_63 = arith.constant 0 : index
      %swap3A_64 = tpu.vector_load %arg10[%swap3A_62, %swap3A_63] {strides = array<i32>} : memref<79x128xf32, #tpu.memory_space<vmem>>, vector<1x16xf32>,
      %swap3A_65 = vector.shape_cast %swap3A_64 : vector<1x16xf32> to vector<16xf32>
      %swap3A_66 = vector.shape_cast %select_n3A : vector<16xf32> to vector<1x16xf32>
      tpu.vector_store %arg10[%swap3A_62, %swap3A_63], %swap3A_66 {strides = array<i32>} : memref<79x128xf32, #tpu.memory_space<vmem>>, vector<1x16xf32>,
      %select_n3A_67 = arith.select %eq3A, %add3A_20, %get3A_54 : vector<16xi1>, vector<16xi32>
      %add3A_68 = arith.addi %select_n3A_67, %select_n3A_67 : vector<16xi32>
      %swap3A_69 = arith.constant 78 : i32
      %swap3A_70 = arith.index_cast %swap3A_69 : i32 to index
      %swap3A_71 = arith.constant 0 : index
      %swap3A_72 = tpu.vector_load %arg8[%swap3A_70, %swap3A_71] {strides = array<i32>} : memref<79x128xi32, #tpu.memory_space<vmem>>, vector<1x16xi32>,
      %swap3A_73 = vector.shape_cast %swap3A_72 : vector<1x16xi32> to vector<16xi32>
      %swap3A_74 = vector.shape_cast %add3A_68 : vector<16xi32> to vector<1x16xi32>
      tpu.vector_store %arg8[%swap3A_70, %swap3A_71], %swap3A_74 {strides = array<i32>} : memref<79x128xi32, #tpu.memory_space<vmem>>, vector<1x16xi32>,
      %add3A_75 = arith.constant 1 : i32
      %add3A_76 = vector.broadcast %add3A_75 : i32 to vector<16xi32>
      %add3A_77 = arith.addi %add3A_68, %add3A_76 : vector<16xi32>
      %swap3A_78 = arith.constant 78 : i32
      %swap3A_79 = arith.index_cast %swap3A_78 : i32 to index
      %swap3A_80 = arith.constant 0 : index
      %swap3A_81 = tpu.vector_load %arg9[%swap3A_79, %swap3A_80] {strides = array<i32>} : memref<79x128xi32, #tpu.memory_space<vmem>>, vector<1x16xi32>,
      %swap3A_82 = vector.shape_cast %swap3A_81 : vector<1x16xi32> to vector<16xi32>
      %swap3A_83 = vector.shape_cast %add3A_77 : vector<16xi32> to vector<1x16xi32>
      tpu.vector_store %arg9[%swap3A_79, %swap3A_80], %swap3A_83 {strides = array<i32>} : memref<79x128xi32, #tpu.memory_space<vmem>>, vector<1x16xi32>,
      %get3A_84 = arith.constant 78 : i32
      %get3A_85 = arith.index_cast %get3A_84 : i32 to index
      %get3A_86 = arith.constant 16 : index
      %get3A_87 = tpu.vector_load %arg6[%get3A_85, %get3A_86] {strides = array<i32>} : memref<79x128xi32, #tpu.memory_space<vmem>>, vector<1x16xi32>,
      %get3A_88 = vector.shape_cast %get3A_87 : vector<1x16xi32> to vector<16xi32>
      %get3A_89 = arith.constant 78 : i32
      %get3A_90 = arith.index_cast %get3A_89 : i32 to index
      %get3A_91 = arith.constant 16 : index
      %get3A_92 = tpu.vector_load %arg7[%get3A_90, %get3A_91] {strides = array<i32>} : memref<79x128xi32, #tpu.memory_space<vmem>>, vector<1x16xi32>,
      %get3A_93 = vector.shape_cast %get3A_92 : vector<1x16xi32> to vector<16xi32>
      %eq3A_94 = arith.cmpi eq, %get3A_88, %get3A_93 : vector<16xi32>
      %jit3A_95 = arith.constant 0.000000e+00 : f32
      %jit3A_96 = arith.constant 1.000000e+00 : f32
      %broadcast_in_dim3A_97 = vector.broadcast %jit3A_95 : f32 to vector<16xf32>
      %broadcast_in_dim3A_98 = vector.broadcast %jit3A_96 : f32 to vector<16xf32>
      %select_n3A_99 = arith.select %eq3A_94, %broadcast_in_dim3A_97, %broadcast_in_dim3A_98 : vector<16xi1>, vector<16xf32>
      %swap3A_100 = arith.constant 78 : i32
      %swap3A_101 = arith.index_cast %swap3A_100 : i32 to index
      %swap3A_102 = arith.constant 16 : index
      %swap3A_103 = tpu.vector_load %arg10[%swap3A_101, %swap3A_102] {strides = array<i32>} : memref<79x128xf32, #tpu.memory_space<vmem>>, vector<1x16xf32>,
      %swap3A_104 = vector.shape_cast %swap3A_103 : vector<1x16xf32> to vector<16xf32>
      %swap3A_105 = vector.shape_cast %select_n3A_99 : vector<16xf32> to vector<1x16xf32>
      tpu.vector_store %arg10[%swap3A_101, %swap3A_102], %swap3A_105 {strides = array<i32>} : memref<79x128xf32, #tpu.memory_space<vmem>>, vector<1x16xf32>,
      %select_n3A_106 = arith.select %eq3A_94, %add3A_20, %get3A_88 : vector<16xi1>, vector<16xi32>
      %add3A_107 = arith.addi %select_n3A_106, %select_n3A_106 : vector<16xi32>
      %swap3A_108 = arith.constant 78 : i32
      %swap3A_109 = arith.index_cast %swap3A_108 : i32 to index
      %swap3A_110 = arith.constant 16 : index
      %swap3A_111 = tpu.vector_load %arg8[%swap3A_109, %swap3A_110] {strides = array<i32>} : memref<79x128xi32, #tpu.memory_space<vmem>>, vector<1x16xi32>,
      %swap3A_112 = vector.shape_cast %swap3A_111 : vector<1x16xi32> to vector<16xi32>
      %swap3A_113 = vector.shape_cast %add3A_107 : vector<16xi32> to vector<1x16xi32>
      tpu.vector_store %arg8[%swap3A_109, %swap3A_110], %swap3A_113 {strides = array<i32>} : memref<79x128xi32, #tpu.memory_space<vmem>>, vector<1x16xi32>,
      %add3A_114 = arith.constant 1 : i32
      %add3A_115 = vector.broadcast %add3A_114 : i32 to vector<16xi32>
      %add3A_116 = arith.addi %add3A_107, %add3A_115 : vector<16xi32>
      %swap3A_117 = arith.constant 78 : i32
      %swap3A_118 = arith.index_cast %swap3A_117 : i32 to index
      %swap3A_119 = arith.constant 16 : index
      %swap3A_120 = tpu.vector_load %arg9[%swap3A_118, %swap3A_119] {strides = array<i32>} : memref<79x128xi32, #tpu.memory_space<vmem>>, vector<1x16xi32>,
      %swap3A_121 = vector.shape_cast %swap3A_120 : vector<1x16xi32> to vector<16xi32>
      %swap3A_122 = vector.shape_cast %add3A_116 : vector<16xi32> to vector<1x16xi32>
      tpu.vector_store %arg9[%swap3A_118, %swap3A_119], %swap3A_122 {strides = array<i32>} : memref<79x128xi32, #tpu.memory_space<vmem>>, vector<1x16xi32>,
      %get3A_123 = arith.constant 78 : i32
      %get3A_124 = arith.index_cast %get3A_123 : i32 to index
      %get3A_125 = arith.constant 32 : index
      %get3A_126 = tpu.vector_load %arg6[%get3A_124, %get3A_125] {strides = array<i32>} : memref<79x128xi32, #tpu.memory_space<vmem>>, vector<1x16xi32>,
      %get3A_127 = vector.shape_cast %get3A_126 : vector<1x16xi32> to vector<16xi32>
      %get3A_128 = arith.constant 78 : i32
      %get3A_129 = arith.index_cast %get3A_128 : i32 to index
      %get3A_130 = arith.constant 32 : index
      %get3A_131 = tpu.vector_load %arg7[%get3A_129, %get3A_130] {strides = array<i32>} : memref<79x128xi32, #tpu.memory_space<vmem>>, vector<1x16xi32>,
      %get3A_132 = vector.shape_cast %get3A_131 : vector<1x16xi32> to vector<16xi32>
      %eq3A_133 = arith.cmpi eq, %get3A_127, %get3A_132 : vector<16xi32>
      %jit3A_134 = arith.constant 0.000000e+00 : f32
      %jit3A_135 = arith.constant 1.000000e+00 : f32
      %broadcast_in_dim3A_136 = vector.broadcast %jit3A_134 : f32 to vector<16xf32>
      %broadcast_in_dim3A_137 = vector.broadcast %jit3A_135 : f32 to vector<16xf32>
      %select_n3A_138 = arith.select %eq3A_133, %broadcast_in_dim3A_136, %broadcast_in_dim3A_137 : vector<16xi1>, vector<16xf32>
      %swap3A_139 = arith.constant 78 : i32
      %swap3A_140 = arith.index_cast %swap3A_139 : i32 to index
      %swap3A_141 = arith.constant 32 : index
      %swap3A_142 = tpu.vector_load %arg10[%swap3A_140, %swap3A_141] {strides = array<i32>} : memref<79x128xf32, #tpu.memory_space<vmem>>, vector<1x16xf32>,
      %swap3A_143 = vector.shape_cast %swap3A_142 : vector<1x16xf32> to vector<16xf32>
      %swap3A_144 = vector.shape_cast %select_n3A_138 : vector<16xf32> to vector<1x16xf32>
      tpu.vector_store %arg10[%swap3A_140, %swap3A_141], %swap3A_144 {strides = array<i32>} : memref<79x128xf32, #tpu.memory_space<vmem>>, vector<1x16xf32>,
      %select_n3A_145 = arith.select %eq3A_133, %add3A_20, %get3A_127 : vector<16xi1>, vector<16xi32>
      %add3A_146 = arith.addi %select_n3A_145, %select_n3A_145 : vector<16xi32>
      %swap3A_147 = arith.constant 78 : i32
      %swap3A_148 = arith.index_cast %swap3A_147 : i32 to index
      %swap3A_149 = arith.constant 32 : index
      %swap3A_150 = tpu.vector_load %arg8[%swap3A_148, %swap3A_149] {strides = array<i32>} : memref<79x128xi32, #tpu.memory_space<vmem>>, vector<1x16xi32>,
      %swap3A_151 = vector.shape_cast %swap3A_150 : vector<1x16xi32> to vector<16xi32>
      %swap3A_152 = vector.shape_cast %add3A_146 : vector<16xi32> to vector<1x16xi32>
      tpu.vector_store %arg8[%swap3A_148, %swap3A_149], %swap3A_152 {strides = array<i32>} : memref<79x128xi32, #tpu.memory_space<vmem>>, vector<1x16xi32>,
      %add3A_153 = arith.constant 1 : i32
      %add3A_154 = vector.broadcast %add3A_153 : i32 to vector<16xi32>
      %add3A_155 = arith.addi %add3A_146, %add3A_154 : vector<16xi32>
      %swap3A_156 = arith.constant 78 : i32
      %swap3A_157 = arith.index_cast %swap3A_156 : i32 to index
      %swap3A_158 = arith.constant 32 : index
      %swap3A_159 = tpu.vector_load %arg9[%swap3A_157, %swap3A_158] {strides = array<i32>} : memref<79x128xi32, #tpu.memory_space<vmem>>, vector<1x16xi32>,
      %swap3A_160 = vector.shape_cast %swap3A_159 : vector<1x16xi32> to vector<16xi32>
      %swap3A_161 = vector.shape_cast %add3A_155 : vector<16xi32> to vector<1x16xi32>
      tpu.vector_store %arg9[%swap3A_157, %swap3A_158], %swap3A_161 {strides = array<i32>} : memref<79x128xi32, #tpu.memory_space<vmem>>, vector<1x16xi32>,
      %get3A_162 = arith.constant 78 : i32
      %get3A_163 = arith.index_cast %get3A_162 : i32 to index
      %get3A_164 = arith.constant 48 : index
      %get3A_165 = tpu.vector_load %arg6[%get3A_163, %get3A_164] {strides = array<i32>} : memref<79x128xi32, #tpu.memory_space<vmem>>, vector<1x16xi32>,
      %get3A_166 = vector.shape_cast %get3A_165 : vector<1x16xi32> to vector<16xi32>
      %get3A_167 = arith.constant 78 : i32
      %get3A_168 = arith.index_cast %get3A_167 : i32 to index
      %get3A_169 = arith.constant 48 : index
      %get3A_170 = tpu.vector_load %arg7[%get3A_168, %get3A_169] {strides = array<i32>} : memref<79x128xi32, #tpu.memory_space<vmem>>, vector<1x16xi32>,
      %get3A_171 = vector.shape_cast %get3A_170 : vector<1x16xi32> to vector<16xi32>
      %eq3A_172 = arith.cmpi eq, %get3A_166, %get3A_171 : vector<16xi32>
      %jit3A_173 = arith.constant 0.000000e+00 : f32
      %jit3A_174 = arith.constant 1.000000e+00 : f32
      %broadcast_in_dim3A_175 = vector.broadcast %jit3A_173 : f32 to vector<16xf32>
      %broadcast_in_dim3A_176 = vector.broadcast %jit3A_174 : f32 to vector<16xf32>
      %select_n3A_177 = arith.select %eq3A_172, %broadcast_in_dim3A_175, %broadcast_in_dim3A_176 : vector<16xi1>, vector<16xf32>
      %swap3A_178 = arith.constant 78 : i32
      %swap3A_179 = arith.index_cast %swap3A_178 : i32 to index
      %swap3A_180 = arith.constant 48 : index
      %swap3A_181 = tpu.vector_load %arg10[%swap3A_179, %swap3A_180] {strides = array<i32>} : memref<79x128xf32, #tpu.memory_space<vmem>>, vector<1x16xf32>,
      %swap3A_182 = vector.shape_cast %swap3A_181 : vector<1x16xf32> to vector<16xf32>
      %swap3A_183 = vector.shape_cast %select_n3A_177 : vector<16xf32> to vector<1x16xf32>
      tpu.vector_store %arg10[%swap3A_179, %swap3A_180], %swap3A_183 {strides = array<i32>} : memref<79x128xf32, #tpu.memory_space<vmem>>, vector<1x16xf32>,
      %select_n3A_184 = arith.select %eq3A_172, %add3A_20, %get3A_166 : vector<16xi1>, vector<16xi32>
      %add3A_185 = arith.addi %select_n3A_184, %select_n3A_184 : vector<16xi32>
      %swap3A_186 = arith.constant 78 : i32
      %swap3A_187 = arith.index_cast %swap3A_186 : i32 to index
      %swap3A_188 = arith.constant 48 : index
      %swap3A_189 = tpu.vector_load %arg8[%swap3A_187, %swap3A_188] {strides = array<i32>} : memref<79x128xi32, #tpu.memory_space<vmem>>, vector<1x16xi32>,
      %swap3A_190 = vector.shape_cast %swap3A_189 : vector<1x16xi32> to vector<16xi32>
      %swap3A_191 = vector.shape_cast %add3A_185 : vector<16xi32> to vector<1x16xi32>
      tpu.vector_store %arg8[%swap3A_187, %swap3A_188], %swap3A_191 {strides = array<i32>} : memref<79x128xi32, #tpu.memory_space<vmem>>, vector<1x16xi32>,
      %add3A_192 = arith.constant 1 : i32
      %add3A_193 = vector.broadcast %add3A_192 : i32 to vector<16xi32>
      %add3A_194 = arith.addi %add3A_185, %add3A_193 : vector<16xi32>
      %swap3A_195 = arith.constant 78 : i32
      %swap3A_196 = arith.index_cast %swap3A_195 : i32 to index
      %swap3A_197 = arith.constant 48 : index
      %swap3A_198 = tpu.vector_load %arg9[%swap3A_196, %swap3A_197] {strides = array<i32>} : memref<79x128xi32, #tpu.memory_space<vmem>>, vector<1x16xi32>,
      %swap3A_199 = vector.shape_cast %swap3A_198 : vector<1x16xi32> to vector<16xi32>
      %swap3A_200 = vector.shape_cast %add3A_194 : vector<16xi32> to vector<1x16xi32>
      tpu.vector_store %arg9[%swap3A_196, %swap3A_197], %swap3A_200 {strides = array<i32>} : memref<79x128xi32, #tpu.memory_space<vmem>>, vector<1x16xi32>,
      %get3A_201 = arith.constant 78 : i32
      %get3A_202 = arith.index_cast %get3A_201 : i32 to index
      %get3A_203 = arith.constant 64 : index
      %get3A_204 = tpu.vector_load %arg6[%get3A_202, %get3A_203] {strides = array<i32>} : memref<79x128xi32, #tpu.memory_space<vmem>>, vector<1x16xi32>,
      %get3A_205 = vector.shape_cast %get3A_204 : vector<1x16xi32> to vector<16xi32>
      %get3A_206 = arith.constant 78 : i32
      %get3A_207 = arith.index_cast %get3A_206 : i32 to index
      %get3A_208 = arith.constant 64 : index
      %get3A_209 = tpu.vector_load %arg7[%get3A_207, %get3A_208] {strides = array<i32>} : memref<79x128xi32, #tpu.memory_space<vmem>>, vector<1x16xi32>,
      %get3A_210 = vector.shape_cast %get3A_209 : vector<1x16xi32> to vector<16xi32>
      %eq3A_211 = arith.cmpi eq, %get3A_205, %get3A_210 : vector<16xi32>
      %jit3A_212 = arith.constant 0.000000e+00 : f32
      %jit3A_213 = arith.constant 1.000000e+00 : f32
      %broadcast_in_dim3A_214 = vector.broadcast %jit3A_212 : f32 to vector<16xf32>
      %broadcast_in_dim3A_215 = vector.broadcast %jit3A_213 : f32 to vector<16xf32>
      %select_n3A_216 = arith.select %eq3A_211, %broadcast_in_dim3A_214, %broadcast_in_dim3A_215 : vector<16xi1>, vector<16xf32>
      %swap3A_217 = arith.constant 78 : i32
      %swap3A_218 = arith.index_cast %swap3A_217 : i32 to index
      %swap3A_219 = arith.constant 64 : index
      %swap3A_220 = tpu.vector_load %arg10[%swap3A_218, %swap3A_219] {strides = array<i32>} : memref<79x128xf32, #tpu.memory_space<vmem>>, vector<1x16xf32>,
      %swap3A_221 = vector.shape_cast %swap3A_220 : vector<1x16xf32> to vector<16xf32>
      %swap3A_222 = vector.shape_cast %select_n3A_216 : vector<16xf32> to vector<1x16xf32>
      tpu.vector_store %arg10[%swap3A_218, %swap3A_219], %swap3A_222 {strides = array<i32>} : memref<79x128xf32, #tpu.memory_space<vmem>>, vector<1x16xf32>,
      %select_n3A_223 = arith.select %eq3A_211, %add3A_20, %get3A_205 : vector<16xi1>, vector<16xi32>
      %add3A_224 = arith.addi %select_n3A_223, %select_n3A_223 : vector<16xi32>
      %swap3A_225 = arith.constant 78 : i32
      %swap3A_226 = arith.index_cast %swap3A_225 : i32 to index
      %swap3A_227 = arith.constant 64 : index
      %swap3A_228 = tpu.vector_load %arg8[%swap3A_226, %swap3A_227] {strides = array<i32>} : memref<79x128xi32, #tpu.memory_space<vmem>>, vector<1x16xi32>,
      %swap3A_229 = vector.shape_cast %swap3A_228 : vector<1x16xi32> to vector<16xi32>
      %swap3A_230 = vector.shape_cast %add3A_224 : vector<16xi32> to vector<1x16xi32>
      tpu.vector_store %arg8[%swap3A_226, %swap3A_227], %swap3A_230 {strides = array<i32>} : memref<79x128xi32, #tpu.memory_space<vmem>>, vector<1x16xi32>,
      %add3A_231 = arith.constant 1 : i32
      %add3A_232 = vector.broadcast %add3A_231 : i32 to vector<16xi32>
      %add3A_233 = arith.addi %add3A_224, %add3A_232 : vector<16xi32>
      %swap3A_234 = arith.constant 78 : i32
      %swap3A_235 = arith.index_cast %swap3A_234 : i32 to index
      %swap3A_236 = arith.constant 64 : index
      %swap3A_237 = tpu.vector_load %arg9[%swap3A_235, %swap3A_236] {strides = array<i32>} : memref<79x128xi32, #tpu.memory_space<vmem>>, vector<1x16xi32>,
      %swap3A_238 = vector.shape_cast %swap3A_237 : vector<1x16xi32> to vector<16xi32>
      %swap3A_239 = vector.shape_cast %add3A_233 : vector<16xi32> to vector<1x16xi32>
      tpu.vector_store %arg9[%swap3A_235, %swap3A_236], %swap3A_239 {strides = array<i32>} : memref<79x128xi32, #tpu.memory_space<vmem>>, vector<1x16xi32>,
      %get3A_240 = arith.constant 78 : i32
      %get3A_241 = arith.index_cast %get3A_240 : i32 to index
      %get3A_242 = arith.constant 80 : index
      %get3A_243 = tpu.vector_load %arg6[%get3A_241, %get3A_242] {strides = array<i32>} : memref<79x128xi32, #tpu.memory_space<vmem>>, vector<1x16xi32>,
      %get3A_244 = vector.shape_cast %get3A_243 : vector<1x16xi32> to vector<16xi32>
      %get3A_245 = arith.constant 78 : i32
      %get3A_246 = arith.index_cast %get3A_245 : i32 to index
      %get3A_247 = arith.constant 80 : index
      %get3A_248 = tpu.vector_load %arg7[%get3A_246, %get3A_247] {strides = array<i32>} : memref<79x128xi32, #tpu.memory_space<vmem>>, vector<1x16xi32>,
      %get3A_249 = vector.shape_cast %get3A_248 : vector<1x16xi32> to vector<16xi32>
      %eq3A_250 = arith.cmpi eq, %get3A_244, %get3A_249 : vector<16xi32>
      %jit3A_251 = arith.constant 0.000000e+00 : f32
      %jit3A_252 = arith.constant 1.000000e+00 : f32
      %broadcast_in_dim3A_253 = vector.broadcast %jit3A_251 : f32 to vector<16xf32>
      %broadcast_in_dim3A_254 = vector.broadcast %jit3A_252 : f32 to vector<16xf32>
      %select_n3A_255 = arith.select %eq3A_250, %broadcast_in_dim3A_253, %broadcast_in_dim3A_254 : vector<16xi1>, vector<16xf32>
      %swap3A_256 = arith.constant 78 : i32
      %swap3A_257 = arith.index_cast %swap3A_256 : i32 to index
      %swap3A_258 = arith.constant 80 : index
      %swap3A_259 = tpu.vector_load %arg10[%swap3A_257, %swap3A_258] {strides = array<i32>} : memref<79x128xf32, #tpu.memory_space<vmem>>, vector<1x16xf32>,
      %swap3A_260 = vector.shape_cast %swap3A_259 : vector<1x16xf32> to vector<16xf32>
      %swap3A_261 = vector.shape_cast %select_n3A_255 : vector<16xf32> to vector<1x16xf32>
      tpu.vector_store %arg10[%swap3A_257, %swap3A_258], %swap3A_261 {strides = array<i32>} : memref<79x128xf32, #tpu.memory_space<vmem>>, vector<1x16xf32>,
      %select_n3A_262 = arith.select %eq3A_250, %add3A_20, %get3A_244 : vector<16xi1>, vector<16xi32>
      %add3A_263 = arith.addi %select_n3A_262, %select_n3A_262 : vector<16xi32>
      %swap3A_264 = arith.constant 78 : i32
      %swap3A_265 = arith.index_cast %swap3A_264 : i32 to index
      %swap3A_266 = arith.constant 80 : index
      %swap3A_267 = tpu.vector_load %arg8[%swap3A_265, %swap3A_266] {strides = array<i32>} : memref<79x128xi32, #tpu.memory_space<vmem>>, vector<1x16xi32>,
      %swap3A_268 = vector.shape_cast %swap3A_267 : vector<1x16xi32> to vector<16xi32>
      %swap3A_269 = vector.shape_cast %add3A_263 : vector<16xi32> to vector<1x16xi32>
      tpu.vector_store %arg8[%swap3A_265, %swap3A_266], %swap3A_269 {strides = array<i32>} : memref<79x128xi32, #tpu.memory_space<vmem>>, vector<1x16xi32>,
      %add3A_270 = arith.constant 1 : i32
      %add3A_271 = vector.broadcast %add3A_270 : i32 to vector<16xi32>
      %add3A_272 = arith.addi %add3A_263, %add3A_271 : vector<16xi32>
      %swap3A_273 = arith.constant 78 : i32
      %swap3A_274 = arith.index_cast %swap3A_273 : i32 to index
      %swap3A_275 = arith.constant 80 : index
      %swap3A_276 = tpu.vector_load %arg9[%swap3A_274, %swap3A_275] {strides = array<i32>} : memref<79x128xi32, #tpu.memory_space<vmem>>, vector<1x16xi32>,
      %swap3A_277 = vector.shape_cast %swap3A_276 : vector<1x16xi32> to vector<16xi32>
      %swap3A_278 = vector.shape_cast %add3A_272 : vector<16xi32> to vector<1x16xi32>
      tpu.vector_store %arg9[%swap3A_274, %swap3A_275], %swap3A_278 {strides = array<i32>} : memref<79x128xi32, #tpu.memory_space<vmem>>, vector<1x16xi32>,
      %get3A_279 = arith.constant 78 : i32
      %get3A_280 = arith.index_cast %get3A_279 : i32 to index
      %get3A_281 = arith.constant 96 : index
      %get3A_282 = tpu.vector_load %arg6[%get3A_280, %get3A_281] {strides = array<i32>} : memref<79x128xi32, #tpu.memory_space<vmem>>, vector<1x16xi32>,
      %get3A_283 = vector.shape_cast %get3A_282 : vector<1x16xi32> to vector<16xi32>
      %get3A_284 = arith.constant 78 : i32
      %get3A_285 = arith.index_cast %get3A_284 : i32 to index
      %get3A_286 = arith.constant 96 : index
      %get3A_287 = tpu.vector_load %arg7[%get3A_285, %get3A_286] {strides = array<i32>} : memref<79x128xi32, #tpu.memory_space<vmem>>, vector<1x16xi32>,
      %get3A_288 = vector.shape_cast %get3A_287 : vector<1x16xi32> to vector<16xi32>
      %eq3A_289 = arith.cmpi eq, %get3A_283, %get3A_288 : vector<16xi32>
      %jit3A_290 = arith.constant 0.000000e+00 : f32
      %jit3A_291 = arith.constant 1.000000e+00 : f32
      %broadcast_in_dim3A_292 = vector.broadcast %jit3A_290 : f32 to vector<16xf32>
      %broadcast_in_dim3A_293 = vector.broadcast %jit3A_291 : f32 to vector<16xf32>
      %select_n3A_294 = arith.select %eq3A_289, %broadcast_in_dim3A_292, %broadcast_in_dim3A_293 : vector<16xi1>, vector<16xf32>
      %swap3A_295 = arith.constant 78 : i32
      %swap3A_296 = arith.index_cast %swap3A_295 : i32 to index
      %swap3A_297 = arith.constant 96 : index
      %swap3A_298 = tpu.vector_load %arg10[%swap3A_296, %swap3A_297] {strides = array<i32>} : memref<79x128xf32, #tpu.memory_space<vmem>>, vector<1x16xf32>,
      %swap3A_299 = vector.shape_cast %swap3A_298 : vector<1x16xf32> to vector<16xf32>
      %swap3A_300 = vector.shape_cast %select_n3A_294 : vector<16xf32> to vector<1x16xf32>
      tpu.vector_store %arg10[%swap3A_296, %swap3A_297], %swap3A_300 {strides = array<i32>} : memref<79x128xf32, #tpu.memory_space<vmem>>, vector<1x16xf32>,
      %select_n3A_301 = arith.select %eq3A_289, %add3A_20, %get3A_283 : vector<16xi1>, vector<16xi32>
      %add3A_302 = arith.addi %select_n3A_301, %select_n3A_301 : vector<16xi32>
      %swap3A_303 = arith.constant 78 : i32
      %swap3A_304 = arith.index_cast %swap3A_303 : i32 to index
      %swap3A_305 = arith.constant 96 : index
      %swap3A_306 = tpu.vector_load %arg8[%swap3A_304, %swap3A_305] {strides = array<i32>} : memref<79x128xi32, #tpu.memory_space<vmem>>, vector<1x16xi32>,
      %swap3A_307 = vector.shape_cast %swap3A_306 : vector<1x16xi32> to vector<16xi32>
      %swap3A_308 = vector.shape_cast %add3A_302 : vector<16xi32> to vector<1x16xi32>
      tpu.vector_store %arg8[%swap3A_304, %swap3A_305], %swap3A_308 {strides = array<i32>} : memref<79x128xi32, #tpu.memory_space<vmem>>, vector<1x16xi32>,
      %add3A_309 = arith.constant 1 : i32
      %add3A_310 = vector.broadcast %add3A_309 : i32 to vector<16xi32>
      %add3A_311 = arith.addi %add3A_302, %add3A_310 : vector<16xi32>
      %swap3A_312 = arith.constant 78 : i32
      %swap3A_313 = arith.index_cast %swap3A_312 : i32 to index
      %swap3A_314 = arith.constant 96 : index
      %swap3A_315 = tpu.vector_load %arg9[%swap3A_313, %swap3A_314] {strides = array<i32>} : memref<79x128xi32, #tpu.memory_space<vmem>>, vector<1x16xi32>,
      %swap3A_316 = vector.shape_cast %swap3A_315 : vector<1x16xi32> to vector<16xi32>
      %swap3A_317 = vector.shape_cast %add3A_311 : vector<16xi32> to vector<1x16xi32>
      tpu.vector_store %arg9[%swap3A_313, %swap3A_314], %swap3A_317 {strides = array<i32>} : memref<79x128xi32, #tpu.memory_space<vmem>>, vector<1x16xi32>,
      %get3A_318 = arith.constant 78 : i32
      %get3A_319 = arith.index_cast %get3A_318 : i32 to index
      %get3A_320 = arith.constant 112 : index
      %get3A_321 = tpu.vector_load %arg6[%get3A_319, %get3A_320] {strides = array<i32>} : memref<79x128xi32, #tpu.memory_space<vmem>>, vector<1x16xi32>,
      %get3A_322 = vector.shape_cast %get3A_321 : vector<1x16xi32> to vector<16xi32>
      %get3A_323 = arith.constant 78 : i32
      %get3A_324 = arith.index_cast %get3A_323 : i32 to index
      %get3A_325 = arith.constant 112 : index
      %get3A_326 = tpu.vector_load %arg7[%get3A_324, %get3A_325] {strides = array<i32>} : memref<79x128xi32, #tpu.memory_space<vmem>>, vector<1x16xi32>,
      %get3A_327 = vector.shape_cast %get3A_326 : vector<1x16xi32> to vector<16xi32>
      %eq3A_328 = arith.cmpi eq, %get3A_322, %get3A_327 : vector<16xi32>
      %jit3A_329 = arith.constant 0.000000e+00 : f32
      %jit3A_330 = arith.constant 1.000000e+00 : f32
      %broadcast_in_dim3A_331 = vector.broadcast %jit3A_329 : f32 to vector<16xf32>
      %broadcast_in_dim3A_332 = vector.broadcast %jit3A_330 : f32 to vector<16xf32>
      %select_n3A_333 = arith.select %eq3A_328, %broadcast_in_dim3A_331, %broadcast_in_dim3A_332 : vector<16xi1>, vector<16xf32>
      %swap3A_334 = arith.constant 78 : i32
      %swap3A_335 = arith.index_cast %swap3A_334 : i32 to index
      %swap3A_336 = arith.constant 112 : index
      %swap3A_337 = tpu.vector_load %arg10[%swap3A_335, %swap3A_336] {strides = array<i32>} : memref<79x128xf32, #tpu.memory_space<vmem>>, vector<1x16xf32>,
      %swap3A_338 = vector.shape_cast %swap3A_337 : vector<1x16xf32> to vector<16xf32>
      %swap3A_339 = vector.shape_cast %select_n3A_333 : vector<16xf32> to vector<1x16xf32>
      tpu.vector_store %arg10[%swap3A_335, %swap3A_336], %swap3A_339 {strides = array<i32>} : memref<79x128xf32, #tpu.memory_space<vmem>>, vector<1x16xf32>,
      %select_n3A_340 = arith.select %eq3A_328, %add3A_20, %get3A_322 : vector<16xi1>, vector<16xi32>
      %add3A_341 = arith.addi %select_n3A_340, %select_n3A_340 : vector<16xi32>
      %swap3A_342 = arith.constant 78 : i32
      %swap3A_343 = arith.index_cast %swap3A_342 : i32 to index
      %swap3A_344 = arith.constant 112 : index
      %swap3A_345 = tpu.vector_load %arg8[%swap3A_343, %swap3A_344] {strides = array<i32>} : memref<79x128xi32, #tpu.memory_space<vmem>>, vector<1x16xi32>,
      %swap3A_346 = vector.shape_cast %swap3A_345 : vector<1x16xi32> to vector<16xi32>
      %swap3A_347 = vector.shape_cast %add3A_341 : vector<16xi32> to vector<1x16xi32>
      tpu.vector_store %arg8[%swap3A_343, %swap3A_344], %swap3A_347 {strides = array<i32>} : memref<79x128xi32, #tpu.memory_space<vmem>>, vector<1x16xi32>,
      %add3A_348 = arith.constant 1 : i32
      %add3A_349 = vector.broadcast %add3A_348 : i32 to vector<16xi32>
      %add3A_350 = arith.addi %add3A_341, %add3A_349 : vector<16xi32>
      %swap3A_351 = arith.constant 78 : i32
      %swap3A_352 = arith.index_cast %swap3A_351 : i32 to index
      %swap3A_353 = arith.constant 112 : index
      %swap3A_354 = tpu.vector_load %arg9[%swap3A_352, %swap3A_353] {strides = array<i32>} : memref<79x128xi32, #tpu.memory_space<vmem>>, vector<1x16xi32>,
      %swap3A_355 = vector.shape_cast %swap3A_354 : vector<1x16xi32> to vector<16xi32>
      %swap3A_356 = vector.shape_cast %add3A_350 : vector<16xi32> to vector<1x16xi32>
      tpu.vector_store %arg9[%swap3A_352, %swap3A_353], %swap3A_356 {strides = array<i32>} : memref<79x128xi32, #tpu.memory_space<vmem>>, vector<1x16xi32>,
      %run_scoped3A_357 = arith.constant 78 : i32
      %run_scoped3A_358 = arith.constant 78 : i32
      "tpu.region"() ({
        %run_scoped3A_359 = tpu.sem_alloc : memref<!tpu.dma_semaphore, #tpu.memory_space<semaphore_mem>>
        %dma_start3A = arith.constant 0 : i32
        %dma_start3A_360 = tpu.memref_slice %arg10[%run_scoped3A_357, %dma_start3A] : memref<79x128xf32, #tpu.memory_space<vmem>> -> memref<1x128xf32, #tpu.memory_space<vmem>>
        %dma_start3A_361 = tpu.memref_squeeze %dma_start3A_360 : memref<1x128xf32, #tpu.memory_space<vmem>> -> memref<128xf32, #tpu.memory_space<vmem>>
        %dma_start3A_362 = arith.constant 0 : i32
        %dma_start3A_363 = tpu.memref_slice %arg6[%run_scoped3A_358, %dma_start3A_362] : memref<79x128xi32, #tpu.memory_space<vmem>> -> memref<1x128xi32, #tpu.memory_space<vmem>>
        %dma_start3A_364 = tpu.memref_squeeze %dma_start3A_363 : memref<1x128xi32, #tpu.memory_space<vmem>> -> memref<128xi32, #tpu.memory_space<vmem>>
        %dma_start3A_365 = arith.constant 0 : i32
        %dma_start3A_366 = tpu.memref_slice %arg12[%dma_start3A_365] : memref<10240xf32, #tpu.memory_space<vmem_shared>> -> memref<10240xf32, #tpu.memory_space<vmem_shared>>
        tpu.enqueue_indirect_dma source(%dma_start3A_361 : memref<128xf32, #tpu.memory_space<vmem>>) target(%dma_start3A_366 : memref<10240xf32, #tpu.memory_space<vmem_shared>>) offsets(%dma_start3A_364 : memref<128xi32, #tpu.memory_space<vmem>>) semaphore(%run_scoped3A_359 : memref<!tpu.dma_semaphore, #tpu.memory_space<semaphore_mem>>) {add = true}
        %dma_wait3A = arith.constant 0 : i32
        %dma_wait3A_367 = tpu.memref_slice %arg10[%run_scoped3A_357, %dma_wait3A] : memref<79x128xf32, #tpu.memory_space<vmem>> -> memref<1x128xf32, #tpu.memory_space<vmem>>
        %dma_wait3A_368 = tpu.memref_squeeze %dma_wait3A_367 : memref<1x128xf32, #tpu.memory_space<vmem>> -> memref<128xf32, #tpu.memory_space<vmem>>
        %dma_wait3A_369 = arith.constant 0 : i32
        %dma_wait3A_370 = tpu.memref_slice %arg6[%run_scoped3A_358, %dma_wait3A_369] : memref<79x128xi32, #tpu.memory_space<vmem>> -> memref<1x128xi32, #tpu.memory_space<vmem>>
        %dma_wait3A_371 = tpu.memref_squeeze %dma_wait3A_370 : memref<1x128xi32, #tpu.memory_space<vmem>> -> memref<128xi32, #tpu.memory_space<vmem>>
        %dma_wait3A_372 = arith.constant 0 : i32
        %dma_wait3A_373 = tpu.memref_slice %arg12[%dma_wait3A_372] : memref<10240xf32, #tpu.memory_space<vmem_shared>> -> memref<10240xf32, #tpu.memory_space<vmem_shared>>
        tpu.wait_indirect_dma semaphore(%run_scoped3A_359 : memref<!tpu.dma_semaphore, #tpu.memory_space<semaphore_mem>>) src(%dma_wait3A_368 : memref<128xf32, #tpu.memory_space<vmem>>) dst(%dma_wait3A_373 : memref<10240xf32, #tpu.memory_space<vmem_shared>>)
        tpu.yield
      }) : () -> ()
    } else {
    }
    %scan3A_30 = arith.constant 0 : i32
    %scan3A_31 = arith.constant 0 : i32
    %scan3A_32 = arith.constant 78 : i32
    %scan3A_33 = arith.addi %scan3A_31, %scan3A_32 : i32
    %scan3A_34 = arith.constant 1 : i32
    scf.for %scan3A_51 = %scan3A_31 to %scan3A_33 step %scan3A_34  : i32 {
      %dma_wait3A = arith.constant 0 : i32
      %dma_wait3A_52 = tpu.memref_slice %arg10[%scan3A_51, %dma_wait3A] : memref<79x128xf32, #tpu.memory_space<vmem>> -> memref<1x128xf32, #tpu.memory_space<vmem>>
      %dma_wait3A_53 = tpu.memref_squeeze %dma_wait3A_52 : memref<1x128xf32, #tpu.memory_space<vmem>> -> memref<128xf32, #tpu.memory_space<vmem>>
      %dma_wait3A_54 = arith.constant 0 : i32
      %dma_wait3A_55 = tpu.memref_slice %arg6[%scan3A_51, %dma_wait3A_54] : memref<79x128xi32, #tpu.memory_space<vmem>> -> memref<1x128xi32, #tpu.memory_space<vmem>>
      %dma_wait3A_56 = tpu.memref_squeeze %dma_wait3A_55 : memref<1x128xi32, #tpu.memory_space<vmem>> -> memref<128xi32, #tpu.memory_space<vmem>>
      %dma_wait3A_57 = arith.constant 0 : i32
      %dma_wait3A_58 = tpu.memref_slice %arg12[%dma_wait3A_57] : memref<10240xf32, #tpu.memory_space<vmem_shared>> -> memref<10240xf32, #tpu.memory_space<vmem_shared>>
      tpu.wait_indirect_dma semaphore(%arg13 : memref<!tpu.dma_semaphore, #tpu.memory_space<semaphore_mem>>) src(%dma_wait3A_53 : memref<128xf32, #tpu.memory_space<vmem>>) dst(%dma_wait3A_58 : memref<10240xf32, #tpu.memory_space<vmem_shared>>)
    }
    %scan3A_35 = arith.constant 78 : i32
    %barrier3A_36 = arith.constant 0 : index
    tpu.barrier barrier_id(%barrier3A_36)
    %mul3A_37 = arith.constant 78 : i32
    %mul3A_38 = arith.muli %add3A, %mul3A_37 : i32
    "tpu.region"() ({
      %run_scoped3A_51 = tpu.sem_alloc : memref<!tpu.dma_semaphore, #tpu.memory_space<semaphore_mem>>
      %dma_start3A = arith.constant 0 : i32
      %dma_start3A_52 = arith.constant 0 : i32
      %dma_start3A_53 = tpu.memref_slice %arg8[%dma_start3A, %dma_start3A_52] : memref<79x128xi32, #tpu.memory_space<vmem>> -> memref<78x128xi32, #tpu.memory_space<vmem>>
      %dma_start3A_54 = arith.constant 0 : i32
      %dma_start3A_55 = tpu.memref_slice %arg3[%mul3A_38, %dma_start3A_54] : memref<2500x128xi32, #tpu.memory_space<hbm>> -> memref<78x128xi32, #tpu.memory_space<hbm>>
      %dma_start3A_56 = arith.constant 0 : i32
      %dma_start3A_57 = tpu.memref_slice %arg3[%mul3A_38, %dma_start3A_56] : memref<2500x128xi32, #tpu.memory_space<hbm>> -> memref<78x128xi32, #tpu.memory_space<hbm>>
      %dma_start3A_58 = arith.constant 0 : i32
      %dma_start3A_59 = arith.constant 0 : i32
      %dma_start3A_60 = tpu.memref_slice %arg8[%dma_start3A_58, %dma_start3A_59] : memref<79x128xi32, #tpu.memory_space<vmem>> -> memref<78x128xi32, #tpu.memory_space<vmem>>
      tpu.enqueue_dma source(%dma_start3A_60 : memref<78x128xi32, #tpu.memory_space<vmem>>) target(%dma_start3A_57 : memref<78x128xi32, #tpu.memory_space<hbm>>) target_semaphore(%run_scoped3A_51 : memref<!tpu.dma_semaphore, #tpu.memory_space<semaphore_mem>>)
      %dma_wait3A = arith.constant 0 : i32
      %dma_wait3A_61 = arith.constant 0 : i32
      %dma_wait3A_62 = tpu.memref_slice %arg8[%dma_wait3A, %dma_wait3A_61] : memref<79x128xi32, #tpu.memory_space<vmem>> -> memref<78x128xi32, #tpu.memory_space<vmem>>
      %dma_wait3A_63 = arith.constant 0 : i32
      %dma_wait3A_64 = tpu.memref_slice %arg3[%mul3A_38, %dma_wait3A_63] : memref<2500x128xi32, #tpu.memory_space<hbm>> -> memref<78x128xi32, #tpu.memory_space<hbm>>
      %dma_wait3A_65 = arith.constant 0 : i32
      %dma_wait3A_66 = tpu.memref_slice %arg3[%mul3A_38, %dma_wait3A_65] : memref<2500x128xi32, #tpu.memory_space<hbm>> -> memref<78x128xi32, #tpu.memory_space<hbm>>
      %dma_wait3A_67 = arith.constant 0 : i32
      %dma_wait3A_68 = arith.constant 0 : i32
      %dma_wait3A_69 = tpu.memref_slice %arg8[%dma_wait3A_67, %dma_wait3A_68] : memref<79x128xi32, #tpu.memory_space<vmem>> -> memref<78x128xi32, #tpu.memory_space<vmem>>
      tpu.wait_dma2 semaphore(%run_scoped3A_51 : memref<!tpu.dma_semaphore, #tpu.memory_space<semaphore_mem>>) src(%dma_wait3A_69 : memref<78x128xi32, #tpu.memory_space<vmem>>) dst(%dma_wait3A_66 : memref<78x128xi32, #tpu.memory_space<hbm>>)
      tpu.yield
    }) : () -> ()
    %mul3A_39 = arith.constant 78 : i32
    %mul3A_40 = arith.muli %add3A, %mul3A_39 : i32
    "tpu.region"() ({
      %run_scoped3A_51 = tpu.sem_alloc : memref<!tpu.dma_semaphore, #tpu.memory_space<semaphore_mem>>
      %dma_start3A = arith.constant 0 : i32
      %dma_start3A_52 = arith.constant 0 : i32
      %dma_start3A_53 = tpu.memref_slice %arg9[%dma_start3A, %dma_start3A_52] : memref<79x128xi32, #tpu.memory_space<vmem>> -> memref<78x128xi32, #tpu.memory_space<vmem>>
      %dma_start3A_54 = arith.constant 0 : i32
      %dma_start3A_55 = tpu.memref_slice %arg4[%mul3A_40, %dma_start3A_54] : memref<2500x128xi32, #tpu.memory_space<hbm>> -> memref<78x128xi32, #tpu.memory_space<hbm>>
      %dma_start3A_56 = arith.constant 0 : i32
      %dma_start3A_57 = tpu.memref_slice %arg4[%mul3A_40, %dma_start3A_56] : memref<2500x128xi32, #tpu.memory_space<hbm>> -> memref<78x128xi32, #tpu.memory_space<hbm>>
      %dma_start3A_58 = arith.constant 0 : i32
      %dma_start3A_59 = arith.constant 0 : i32
      %dma_start3A_60 = tpu.memref_slice %arg9[%dma_start3A_58, %dma_start3A_59] : memref<79x128xi32, #tpu.memory_space<vmem>> -> memref<78x128xi32, #tpu.memory_space<vmem>>
      tpu.enqueue_dma source(%dma_start3A_60 : memref<78x128xi32, #tpu.memory_space<vmem>>) target(%dma_start3A_57 : memref<78x128xi32, #tpu.memory_space<hbm>>) target_semaphore(%run_scoped3A_51 : memref<!tpu.dma_semaphore, #tpu.memory_space<semaphore_mem>>)
      %dma_wait3A = arith.constant 0 : i32
      %dma_wait3A_61 = arith.constant 0 : i32
      %dma_wait3A_62 = tpu.memref_slice %arg9[%dma_wait3A, %dma_wait3A_61] : memref<79x128xi32, #tpu.memory_space<vmem>> -> memref<78x128xi32, #tpu.memory_space<vmem>>
      %dma_wait3A_63 = arith.constant 0 : i32
      %dma_wait3A_64 = tpu.memref_slice %arg4[%mul3A_40, %dma_wait3A_63] : memref<2500x128xi32, #tpu.memory_space<hbm>> -> memref<78x128xi32, #tpu.memory_space<hbm>>
      %dma_wait3A_65 = arith.constant 0 : i32
      %dma_wait3A_66 = tpu.memref_slice %arg4[%mul3A_40, %dma_wait3A_65] : memref<2500x128xi32, #tpu.memory_space<hbm>> -> memref<78x128xi32, #tpu.memory_space<hbm>>
      %dma_wait3A_67 = arith.constant 0 : i32
      %dma_wait3A_68 = arith.constant 0 : i32
      %dma_wait3A_69 = tpu.memref_slice %arg9[%dma_wait3A_67, %dma_wait3A_68] : memref<79x128xi32, #tpu.memory_space<vmem>> -> memref<78x128xi32, #tpu.memory_space<vmem>>
      tpu.wait_dma2 semaphore(%run_scoped3A_51 : memref<!tpu.dma_semaphore, #tpu.memory_space<semaphore_mem>>) src(%dma_wait3A_69 : memref<78x128xi32, #tpu.memory_space<vmem>>) dst(%dma_wait3A_66 : memref<78x128xi32, #tpu.memory_space<hbm>>)
      tpu.yield
    }) : () -> ()
    %convert_element_type3A_41 = arith.extui %ge3A_1 : i1 to i32
    %cond3A_42 = arith.constant 0 : i32
    %cond3A_43 = arith.cmpi ne, %convert_element_type3A_41, %cond3A_42 : i32
    scf.if %cond3A_43 {
      "tpu.region"() ({
        %run_scoped3A_51 = tpu.sem_alloc : memref<!tpu.dma_semaphore, #tpu.memory_space<semaphore_mem>>
        %dma_start3A = arith.constant 78 : i32
        %dma_start3A_52 = arith.constant 0 : i32
        %dma_start3A_53 = tpu.memref_slice %arg8[%dma_start3A, %dma_start3A_52] : memref<79x128xi32, #tpu.memory_space<vmem>> -> memref<1x128xi32, #tpu.memory_space<vmem>>
        %dma_start3A_54 = arith.constant 0 : i32
        %dma_start3A_55 = tpu.memref_slice %arg3[%sub3A_4, %dma_start3A_54] : memref<2500x128xi32, #tpu.memory_space<hbm>> -> memref<1x128xi32, #tpu.memory_space<hbm>>
        %dma_start3A_56 = arith.constant 0 : i32
        %dma_start3A_57 = tpu.memref_slice %arg3[%sub3A_4, %dma_start3A_56] : memref<2500x128xi32, #tpu.memory_space<hbm>> -> memref<1x128xi32, #tpu.memory_space<hbm>>
        %dma_start3A_58 = arith.constant 78 : i32
        %dma_start3A_59 = arith.constant 0 : i32
        %dma_start3A_60 = tpu.memref_slice %arg8[%dma_start3A_58, %dma_start3A_59] : memref<79x128xi32, #tpu.memory_space<vmem>> -> memref<1x128xi32, #tpu.memory_space<vmem>>
        tpu.enqueue_dma source(%dma_start3A_60 : memref<1x128xi32, #tpu.memory_space<vmem>>) target(%dma_start3A_57 : memref<1x128xi32, #tpu.memory_space<hbm>>) target_semaphore(%run_scoped3A_51 : memref<!tpu.dma_semaphore, #tpu.memory_space<semaphore_mem>>)
        %dma_wait3A = arith.constant 78 : i32
        %dma_wait3A_61 = arith.constant 0 : i32
        %dma_wait3A_62 = tpu.memref_slice %arg8[%dma_wait3A, %dma_wait3A_61] : memref<79x128xi32, #tpu.memory_space<vmem>> -> memref<1x128xi32, #tpu.memory_space<vmem>>
        %dma_wait3A_63 = arith.constant 0 : i32
        %dma_wait3A_64 = tpu.memref_slice %arg3[%sub3A_4, %dma_wait3A_63] : memref<2500x128xi32, #tpu.memory_space<hbm>> -> memref<1x128xi32, #tpu.memory_space<hbm>>
        %dma_wait3A_65 = arith.constant 0 : i32
        %dma_wait3A_66 = tpu.memref_slice %arg3[%sub3A_4, %dma_wait3A_65] : memref<2500x128xi32, #tpu.memory_space<hbm>> -> memref<1x128xi32, #tpu.memory_space<hbm>>
        %dma_wait3A_67 = arith.constant 78 : i32
        %dma_wait3A_68 = arith.constant 0 : i32
        %dma_wait3A_69 = tpu.memref_slice %arg8[%dma_wait3A_67, %dma_wait3A_68] : memref<79x128xi32, #tpu.memory_space<vmem>> -> memref<1x128xi32, #tpu.memory_space<vmem>>
        tpu.wait_dma2 semaphore(%run_scoped3A_51 : memref<!tpu.dma_semaphore, #tpu.memory_space<semaphore_mem>>) src(%dma_wait3A_69 : memref<1x128xi32, #tpu.memory_space<vmem>>) dst(%dma_wait3A_66 : memref<1x128xi32, #tpu.memory_space<hbm>>)
        tpu.yield
      }) : () -> ()
      "tpu.region"() ({
        %run_scoped3A_51 = tpu.sem_alloc : memref<!tpu.dma_semaphore, #tpu.memory_space<semaphore_mem>>
        %dma_start3A = arith.constant 78 : i32
        %dma_start3A_52 = arith.constant 0 : i32
        %dma_start3A_53 = tpu.memref_slice %arg9[%dma_start3A, %dma_start3A_52] : memref<79x128xi32, #tpu.memory_space<vmem>> -> memref<1x128xi32, #tpu.memory_space<vmem>>
        %dma_start3A_54 = arith.constant 0 : i32
        %dma_start3A_55 = tpu.memref_slice %arg4[%sub3A_4, %dma_start3A_54] : memref<2500x128xi32, #tpu.memory_space<hbm>> -> memref<1x128xi32, #tpu.memory_space<hbm>>
        %dma_start3A_56 = arith.constant 0 : i32
        %dma_start3A_57 = tpu.memref_slice %arg4[%sub3A_4, %dma_start3A_56] : memref<2500x128xi32, #tpu.memory_space<hbm>> -> memref<1x128xi32, #tpu.memory_space<hbm>>
        %dma_start3A_58 = arith.constant 78 : i32
        %dma_start3A_59 = arith.constant 0 : i32
        %dma_start3A_60 = tpu.memref_slice %arg9[%dma_start3A_58, %dma_start3A_59] : memref<79x128xi32, #tpu.memory_space<vmem>> -> memref<1x128xi32, #tpu.memory_space<vmem>>
        tpu.enqueue_dma source(%dma_start3A_60 : memref<1x128xi32, #tpu.memory_space<vmem>>) target(%dma_start3A_57 : memref<1x128xi32, #tpu.memory_space<hbm>>) target_semaphore(%run_scoped3A_51 : memref<!tpu.dma_semaphore, #tpu.memory_space<semaphore_mem>>)
        %dma_wait3A = arith.constant 78 : i32
        %dma_wait3A_61 = arith.constant 0 : i32
        %dma_wait3A_62 = tpu.memref_slice %arg9[%dma_wait3A, %dma_wait3A_61] : memref<79x128xi32, #tpu.memory_space<vmem>> -> memref<1x128xi32, #tpu.memory_space<vmem>>
        %dma_wait3A_63 = arith.constant 0 : i32
        %dma_wait3A_64 = tpu.memref_slice %arg4[%sub3A_4, %dma_wait3A_63] : memref<2500x128xi32, #tpu.memory_space<hbm>> -> memref<1x128xi32, #tpu.memory_space<hbm>>
        %dma_wait3A_65 = arith.constant 0 : i32
        %dma_wait3A_66 = tpu.memref_slice %arg4[%sub3A_4, %dma_wait3A_65] : memref<2500x128xi32, #tpu.memory_space<hbm>> -> memref<1x128xi32, #tpu.memory_space<hbm>>
        %dma_wait3A_67 = arith.constant 78 : i32
        %dma_wait3A_68 = arith.constant 0 : i32
        %dma_wait3A_69 = tpu.memref_slice %arg9[%dma_wait3A_67, %dma_wait3A_68] : memref<79x128xi32, #tpu.memory_space<vmem>> -> memref<1x128xi32, #tpu.memory_space<vmem>>
        tpu.wait_dma2 semaphore(%run_scoped3A_51 : memref<!tpu.dma_semaphore, #tpu.memory_space<semaphore_mem>>) src(%dma_wait3A_69 : memref<1x128xi32, #tpu.memory_space<vmem>>) dst(%dma_wait3A_66 : memref<1x128xi32, #tpu.memory_space<hbm>>)
        tpu.yield
      }) : () -> ()
    } else {
    }
    %mul3A_44 = arith.constant 640 : i32
    %mul3A_45 = arith.muli %arg1, %mul3A_44 : i32
    "tpu.region"() ({
      %run_scoped3A_51 = tpu.sem_alloc : memref<!tpu.dma_semaphore, #tpu.memory_space<semaphore_mem>>
      %dma_start3A = tpu.memref_slice %arg12[%mul3A_45] : memref<10240xf32, #tpu.memory_space<vmem_shared>> -> memref<640xf32, #tpu.memory_space<vmem_shared>>
      %dma_start3A_52 = tpu.memref_slice %arg12[%mul3A_45] : memref<10240xf32, #tpu.memory_space<vmem_shared>> -> memref<640xf32, #tpu.memory_space<vmem_shared>>
      tpu.enqueue_dma source(%dma_start3A_52 : memref<640xf32, #tpu.memory_space<vmem_shared>>) target(%arg11 : memref<640xf32, #tpu.memory_space<vmem>>) target_semaphore(%run_scoped3A_51 : memref<!tpu.dma_semaphore, #tpu.memory_space<semaphore_mem>>)
      %dma_wait3A = tpu.memref_slice %arg12[%mul3A_45] : memref<10240xf32, #tpu.memory_space<vmem_shared>> -> memref<640xf32, #tpu.memory_space<vmem_shared>>
      %dma_wait3A_53 = tpu.memref_slice %arg12[%mul3A_45] : memref<10240xf32, #tpu.memory_space<vmem_shared>> -> memref<640xf32, #tpu.memory_space<vmem_shared>>
      tpu.wait_dma2 semaphore(%run_scoped3A_51 : memref<!tpu.dma_semaphore, #tpu.memory_space<semaphore_mem>>) src(%dma_wait3A_53 : memref<640xf32, #tpu.memory_space<vmem_shared>>) dst(%arg11 : memref<640xf32, #tpu.memory_space<vmem>>)
      tpu.yield
    }) : () -> ()
    %mul3A_46 = arith.constant 10240 : i32
    %mul3A_47 = arith.muli %arg0, %mul3A_46 : i32
    %mul3A_48 = arith.constant 640 : i32
    %mul3A_49 = arith.muli %arg1, %mul3A_48 : i32
    %add3A_50 = arith.addi %mul3A_47, %mul3A_49 : i32
    "tpu.region"() ({
      %run_scoped3A_51 = tpu.sem_alloc : memref<!tpu.dma_semaphore, #tpu.memory_space<semaphore_mem>>
      %dma_start3A = tpu.memref_slice %arg5[%add3A_50] : memref<20480xf32, #tpu.memory_space<hbm>> -> memref<640xf32, #tpu.memory_space<hbm>>
      %dma_start3A_52 = tpu.memref_slice %arg5[%add3A_50] : memref<20480xf32, #tpu.memory_space<hbm>> -> memref<640xf32, #tpu.memory_space<hbm>>
      tpu.enqueue_dma source(%arg11 : memref<640xf32, #tpu.memory_space<vmem>>) target(%dma_start3A_52 : memref<640xf32, #tpu.memory_space<hbm>>) target_semaphore(%run_scoped3A_51 : memref<!tpu.dma_semaphore, #tpu.memory_space<semaphore_mem>>)
      %dma_wait3A = tpu.memref_slice %arg5[%add3A_50] : memref<20480xf32, #tpu.memory_space<hbm>> -> memref<640xf32, #tpu.memory_space<hbm>>
      %dma_wait3A_53 = tpu.memref_slice %arg5[%add3A_50] : memref<20480xf32, #tpu.memory_space<hbm>> -> memref<640xf32, #tpu.memory_space<hbm>>
      tpu.wait_dma2 semaphore(%run_scoped3A_51 : memref<!tpu.dma_semaphore, #tpu.memory_space<semaphore_mem>>) src(%arg11 : memref<640xf32, #tpu.memory_space<vmem>>) dst(%dma_wait3A_53 : memref<640xf32, #tpu.memory_space<hbm>>)
      tpu.yield
    }) : () -> ()
    return
  }
}

module attributes {stable_mosaic.version = 14 : i64} {
  func.func @_tc_prep(%arg0: i32, %arg1: memref<2048x128xf32, #tpu.memory_space<vmem>>, %arg2: memref<8x128xf32, #tpu.memory_space<vmem>>, %arg3: memref<8x2048xf32, #tpu.memory_space<vmem>>, %arg4: memref<2048x128xf32, #tpu.memory_space<vmem>>) attributes {dimension_semantics = [#tpu.dimension_semantics<arbitrary>], iteration_bounds = array<i64: 5>, scalar_prefetch = 0 : i64, scratch_operands = 0 : i64, tpu.core_type = #tpu.core_type<tc>, window_params = [{transform_indices = @transform_0, window_bounds = array<i64: 2048, 128>}, {pipeline_mode = #tpu.pipeline_mode<synchronous>, transform_indices = @transform_1, window_bounds = array<i64: 8, 128>}, {transform_indices = @transform_2, window_bounds = array<i64: 8, 2048>}, {transform_indices = @transform_3, window_bounds = array<i64: 2048, 128>}]} {
    %mul3A = arith.constant 2048 : i32
    %mul3A_0 = arith.muli %arg0, %mul3A : i32
    %iota3A = tpu.iota {dimensions = array<i32: 0>} : vector<2048x1xi32>
    %add3A = vector.broadcast %mul3A_0 : i32 to vector<2048x1xi32>
    %add3A_1 = arith.addi %add3A, %iota3A : vector<2048x1xi32>
    %iota3A_2 = tpu.iota {dimensions = array<i32: 0>} : vector<128x128xi32>
    %iota3A_3 = tpu.iota {dimensions = array<i32: 1>} : vector<128x128xi32>
    %eq3A = arith.cmpi eq, %iota3A_2, %iota3A_3 : vector<128x128xi32>
    %get3A = arith.constant 0 : index
    %get3A_4 = arith.constant 0 : index
    %get3A_5 = vector.load %arg3[%get3A, %get3A_4] : memref<8x2048xf32, #tpu.memory_space<vmem>>, vector<1x128xf32>
    %get3A_6 = arith.constant 1 : index
    %get3A_7 = arith.constant 0 : index
    %get3A_8 = vector.load %arg3[%get3A_6, %get3A_7] : memref<8x2048xf32, #tpu.memory_space<vmem>>, vector<1x128xf32>
    %add3A_9 = arith.addf %get3A_5, %get3A_8 : vector<1x128xf32>
    %add3A_10 = arith.constant 1.000000e+00 : f32
    %add3A_11 = vector.broadcast %add3A_10 : f32 to vector<1x128xf32>
    %add3A_12 = arith.addf %add3A_9, %add3A_11 : vector<1x128xf32>
    %rsqrt3A = math.rsqrt %add3A_12 : vector<1x128xf32>
    %broadcast_in_dim3A = vector.shape_cast %rsqrt3A : vector<1x128xf32> to vector<1x128xf32>
    %broadcast_in_dim3A_13 = vector.broadcast %broadcast_in_dim3A : vector<1x128xf32> to vector<128x128xf32>
    %jit3A = arith.constant 0.000000e+00 : f32
    %broadcast_in_dim3A_14 = vector.broadcast %jit3A : f32 to vector<128x128xf32>
    %select_n3A = arith.select %eq3A, %broadcast_in_dim3A_13, %broadcast_in_dim3A_14 : vector<128x128xi1>, vector<128x128xf32>
    %reduce_sum3A = arith.constant dense<0.000000e+00> : vector<128xf32>
    %reduce_sum3A_15 = vector.multi_reduction <add>, %select_n3A, %reduce_sum3A [1] : vector<128x128xf32> to vector<128xf32>
    %broadcast_in_dim3A_16 = vector.shape_cast %reduce_sum3A_15 : vector<128xf32> to vector<128x1xf32>
    %get3A_17 = arith.constant 0 : index
    %get3A_18 = arith.constant 128 : index
    %get3A_19 = vector.load %arg3[%get3A_17, %get3A_18] : memref<8x2048xf32, #tpu.memory_space<vmem>>, vector<1x128xf32>
    %get3A_20 = arith.constant 1 : index
    %get3A_21 = arith.constant 128 : index
    %get3A_22 = vector.load %arg3[%get3A_20, %get3A_21] : memref<8x2048xf32, #tpu.memory_space<vmem>>, vector<1x128xf32>
    %add3A_23 = arith.addf %get3A_19, %get3A_22 : vector<1x128xf32>
    %add3A_24 = arith.constant 1.000000e+00 : f32
    %add3A_25 = vector.broadcast %add3A_24 : f32 to vector<1x128xf32>
    %add3A_26 = arith.addf %add3A_23, %add3A_25 : vector<1x128xf32>
    %rsqrt3A_27 = math.rsqrt %add3A_26 : vector<1x128xf32>
    %broadcast_in_dim3A_28 = vector.shape_cast %rsqrt3A_27 : vector<1x128xf32> to vector<1x128xf32>
    %broadcast_in_dim3A_29 = vector.broadcast %broadcast_in_dim3A_28 : vector<1x128xf32> to vector<128x128xf32>
    %jit3A_30 = arith.constant 0.000000e+00 : f32
    %broadcast_in_dim3A_31 = vector.broadcast %jit3A_30 : f32 to vector<128x128xf32>
    %select_n3A_32 = arith.select %eq3A, %broadcast_in_dim3A_29, %broadcast_in_dim3A_31 : vector<128x128xi1>, vector<128x128xf32>
    %reduce_sum3A_33 = arith.constant dense<0.000000e+00> : vector<128xf32>
    %reduce_sum3A_34 = vector.multi_reduction <add>, %select_n3A_32, %reduce_sum3A_33 [1] : vector<128x128xf32> to vector<128xf32>
    %broadcast_in_dim3A_35 = vector.shape_cast %reduce_sum3A_34 : vector<128xf32> to vector<128x1xf32>
    %get3A_36 = arith.constant 0 : index
    %get3A_37 = arith.constant 256 : index
    %get3A_38 = vector.load %arg3[%get3A_36, %get3A_37] : memref<8x2048xf32, #tpu.memory_space<vmem>>, vector<1x128xf32>
    %get3A_39 = arith.constant 1 : index
    %get3A_40 = arith.constant 256 : index
    %get3A_41 = vector.load %arg3[%get3A_39, %get3A_40] : memref<8x2048xf32, #tpu.memory_space<vmem>>, vector<1x128xf32>
    %add3A_42 = arith.addf %get3A_38, %get3A_41 : vector<1x128xf32>
    %add3A_43 = arith.constant 1.000000e+00 : f32
    %add3A_44 = vector.broadcast %add3A_43 : f32 to vector<1x128xf32>
    %add3A_45 = arith.addf %add3A_42, %add3A_44 : vector<1x128xf32>
    %rsqrt3A_46 = math.rsqrt %add3A_45 : vector<1x128xf32>
    %broadcast_in_dim3A_47 = vector.shape_cast %rsqrt3A_46 : vector<1x128xf32> to vector<1x128xf32>
    %broadcast_in_dim3A_48 = vector.broadcast %broadcast_in_dim3A_47 : vector<1x128xf32> to vector<128x128xf32>
    %jit3A_49 = arith.constant 0.000000e+00 : f32
    %broadcast_in_dim3A_50 = vector.broadcast %jit3A_49 : f32 to vector<128x128xf32>
    %select_n3A_51 = arith.select %eq3A, %broadcast_in_dim3A_48, %broadcast_in_dim3A_50 : vector<128x128xi1>, vector<128x128xf32>
    %reduce_sum3A_52 = arith.constant dense<0.000000e+00> : vector<128xf32>
    %reduce_sum3A_53 = vector.multi_reduction <add>, %select_n3A_51, %reduce_sum3A_52 [1] : vector<128x128xf32> to vector<128xf32>
    %broadcast_in_dim3A_54 = vector.shape_cast %reduce_sum3A_53 : vector<128xf32> to vector<128x1xf32>
    %get3A_55 = arith.constant 0 : index
    %get3A_56 = arith.constant 384 : index
    %get3A_57 = vector.load %arg3[%get3A_55, %get3A_56] : memref<8x2048xf32, #tpu.memory_space<vmem>>, vector<1x128xf32>
    %get3A_58 = arith.constant 1 : index
    %get3A_59 = arith.constant 384 : index
    %get3A_60 = vector.load %arg3[%get3A_58, %get3A_59] : memref<8x2048xf32, #tpu.memory_space<vmem>>, vector<1x128xf32>
    %add3A_61 = arith.addf %get3A_57, %get3A_60 : vector<1x128xf32>
    %add3A_62 = arith.constant 1.000000e+00 : f32
    %add3A_63 = vector.broadcast %add3A_62 : f32 to vector<1x128xf32>
    %add3A_64 = arith.addf %add3A_61, %add3A_63 : vector<1x128xf32>
    %rsqrt3A_65 = math.rsqrt %add3A_64 : vector<1x128xf32>
    %broadcast_in_dim3A_66 = vector.shape_cast %rsqrt3A_65 : vector<1x128xf32> to vector<1x128xf32>
    %broadcast_in_dim3A_67 = vector.broadcast %broadcast_in_dim3A_66 : vector<1x128xf32> to vector<128x128xf32>
    %jit3A_68 = arith.constant 0.000000e+00 : f32
    %broadcast_in_dim3A_69 = vector.broadcast %jit3A_68 : f32 to vector<128x128xf32>
    %select_n3A_70 = arith.select %eq3A, %broadcast_in_dim3A_67, %broadcast_in_dim3A_69 : vector<128x128xi1>, vector<128x128xf32>
    %reduce_sum3A_71 = arith.constant dense<0.000000e+00> : vector<128xf32>
    %reduce_sum3A_72 = vector.multi_reduction <add>, %select_n3A_70, %reduce_sum3A_71 [1] : vector<128x128xf32> to vector<128xf32>
    %broadcast_in_dim3A_73 = vector.shape_cast %reduce_sum3A_72 : vector<128xf32> to vector<128x1xf32>
    %get3A_74 = arith.constant 0 : index
    %get3A_75 = arith.constant 512 : index
    %get3A_76 = vector.load %arg3[%get3A_74, %get3A_75] : memref<8x2048xf32, #tpu.memory_space<vmem>>, vector<1x128xf32>
    %get3A_77 = arith.constant 1 : index
    %get3A_78 = arith.constant 512 : index
    %get3A_79 = vector.load %arg3[%get3A_77, %get3A_78] : memref<8x2048xf32, #tpu.memory_space<vmem>>, vector<1x128xf32>
    %add3A_80 = arith.addf %get3A_76, %get3A_79 : vector<1x128xf32>
    %add3A_81 = arith.constant 1.000000e+00 : f32
    %add3A_82 = vector.broadcast %add3A_81 : f32 to vector<1x128xf32>
    %add3A_83 = arith.addf %add3A_80, %add3A_82 : vector<1x128xf32>
    %rsqrt3A_84 = math.rsqrt %add3A_83 : vector<1x128xf32>
    %broadcast_in_dim3A_85 = vector.shape_cast %rsqrt3A_84 : vector<1x128xf32> to vector<1x128xf32>
    %broadcast_in_dim3A_86 = vector.broadcast %broadcast_in_dim3A_85 : vector<1x128xf32> to vector<128x128xf32>
    %jit3A_87 = arith.constant 0.000000e+00 : f32
    %broadcast_in_dim3A_88 = vector.broadcast %jit3A_87 : f32 to vector<128x128xf32>
    %select_n3A_89 = arith.select %eq3A, %broadcast_in_dim3A_86, %broadcast_in_dim3A_88 : vector<128x128xi1>, vector<128x128xf32>
    %reduce_sum3A_90 = arith.constant dense<0.000000e+00> : vector<128xf32>
    %reduce_sum3A_91 = vector.multi_reduction <add>, %select_n3A_89, %reduce_sum3A_90 [1] : vector<128x128xf32> to vector<128xf32>
    %broadcast_in_dim3A_92 = vector.shape_cast %reduce_sum3A_91 : vector<128xf32> to vector<128x1xf32>
    %get3A_93 = arith.constant 0 : index
    %get3A_94 = arith.constant 640 : index
    %get3A_95 = vector.load %arg3[%get3A_93, %get3A_94] : memref<8x2048xf32, #tpu.memory_space<vmem>>, vector<1x128xf32>
    %get3A_96 = arith.constant 1 : index
    %get3A_97 = arith.constant 640 : index
    %get3A_98 = vector.load %arg3[%get3A_96, %get3A_97] : memref<8x2048xf32, #tpu.memory_space<vmem>>, vector<1x128xf32>
    %add3A_99 = arith.addf %get3A_95, %get3A_98 : vector<1x128xf32>
    %add3A_100 = arith.constant 1.000000e+00 : f32
    %add3A_101 = vector.broadcast %add3A_100 : f32 to vector<1x128xf32>
    %add3A_102 = arith.addf %add3A_99, %add3A_101 : vector<1x128xf32>
    %rsqrt3A_103 = math.rsqrt %add3A_102 : vector<1x128xf32>
    %broadcast_in_dim3A_104 = vector.shape_cast %rsqrt3A_103 : vector<1x128xf32> to vector<1x128xf32>
    %broadcast_in_dim3A_105 = vector.broadcast %broadcast_in_dim3A_104 : vector<1x128xf32> to vector<128x128xf32>
    %jit3A_106 = arith.constant 0.000000e+00 : f32
    %broadcast_in_dim3A_107 = vector.broadcast %jit3A_106 : f32 to vector<128x128xf32>
    %select_n3A_108 = arith.select %eq3A, %broadcast_in_dim3A_105, %broadcast_in_dim3A_107 : vector<128x128xi1>, vector<128x128xf32>
    %reduce_sum3A_109 = arith.constant dense<0.000000e+00> : vector<128xf32>
    %reduce_sum3A_110 = vector.multi_reduction <add>, %select_n3A_108, %reduce_sum3A_109 [1] : vector<128x128xf32> to vector<128xf32>
    %broadcast_in_dim3A_111 = vector.shape_cast %reduce_sum3A_110 : vector<128xf32> to vector<128x1xf32>
    %get3A_112 = arith.constant 0 : index
    %get3A_113 = arith.constant 768 : index
    %get3A_114 = vector.load %arg3[%get3A_112, %get3A_113] : memref<8x2048xf32, #tpu.memory_space<vmem>>, vector<1x128xf32>
    %get3A_115 = arith.constant 1 : index
    %get3A_116 = arith.constant 768 : index
    %get3A_117 = vector.load %arg3[%get3A_115, %get3A_116] : memref<8x2048xf32, #tpu.memory_space<vmem>>, vector<1x128xf32>
    %add3A_118 = arith.addf %get3A_114, %get3A_117 : vector<1x128xf32>
    %add3A_119 = arith.constant 1.000000e+00 : f32
    %add3A_120 = vector.broadcast %add3A_119 : f32 to vector<1x128xf32>
    %add3A_121 = arith.addf %add3A_118, %add3A_120 : vector<1x128xf32>
    %rsqrt3A_122 = math.rsqrt %add3A_121 : vector<1x128xf32>
    %broadcast_in_dim3A_123 = vector.shape_cast %rsqrt3A_122 : vector<1x128xf32> to vector<1x128xf32>
    %broadcast_in_dim3A_124 = vector.broadcast %broadcast_in_dim3A_123 : vector<1x128xf32> to vector<128x128xf32>
    %jit3A_125 = arith.constant 0.000000e+00 : f32
    %broadcast_in_dim3A_126 = vector.broadcast %jit3A_125 : f32 to vector<128x128xf32>
    %select_n3A_127 = arith.select %eq3A, %broadcast_in_dim3A_124, %broadcast_in_dim3A_126 : vector<128x128xi1>, vector<128x128xf32>
    %reduce_sum3A_128 = arith.constant dense<0.000000e+00> : vector<128xf32>
    %reduce_sum3A_129 = vector.multi_reduction <add>, %select_n3A_127, %reduce_sum3A_128 [1] : vector<128x128xf32> to vector<128xf32>
    %broadcast_in_dim3A_130 = vector.shape_cast %reduce_sum3A_129 : vector<128xf32> to vector<128x1xf32>
    %get3A_131 = arith.constant 0 : index
    %get3A_132 = arith.constant 896 : index
    %get3A_133 = vector.load %arg3[%get3A_131, %get3A_132] : memref<8x2048xf32, #tpu.memory_space<vmem>>, vector<1x128xf32>
    %get3A_134 = arith.constant 1 : index
    %get3A_135 = arith.constant 896 : index
    %get3A_136 = vector.load %arg3[%get3A_134, %get3A_135] : memref<8x2048xf32, #tpu.memory_space<vmem>>, vector<1x128xf32>
    %add3A_137 = arith.addf %get3A_133, %get3A_136 : vector<1x128xf32>
    %add3A_138 = arith.constant 1.000000e+00 : f32
    %add3A_139 = vector.broadcast %add3A_138 : f32 to vector<1x128xf32>
    %add3A_140 = arith.addf %add3A_137, %add3A_139 : vector<1x128xf32>
    %rsqrt3A_141 = math.rsqrt %add3A_140 : vector<1x128xf32>
    %broadcast_in_dim3A_142 = vector.shape_cast %rsqrt3A_141 : vector<1x128xf32> to vector<1x128xf32>
    %broadcast_in_dim3A_143 = vector.broadcast %broadcast_in_dim3A_142 : vector<1x128xf32> to vector<128x128xf32>
    %jit3A_144 = arith.constant 0.000000e+00 : f32
    %broadcast_in_dim3A_145 = vector.broadcast %jit3A_144 : f32 to vector<128x128xf32>
    %select_n3A_146 = arith.select %eq3A, %broadcast_in_dim3A_143, %broadcast_in_dim3A_145 : vector<128x128xi1>, vector<128x128xf32>
    %reduce_sum3A_147 = arith.constant dense<0.000000e+00> : vector<128xf32>
    %reduce_sum3A_148 = vector.multi_reduction <add>, %select_n3A_146, %reduce_sum3A_147 [1] : vector<128x128xf32> to vector<128xf32>
    %broadcast_in_dim3A_149 = vector.shape_cast %reduce_sum3A_148 : vector<128xf32> to vector<128x1xf32>
    %get3A_150 = arith.constant 0 : index
    %get3A_151 = arith.constant 1024 : index
    %get3A_152 = vector.load %arg3[%get3A_150, %get3A_151] : memref<8x2048xf32, #tpu.memory_space<vmem>>, vector<1x128xf32>
    %get3A_153 = arith.constant 1 : index
    %get3A_154 = arith.constant 1024 : index
    %get3A_155 = vector.load %arg3[%get3A_153, %get3A_154] : memref<8x2048xf32, #tpu.memory_space<vmem>>, vector<1x128xf32>
    %add3A_156 = arith.addf %get3A_152, %get3A_155 : vector<1x128xf32>
    %add3A_157 = arith.constant 1.000000e+00 : f32
    %add3A_158 = vector.broadcast %add3A_157 : f32 to vector<1x128xf32>
    %add3A_159 = arith.addf %add3A_156, %add3A_158 : vector<1x128xf32>
    %rsqrt3A_160 = math.rsqrt %add3A_159 : vector<1x128xf32>
    %broadcast_in_dim3A_161 = vector.shape_cast %rsqrt3A_160 : vector<1x128xf32> to vector<1x128xf32>
    %broadcast_in_dim3A_162 = vector.broadcast %broadcast_in_dim3A_161 : vector<1x128xf32> to vector<128x128xf32>
    %jit3A_163 = arith.constant 0.000000e+00 : f32
    %broadcast_in_dim3A_164 = vector.broadcast %jit3A_163 : f32 to vector<128x128xf32>
    %select_n3A_165 = arith.select %eq3A, %broadcast_in_dim3A_162, %broadcast_in_dim3A_164 : vector<128x128xi1>, vector<128x128xf32>
    %reduce_sum3A_166 = arith.constant dense<0.000000e+00> : vector<128xf32>
    %reduce_sum3A_167 = vector.multi_reduction <add>, %select_n3A_165, %reduce_sum3A_166 [1] : vector<128x128xf32> to vector<128xf32>
    %broadcast_in_dim3A_168 = vector.shape_cast %reduce_sum3A_167 : vector<128xf32> to vector<128x1xf32>
    %get3A_169 = arith.constant 0 : index
    %get3A_170 = arith.constant 1152 : index
    %get3A_171 = vector.load %arg3[%get3A_169, %get3A_170] : memref<8x2048xf32, #tpu.memory_space<vmem>>, vector<1x128xf32>
    %get3A_172 = arith.constant 1 : index
    %get3A_173 = arith.constant 1152 : index
    %get3A_174 = vector.load %arg3[%get3A_172, %get3A_173] : memref<8x2048xf32, #tpu.memory_space<vmem>>, vector<1x128xf32>
    %add3A_175 = arith.addf %get3A_171, %get3A_174 : vector<1x128xf32>
    %add3A_176 = arith.constant 1.000000e+00 : f32
    %add3A_177 = vector.broadcast %add3A_176 : f32 to vector<1x128xf32>
    %add3A_178 = arith.addf %add3A_175, %add3A_177 : vector<1x128xf32>
    %rsqrt3A_179 = math.rsqrt %add3A_178 : vector<1x128xf32>
    %broadcast_in_dim3A_180 = vector.shape_cast %rsqrt3A_179 : vector<1x128xf32> to vector<1x128xf32>
    %broadcast_in_dim3A_181 = vector.broadcast %broadcast_in_dim3A_180 : vector<1x128xf32> to vector<128x128xf32>
    %jit3A_182 = arith.constant 0.000000e+00 : f32
    %broadcast_in_dim3A_183 = vector.broadcast %jit3A_182 : f32 to vector<128x128xf32>
    %select_n3A_184 = arith.select %eq3A, %broadcast_in_dim3A_181, %broadcast_in_dim3A_183 : vector<128x128xi1>, vector<128x128xf32>
    %reduce_sum3A_185 = arith.constant dense<0.000000e+00> : vector<128xf32>
    %reduce_sum3A_186 = vector.multi_reduction <add>, %select_n3A_184, %reduce_sum3A_185 [1] : vector<128x128xf32> to vector<128xf32>
    %broadcast_in_dim3A_187 = vector.shape_cast %reduce_sum3A_186 : vector<128xf32> to vector<128x1xf32>
    %get3A_188 = arith.constant 0 : index
    %get3A_189 = arith.constant 1280 : index
    %get3A_190 = vector.load %arg3[%get3A_188, %get3A_189] : memref<8x2048xf32, #tpu.memory_space<vmem>>, vector<1x128xf32>
    %get3A_191 = arith.constant 1 : index
    %get3A_192 = arith.constant 1280 : index
    %get3A_193 = vector.load %arg3[%get3A_191, %get3A_192] : memref<8x2048xf32, #tpu.memory_space<vmem>>, vector<1x128xf32>
    %add3A_194 = arith.addf %get3A_190, %get3A_193 : vector<1x128xf32>
    %add3A_195 = arith.constant 1.000000e+00 : f32
    %add3A_196 = vector.broadcast %add3A_195 : f32 to vector<1x128xf32>
    %add3A_197 = arith.addf %add3A_194, %add3A_196 : vector<1x128xf32>
    %rsqrt3A_198 = math.rsqrt %add3A_197 : vector<1x128xf32>
    %broadcast_in_dim3A_199 = vector.shape_cast %rsqrt3A_198 : vector<1x128xf32> to vector<1x128xf32>
    %broadcast_in_dim3A_200 = vector.broadcast %broadcast_in_dim3A_199 : vector<1x128xf32> to vector<128x128xf32>
    %jit3A_201 = arith.constant 0.000000e+00 : f32
    %broadcast_in_dim3A_202 = vector.broadcast %jit3A_201 : f32 to vector<128x128xf32>
    %select_n3A_203 = arith.select %eq3A, %broadcast_in_dim3A_200, %broadcast_in_dim3A_202 : vector<128x128xi1>, vector<128x128xf32>
    %reduce_sum3A_204 = arith.constant dense<0.000000e+00> : vector<128xf32>
    %reduce_sum3A_205 = vector.multi_reduction <add>, %select_n3A_203, %reduce_sum3A_204 [1] : vector<128x128xf32> to vector<128xf32>
    %broadcast_in_dim3A_206 = vector.shape_cast %reduce_sum3A_205 : vector<128xf32> to vector<128x1xf32>
    %get3A_207 = arith.constant 0 : index
    %get3A_208 = arith.constant 1408 : index
    %get3A_209 = vector.load %arg3[%get3A_207, %get3A_208] : memref<8x2048xf32, #tpu.memory_space<vmem>>, vector<1x128xf32>
    %get3A_210 = arith.constant 1 : index
    %get3A_211 = arith.constant 1408 : index
    %get3A_212 = vector.load %arg3[%get3A_210, %get3A_211] : memref<8x2048xf32, #tpu.memory_space<vmem>>, vector<1x128xf32>
    %add3A_213 = arith.addf %get3A_209, %get3A_212 : vector<1x128xf32>
    %add3A_214 = arith.constant 1.000000e+00 : f32
    %add3A_215 = vector.broadcast %add3A_214 : f32 to vector<1x128xf32>
    %add3A_216 = arith.addf %add3A_213, %add3A_215 : vector<1x128xf32>
    %rsqrt3A_217 = math.rsqrt %add3A_216 : vector<1x128xf32>
    %broadcast_in_dim3A_218 = vector.shape_cast %rsqrt3A_217 : vector<1x128xf32> to vector<1x128xf32>
    %broadcast_in_dim3A_219 = vector.broadcast %broadcast_in_dim3A_218 : vector<1x128xf32> to vector<128x128xf32>
    %jit3A_220 = arith.constant 0.000000e+00 : f32
    %broadcast_in_dim3A_221 = vector.broadcast %jit3A_220 : f32 to vector<128x128xf32>
    %select_n3A_222 = arith.select %eq3A, %broadcast_in_dim3A_219, %broadcast_in_dim3A_221 : vector<128x128xi1>, vector<128x128xf32>
    %reduce_sum3A_223 = arith.constant dense<0.000000e+00> : vector<128xf32>
    %reduce_sum3A_224 = vector.multi_reduction <add>, %select_n3A_222, %reduce_sum3A_223 [1] : vector<128x128xf32> to vector<128xf32>
    %broadcast_in_dim3A_225 = vector.shape_cast %reduce_sum3A_224 : vector<128xf32> to vector<128x1xf32>
    %get3A_226 = arith.constant 0 : index
    %get3A_227 = arith.constant 1536 : index
    %get3A_228 = vector.load %arg3[%get3A_226, %get3A_227] : memref<8x2048xf32, #tpu.memory_space<vmem>>, vector<1x128xf32>
    %get3A_229 = arith.constant 1 : index
    %get3A_230 = arith.constant 1536 : index
    %get3A_231 = vector.load %arg3[%get3A_229, %get3A_230] : memref<8x2048xf32, #tpu.memory_space<vmem>>, vector<1x128xf32>
    %add3A_232 = arith.addf %get3A_228, %get3A_231 : vector<1x128xf32>
    %add3A_233 = arith.constant 1.000000e+00 : f32
    %add3A_234 = vector.broadcast %add3A_233 : f32 to vector<1x128xf32>
    %add3A_235 = arith.addf %add3A_232, %add3A_234 : vector<1x128xf32>
    %rsqrt3A_236 = math.rsqrt %add3A_235 : vector<1x128xf32>
    %broadcast_in_dim3A_237 = vector.shape_cast %rsqrt3A_236 : vector<1x128xf32> to vector<1x128xf32>
    %broadcast_in_dim3A_238 = vector.broadcast %broadcast_in_dim3A_237 : vector<1x128xf32> to vector<128x128xf32>
    %jit3A_239 = arith.constant 0.000000e+00 : f32
    %broadcast_in_dim3A_240 = vector.broadcast %jit3A_239 : f32 to vector<128x128xf32>
    %select_n3A_241 = arith.select %eq3A, %broadcast_in_dim3A_238, %broadcast_in_dim3A_240 : vector<128x128xi1>, vector<128x128xf32>
    %reduce_sum3A_242 = arith.constant dense<0.000000e+00> : vector<128xf32>
    %reduce_sum3A_243 = vector.multi_reduction <add>, %select_n3A_241, %reduce_sum3A_242 [1] : vector<128x128xf32> to vector<128xf32>
    %broadcast_in_dim3A_244 = vector.shape_cast %reduce_sum3A_243 : vector<128xf32> to vector<128x1xf32>
    %get3A_245 = arith.constant 0 : index
    %get3A_246 = arith.constant 1664 : index
    %get3A_247 = vector.load %arg3[%get3A_245, %get3A_246] : memref<8x2048xf32, #tpu.memory_space<vmem>>, vector<1x128xf32>
    %get3A_248 = arith.constant 1 : index
    %get3A_249 = arith.constant 1664 : index
    %get3A_250 = vector.load %arg3[%get3A_248, %get3A_249] : memref<8x2048xf32, #tpu.memory_space<vmem>>, vector<1x128xf32>
    %add3A_251 = arith.addf %get3A_247, %get3A_250 : vector<1x128xf32>
    %add3A_252 = arith.constant 1.000000e+00 : f32
    %add3A_253 = vector.broadcast %add3A_252 : f32 to vector<1x128xf32>
    %add3A_254 = arith.addf %add3A_251, %add3A_253 : vector<1x128xf32>
    %rsqrt3A_255 = math.rsqrt %add3A_254 : vector<1x128xf32>
    %broadcast_in_dim3A_256 = vector.shape_cast %rsqrt3A_255 : vector<1x128xf32> to vector<1x128xf32>
    %broadcast_in_dim3A_257 = vector.broadcast %broadcast_in_dim3A_256 : vector<1x128xf32> to vector<128x128xf32>
    %jit3A_258 = arith.constant 0.000000e+00 : f32
    %broadcast_in_dim3A_259 = vector.broadcast %jit3A_258 : f32 to vector<128x128xf32>
    %select_n3A_260 = arith.select %eq3A, %broadcast_in_dim3A_257, %broadcast_in_dim3A_259 : vector<128x128xi1>, vector<128x128xf32>
    %reduce_sum3A_261 = arith.constant dense<0.000000e+00> : vector<128xf32>
    %reduce_sum3A_262 = vector.multi_reduction <add>, %select_n3A_260, %reduce_sum3A_261 [1] : vector<128x128xf32> to vector<128xf32>
    %broadcast_in_dim3A_263 = vector.shape_cast %reduce_sum3A_262 : vector<128xf32> to vector<128x1xf32>
    %get3A_264 = arith.constant 0 : index
    %get3A_265 = arith.constant 1792 : index
    %get3A_266 = vector.load %arg3[%get3A_264, %get3A_265] : memref<8x2048xf32, #tpu.memory_space<vmem>>, vector<1x128xf32>
    %get3A_267 = arith.constant 1 : index
    %get3A_268 = arith.constant 1792 : index
    %get3A_269 = vector.load %arg3[%get3A_267, %get3A_268] : memref<8x2048xf32, #tpu.memory_space<vmem>>, vector<1x128xf32>
    %add3A_270 = arith.addf %get3A_266, %get3A_269 : vector<1x128xf32>
    %add3A_271 = arith.constant 1.000000e+00 : f32
    %add3A_272 = vector.broadcast %add3A_271 : f32 to vector<1x128xf32>
    %add3A_273 = arith.addf %add3A_270, %add3A_272 : vector<1x128xf32>
    %rsqrt3A_274 = math.rsqrt %add3A_273 : vector<1x128xf32>
    %broadcast_in_dim3A_275 = vector.shape_cast %rsqrt3A_274 : vector<1x128xf32> to vector<1x128xf32>
    %broadcast_in_dim3A_276 = vector.broadcast %broadcast_in_dim3A_275 : vector<1x128xf32> to vector<128x128xf32>
    %jit3A_277 = arith.constant 0.000000e+00 : f32
    %broadcast_in_dim3A_278 = vector.broadcast %jit3A_277 : f32 to vector<128x128xf32>
    %select_n3A_279 = arith.select %eq3A, %broadcast_in_dim3A_276, %broadcast_in_dim3A_278 : vector<128x128xi1>, vector<128x128xf32>
    %reduce_sum3A_280 = arith.constant dense<0.000000e+00> : vector<128xf32>
    %reduce_sum3A_281 = vector.multi_reduction <add>, %select_n3A_279, %reduce_sum3A_280 [1] : vector<128x128xf32> to vector<128xf32>
    %broadcast_in_dim3A_282 = vector.shape_cast %reduce_sum3A_281 : vector<128xf32> to vector<128x1xf32>
    %get3A_283 = arith.constant 0 : index
    %get3A_284 = arith.constant 1920 : index
    %get3A_285 = vector.load %arg3[%get3A_283, %get3A_284] : memref<8x2048xf32, #tpu.memory_space<vmem>>, vector<1x128xf32>
    %get3A_286 = arith.constant 1 : index
    %get3A_287 = arith.constant 1920 : index
    %get3A_288 = vector.load %arg3[%get3A_286, %get3A_287] : memref<8x2048xf32, #tpu.memory_space<vmem>>, vector<1x128xf32>
    %add3A_289 = arith.addf %get3A_285, %get3A_288 : vector<1x128xf32>
    %add3A_290 = arith.constant 1.000000e+00 : f32
    %add3A_291 = vector.broadcast %add3A_290 : f32 to vector<1x128xf32>
    %add3A_292 = arith.addf %add3A_289, %add3A_291 : vector<1x128xf32>
    %rsqrt3A_293 = math.rsqrt %add3A_292 : vector<1x128xf32>
    %broadcast_in_dim3A_294 = vector.shape_cast %rsqrt3A_293 : vector<1x128xf32> to vector<1x128xf32>
    %broadcast_in_dim3A_295 = vector.broadcast %broadcast_in_dim3A_294 : vector<1x128xf32> to vector<128x128xf32>
    %jit3A_296 = arith.constant 0.000000e+00 : f32
    %broadcast_in_dim3A_297 = vector.broadcast %jit3A_296 : f32 to vector<128x128xf32>
    %select_n3A_298 = arith.select %eq3A, %broadcast_in_dim3A_295, %broadcast_in_dim3A_297 : vector<128x128xi1>, vector<128x128xf32>
    %reduce_sum3A_299 = arith.constant dense<0.000000e+00> : vector<128xf32>
    %reduce_sum3A_300 = vector.multi_reduction <add>, %select_n3A_298, %reduce_sum3A_299 [1] : vector<128x128xf32> to vector<128xf32>
    %broadcast_in_dim3A_301 = vector.shape_cast %reduce_sum3A_300 : vector<128xf32> to vector<128x1xf32>
    %concatenate3A = tpu.concatenate %broadcast_in_dim3A_16, %broadcast_in_dim3A_35, %broadcast_in_dim3A_54, %broadcast_in_dim3A_73, %broadcast_in_dim3A_92, %broadcast_in_dim3A_111, %broadcast_in_dim3A_130, %broadcast_in_dim3A_149, %broadcast_in_dim3A_168, %broadcast_in_dim3A_187, %broadcast_in_dim3A_206, %broadcast_in_dim3A_225, %broadcast_in_dim3A_244, %broadcast_in_dim3A_263, %broadcast_in_dim3A_282, %broadcast_in_dim3A_301 in 0 : vector<128x1xf32>, vector<128x1xf32>, vector<128x1xf32>, vector<128x1xf32>, vector<128x1xf32>, vector<128x1xf32>, vector<128x1xf32>, vector<128x1xf32>, vector<128x1xf32>, vector<128x1xf32>, vector<128x1xf32>, vector<128x1xf32>, vector<128x1xf32>, vector<128x1xf32>, vector<128x1xf32>, vector<128x1xf32> -> vector<2048x1xf32>
    %get3A_302 = arith.constant 0 : index
    %get3A_303 = arith.constant 0 : index
    %get3A_304 = vector.load %arg1[%get3A_302, %get3A_303] : memref<2048x128xf32, #tpu.memory_space<vmem>>, vector<2048x128xf32>
    %get3A_305 = arith.constant 0 : index
    %get3A_306 = arith.constant 0 : index
    %get3A_307 = vector.load %arg2[%get3A_305, %get3A_306] : memref<8x128xf32, #tpu.memory_space<vmem>>, vector<1x128xf32>
    %mul3A_308 = vector.broadcast %get3A_307 : vector<1x128xf32> to vector<2048x128xf32>
    %mul3A_309 = arith.mulf %get3A_304, %mul3A_308 : vector<2048x128xf32>
    %mul3A_310 = vector.broadcast %concatenate3A : vector<2048x1xf32> to vector<2048x128xf32>
    %mul3A_311 = arith.mulf %mul3A_310, %mul3A_309 : vector<2048x128xf32>
    %lt3A = arith.constant 10000 : i32
    %lt3A_312 = vector.broadcast %lt3A : i32 to vector<2048x1xi32>
    %lt3A_313 = arith.cmpi slt, %add3A_1, %lt3A_312 : vector<2048x1xi32>
    %jit3A_314 = arith.constant 0.000000e+00 : f32
    %broadcast_in_dim3A_315 = vector.shape_cast %lt3A_313 : vector<2048x1xi1> to vector<2048x1xi1>
    %broadcast_in_dim3A_316 = vector.broadcast %broadcast_in_dim3A_315 : vector<2048x1xi1> to vector<2048x128xi1>
    %broadcast_in_dim3A_317 = vector.broadcast %jit3A_314 : f32 to vector<2048x128xf32>
    %select_n3A_318 = arith.select %broadcast_in_dim3A_316, %mul3A_311, %broadcast_in_dim3A_317 : vector<2048x128xi1>, vector<2048x128xf32>
    %swap3A = arith.constant 0 : index
    %swap3A_319 = arith.constant 0 : index
    %swap3A_320 = vector.load %arg4[%swap3A, %swap3A_319] : memref<2048x128xf32, #tpu.memory_space<vmem>>, vector<2048x128xf32>
    tpu.vector_store %arg4[%swap3A, %swap3A_319], %select_n3A_318 {strides = array<i32>} : memref<2048x128xf32, #tpu.memory_space<vmem>>, vector<2048x128xf32>,
    return
  }
  func.func @transform_0(%arg0: i32) -> (i32, i32) {
    %c0_i32 = arith.constant 0 : i32
    %c0_i32_0 = arith.constant 0 : i32
    return %arg0, %c0_i32 : i32, i32
  }
  func.func @transform_1(%arg0: i32) -> (i32, i32) {
    %c0_i32 = arith.constant 0 : i32
    %c0_i32_0 = arith.constant 0 : i32
    %c0_i32_1 = arith.constant 0 : i32
    return %c0_i32, %c0_i32_0 : i32, i32
  }
  func.func @transform_2(%arg0: i32) -> (i32, i32) {
    %c0_i32 = arith.constant 0 : i32
    %c0_i32_0 = arith.constant 0 : i32
    return %c0_i32, %arg0 : i32, i32
  }
  func.func @transform_3(%arg0: i32) -> (i32, i32) {
    %c0_i32 = arith.constant 0 : i32
    %c0_i32_0 = arith.constant 0 : i32
    return %arg0, %c0_i32 : i32, i32
  }
}

module attributes {stable_mosaic.version = 14 : i64} {
  func.func @_tc_comb(%arg0: i32, %arg1: memref<2048x128xf32, #tpu.memory_space<vmem>>, %arg2: memref<2048x128xf32, #tpu.memory_space<vmem>>, %arg3: memref<8x2048xf32, #tpu.memory_space<vmem>>, %arg4: memref<8x128xf32, #tpu.memory_space<vmem>>, %arg5: memref<2048x128xf32, #tpu.memory_space<vmem>>) attributes {dimension_semantics = [#tpu.dimension_semantics<arbitrary>], iteration_bounds = array<i64: 5>, scalar_prefetch = 0 : i64, scratch_operands = 0 : i64, tpu.core_type = #tpu.core_type<tc>, window_params = [{transform_indices = @transform_0, window_bounds = array<i64: 2048, 128>}, {transform_indices = @transform_1, window_bounds = array<i64: 2048, 128>}, {transform_indices = @transform_2, window_bounds = array<i64: 8, 2048>}, {pipeline_mode = #tpu.pipeline_mode<synchronous>, transform_indices = @transform_3, window_bounds = array<i64: 8, 128>}, {transform_indices = @transform_4, window_bounds = array<i64: 2048, 128>}]} {
    %get3A = arith.constant 0 : index
    %get3A_0 = arith.constant 0 : index
    %get3A_1 = vector.load %arg1[%get3A, %get3A_0] : memref<2048x128xf32, #tpu.memory_space<vmem>>, vector<2048x128xf32>
    %get3A_2 = arith.constant 0 : index
    %get3A_3 = arith.constant 0 : index
    %get3A_4 = vector.load %arg2[%get3A_2, %get3A_3] : memref<2048x128xf32, #tpu.memory_space<vmem>>, vector<2048x128xf32>
    %add3A = arith.addf %get3A_1, %get3A_4 : vector<2048x128xf32>
    %iota3A = tpu.iota {dimensions = array<i32: 0>} : vector<128x128xi32>
    %iota3A_5 = tpu.iota {dimensions = array<i32: 1>} : vector<128x128xi32>
    %eq3A = arith.cmpi eq, %iota3A, %iota3A_5 : vector<128x128xi32>
    %get3A_6 = arith.constant 0 : index
    %get3A_7 = arith.constant 0 : index
    %get3A_8 = vector.load %arg3[%get3A_6, %get3A_7] : memref<8x2048xf32, #tpu.memory_space<vmem>>, vector<1x128xf32>
    %get3A_9 = arith.constant 1 : index
    %get3A_10 = arith.constant 0 : index
    %get3A_11 = vector.load %arg3[%get3A_9, %get3A_10] : memref<8x2048xf32, #tpu.memory_space<vmem>>, vector<1x128xf32>
    %add3A_12 = arith.addf %get3A_8, %get3A_11 : vector<1x128xf32>
    %add3A_13 = arith.constant 1.000000e+00 : f32
    %add3A_14 = vector.broadcast %add3A_13 : f32 to vector<1x128xf32>
    %add3A_15 = arith.addf %add3A_12, %add3A_14 : vector<1x128xf32>
    %rsqrt3A = math.rsqrt %add3A_15 : vector<1x128xf32>
    %broadcast_in_dim3A = vector.shape_cast %rsqrt3A : vector<1x128xf32> to vector<1x128xf32>
    %broadcast_in_dim3A_16 = vector.broadcast %broadcast_in_dim3A : vector<1x128xf32> to vector<128x128xf32>
    %jit3A = arith.constant 0.000000e+00 : f32
    %broadcast_in_dim3A_17 = vector.broadcast %jit3A : f32 to vector<128x128xf32>
    %select_n3A = arith.select %eq3A, %broadcast_in_dim3A_16, %broadcast_in_dim3A_17 : vector<128x128xi1>, vector<128x128xf32>
    %reduce_sum3A = arith.constant dense<0.000000e+00> : vector<128xf32>
    %reduce_sum3A_18 = vector.multi_reduction <add>, %select_n3A, %reduce_sum3A [1] : vector<128x128xf32> to vector<128xf32>
    %broadcast_in_dim3A_19 = vector.shape_cast %reduce_sum3A_18 : vector<128xf32> to vector<128x1xf32>
    %get3A_20 = arith.constant 0 : index
    %get3A_21 = arith.constant 128 : index
    %get3A_22 = vector.load %arg3[%get3A_20, %get3A_21] : memref<8x2048xf32, #tpu.memory_space<vmem>>, vector<1x128xf32>
    %get3A_23 = arith.constant 1 : index
    %get3A_24 = arith.constant 128 : index
    %get3A_25 = vector.load %arg3[%get3A_23, %get3A_24] : memref<8x2048xf32, #tpu.memory_space<vmem>>, vector<1x128xf32>
    %add3A_26 = arith.addf %get3A_22, %get3A_25 : vector<1x128xf32>
    %add3A_27 = arith.constant 1.000000e+00 : f32
    %add3A_28 = vector.broadcast %add3A_27 : f32 to vector<1x128xf32>
    %add3A_29 = arith.addf %add3A_26, %add3A_28 : vector<1x128xf32>
    %rsqrt3A_30 = math.rsqrt %add3A_29 : vector<1x128xf32>
    %broadcast_in_dim3A_31 = vector.shape_cast %rsqrt3A_30 : vector<1x128xf32> to vector<1x128xf32>
    %broadcast_in_dim3A_32 = vector.broadcast %broadcast_in_dim3A_31 : vector<1x128xf32> to vector<128x128xf32>
    %jit3A_33 = arith.constant 0.000000e+00 : f32
    %broadcast_in_dim3A_34 = vector.broadcast %jit3A_33 : f32 to vector<128x128xf32>
    %select_n3A_35 = arith.select %eq3A, %broadcast_in_dim3A_32, %broadcast_in_dim3A_34 : vector<128x128xi1>, vector<128x128xf32>
    %reduce_sum3A_36 = arith.constant dense<0.000000e+00> : vector<128xf32>
    %reduce_sum3A_37 = vector.multi_reduction <add>, %select_n3A_35, %reduce_sum3A_36 [1] : vector<128x128xf32> to vector<128xf32>
    %broadcast_in_dim3A_38 = vector.shape_cast %reduce_sum3A_37 : vector<128xf32> to vector<128x1xf32>
    %get3A_39 = arith.constant 0 : index
    %get3A_40 = arith.constant 256 : index
    %get3A_41 = vector.load %arg3[%get3A_39, %get3A_40] : memref<8x2048xf32, #tpu.memory_space<vmem>>, vector<1x128xf32>
    %get3A_42 = arith.constant 1 : index
    %get3A_43 = arith.constant 256 : index
    %get3A_44 = vector.load %arg3[%get3A_42, %get3A_43] : memref<8x2048xf32, #tpu.memory_space<vmem>>, vector<1x128xf32>
    %add3A_45 = arith.addf %get3A_41, %get3A_44 : vector<1x128xf32>
    %add3A_46 = arith.constant 1.000000e+00 : f32
    %add3A_47 = vector.broadcast %add3A_46 : f32 to vector<1x128xf32>
    %add3A_48 = arith.addf %add3A_45, %add3A_47 : vector<1x128xf32>
    %rsqrt3A_49 = math.rsqrt %add3A_48 : vector<1x128xf32>
    %broadcast_in_dim3A_50 = vector.shape_cast %rsqrt3A_49 : vector<1x128xf32> to vector<1x128xf32>
    %broadcast_in_dim3A_51 = vector.broadcast %broadcast_in_dim3A_50 : vector<1x128xf32> to vector<128x128xf32>
    %jit3A_52 = arith.constant 0.000000e+00 : f32
    %broadcast_in_dim3A_53 = vector.broadcast %jit3A_52 : f32 to vector<128x128xf32>
    %select_n3A_54 = arith.select %eq3A, %broadcast_in_dim3A_51, %broadcast_in_dim3A_53 : vector<128x128xi1>, vector<128x128xf32>
    %reduce_sum3A_55 = arith.constant dense<0.000000e+00> : vector<128xf32>
    %reduce_sum3A_56 = vector.multi_reduction <add>, %select_n3A_54, %reduce_sum3A_55 [1] : vector<128x128xf32> to vector<128xf32>
    %broadcast_in_dim3A_57 = vector.shape_cast %reduce_sum3A_56 : vector<128xf32> to vector<128x1xf32>
    %get3A_58 = arith.constant 0 : index
    %get3A_59 = arith.constant 384 : index
    %get3A_60 = vector.load %arg3[%get3A_58, %get3A_59] : memref<8x2048xf32, #tpu.memory_space<vmem>>, vector<1x128xf32>
    %get3A_61 = arith.constant 1 : index
    %get3A_62 = arith.constant 384 : index
    %get3A_63 = vector.load %arg3[%get3A_61, %get3A_62] : memref<8x2048xf32, #tpu.memory_space<vmem>>, vector<1x128xf32>
    %add3A_64 = arith.addf %get3A_60, %get3A_63 : vector<1x128xf32>
    %add3A_65 = arith.constant 1.000000e+00 : f32
    %add3A_66 = vector.broadcast %add3A_65 : f32 to vector<1x128xf32>
    %add3A_67 = arith.addf %add3A_64, %add3A_66 : vector<1x128xf32>
    %rsqrt3A_68 = math.rsqrt %add3A_67 : vector<1x128xf32>
    %broadcast_in_dim3A_69 = vector.shape_cast %rsqrt3A_68 : vector<1x128xf32> to vector<1x128xf32>
    %broadcast_in_dim3A_70 = vector.broadcast %broadcast_in_dim3A_69 : vector<1x128xf32> to vector<128x128xf32>
    %jit3A_71 = arith.constant 0.000000e+00 : f32
    %broadcast_in_dim3A_72 = vector.broadcast %jit3A_71 : f32 to vector<128x128xf32>
    %select_n3A_73 = arith.select %eq3A, %broadcast_in_dim3A_70, %broadcast_in_dim3A_72 : vector<128x128xi1>, vector<128x128xf32>
    %reduce_sum3A_74 = arith.constant dense<0.000000e+00> : vector<128xf32>
    %reduce_sum3A_75 = vector.multi_reduction <add>, %select_n3A_73, %reduce_sum3A_74 [1] : vector<128x128xf32> to vector<128xf32>
    %broadcast_in_dim3A_76 = vector.shape_cast %reduce_sum3A_75 : vector<128xf32> to vector<128x1xf32>
    %get3A_77 = arith.constant 0 : index
    %get3A_78 = arith.constant 512 : index
    %get3A_79 = vector.load %arg3[%get3A_77, %get3A_78] : memref<8x2048xf32, #tpu.memory_space<vmem>>, vector<1x128xf32>
    %get3A_80 = arith.constant 1 : index
    %get3A_81 = arith.constant 512 : index
    %get3A_82 = vector.load %arg3[%get3A_80, %get3A_81] : memref<8x2048xf32, #tpu.memory_space<vmem>>, vector<1x128xf32>
    %add3A_83 = arith.addf %get3A_79, %get3A_82 : vector<1x128xf32>
    %add3A_84 = arith.constant 1.000000e+00 : f32
    %add3A_85 = vector.broadcast %add3A_84 : f32 to vector<1x128xf32>
    %add3A_86 = arith.addf %add3A_83, %add3A_85 : vector<1x128xf32>
    %rsqrt3A_87 = math.rsqrt %add3A_86 : vector<1x128xf32>
    %broadcast_in_dim3A_88 = vector.shape_cast %rsqrt3A_87 : vector<1x128xf32> to vector<1x128xf32>
    %broadcast_in_dim3A_89 = vector.broadcast %broadcast_in_dim3A_88 : vector<1x128xf32> to vector<128x128xf32>
    %jit3A_90 = arith.constant 0.000000e+00 : f32
    %broadcast_in_dim3A_91 = vector.broadcast %jit3A_90 : f32 to vector<128x128xf32>
    %select_n3A_92 = arith.select %eq3A, %broadcast_in_dim3A_89, %broadcast_in_dim3A_91 : vector<128x128xi1>, vector<128x128xf32>
    %reduce_sum3A_93 = arith.constant dense<0.000000e+00> : vector<128xf32>
    %reduce_sum3A_94 = vector.multi_reduction <add>, %select_n3A_92, %reduce_sum3A_93 [1] : vector<128x128xf32> to vector<128xf32>
    %broadcast_in_dim3A_95 = vector.shape_cast %reduce_sum3A_94 : vector<128xf32> to vector<128x1xf32>
    %get3A_96 = arith.constant 0 : index
    %get3A_97 = arith.constant 640 : index
    %get3A_98 = vector.load %arg3[%get3A_96, %get3A_97] : memref<8x2048xf32, #tpu.memory_space<vmem>>, vector<1x128xf32>
    %get3A_99 = arith.constant 1 : index
    %get3A_100 = arith.constant 640 : index
    %get3A_101 = vector.load %arg3[%get3A_99, %get3A_100] : memref<8x2048xf32, #tpu.memory_space<vmem>>, vector<1x128xf32>
    %add3A_102 = arith.addf %get3A_98, %get3A_101 : vector<1x128xf32>
    %add3A_103 = arith.constant 1.000000e+00 : f32
    %add3A_104 = vector.broadcast %add3A_103 : f32 to vector<1x128xf32>
    %add3A_105 = arith.addf %add3A_102, %add3A_104 : vector<1x128xf32>
    %rsqrt3A_106 = math.rsqrt %add3A_105 : vector<1x128xf32>
    %broadcast_in_dim3A_107 = vector.shape_cast %rsqrt3A_106 : vector<1x128xf32> to vector<1x128xf32>
    %broadcast_in_dim3A_108 = vector.broadcast %broadcast_in_dim3A_107 : vector<1x128xf32> to vector<128x128xf32>
    %jit3A_109 = arith.constant 0.000000e+00 : f32
    %broadcast_in_dim3A_110 = vector.broadcast %jit3A_109 : f32 to vector<128x128xf32>
    %select_n3A_111 = arith.select %eq3A, %broadcast_in_dim3A_108, %broadcast_in_dim3A_110 : vector<128x128xi1>, vector<128x128xf32>
    %reduce_sum3A_112 = arith.constant dense<0.000000e+00> : vector<128xf32>
    %reduce_sum3A_113 = vector.multi_reduction <add>, %select_n3A_111, %reduce_sum3A_112 [1] : vector<128x128xf32> to vector<128xf32>
    %broadcast_in_dim3A_114 = vector.shape_cast %reduce_sum3A_113 : vector<128xf32> to vector<128x1xf32>
    %get3A_115 = arith.constant 0 : index
    %get3A_116 = arith.constant 768 : index
    %get3A_117 = vector.load %arg3[%get3A_115, %get3A_116] : memref<8x2048xf32, #tpu.memory_space<vmem>>, vector<1x128xf32>
    %get3A_118 = arith.constant 1 : index
    %get3A_119 = arith.constant 768 : index
    %get3A_120 = vector.load %arg3[%get3A_118, %get3A_119] : memref<8x2048xf32, #tpu.memory_space<vmem>>, vector<1x128xf32>
    %add3A_121 = arith.addf %get3A_117, %get3A_120 : vector<1x128xf32>
    %add3A_122 = arith.constant 1.000000e+00 : f32
    %add3A_123 = vector.broadcast %add3A_122 : f32 to vector<1x128xf32>
    %add3A_124 = arith.addf %add3A_121, %add3A_123 : vector<1x128xf32>
    %rsqrt3A_125 = math.rsqrt %add3A_124 : vector<1x128xf32>
    %broadcast_in_dim3A_126 = vector.shape_cast %rsqrt3A_125 : vector<1x128xf32> to vector<1x128xf32>
    %broadcast_in_dim3A_127 = vector.broadcast %broadcast_in_dim3A_126 : vector<1x128xf32> to vector<128x128xf32>
    %jit3A_128 = arith.constant 0.000000e+00 : f32
    %broadcast_in_dim3A_129 = vector.broadcast %jit3A_128 : f32 to vector<128x128xf32>
    %select_n3A_130 = arith.select %eq3A, %broadcast_in_dim3A_127, %broadcast_in_dim3A_129 : vector<128x128xi1>, vector<128x128xf32>
    %reduce_sum3A_131 = arith.constant dense<0.000000e+00> : vector<128xf32>
    %reduce_sum3A_132 = vector.multi_reduction <add>, %select_n3A_130, %reduce_sum3A_131 [1] : vector<128x128xf32> to vector<128xf32>
    %broadcast_in_dim3A_133 = vector.shape_cast %reduce_sum3A_132 : vector<128xf32> to vector<128x1xf32>
    %get3A_134 = arith.constant 0 : index
    %get3A_135 = arith.constant 896 : index
    %get3A_136 = vector.load %arg3[%get3A_134, %get3A_135] : memref<8x2048xf32, #tpu.memory_space<vmem>>, vector<1x128xf32>
    %get3A_137 = arith.constant 1 : index
    %get3A_138 = arith.constant 896 : index
    %get3A_139 = vector.load %arg3[%get3A_137, %get3A_138] : memref<8x2048xf32, #tpu.memory_space<vmem>>, vector<1x128xf32>
    %add3A_140 = arith.addf %get3A_136, %get3A_139 : vector<1x128xf32>
    %add3A_141 = arith.constant 1.000000e+00 : f32
    %add3A_142 = vector.broadcast %add3A_141 : f32 to vector<1x128xf32>
    %add3A_143 = arith.addf %add3A_140, %add3A_142 : vector<1x128xf32>
    %rsqrt3A_144 = math.rsqrt %add3A_143 : vector<1x128xf32>
    %broadcast_in_dim3A_145 = vector.shape_cast %rsqrt3A_144 : vector<1x128xf32> to vector<1x128xf32>
    %broadcast_in_dim3A_146 = vector.broadcast %broadcast_in_dim3A_145 : vector<1x128xf32> to vector<128x128xf32>
    %jit3A_147 = arith.constant 0.000000e+00 : f32
    %broadcast_in_dim3A_148 = vector.broadcast %jit3A_147 : f32 to vector<128x128xf32>
    %select_n3A_149 = arith.select %eq3A, %broadcast_in_dim3A_146, %broadcast_in_dim3A_148 : vector<128x128xi1>, vector<128x128xf32>
    %reduce_sum3A_150 = arith.constant dense<0.000000e+00> : vector<128xf32>
    %reduce_sum3A_151 = vector.multi_reduction <add>, %select_n3A_149, %reduce_sum3A_150 [1] : vector<128x128xf32> to vector<128xf32>
    %broadcast_in_dim3A_152 = vector.shape_cast %reduce_sum3A_151 : vector<128xf32> to vector<128x1xf32>
    %get3A_153 = arith.constant 0 : index
    %get3A_154 = arith.constant 1024 : index
    %get3A_155 = vector.load %arg3[%get3A_153, %get3A_154] : memref<8x2048xf32, #tpu.memory_space<vmem>>, vector<1x128xf32>
    %get3A_156 = arith.constant 1 : index
    %get3A_157 = arith.constant 1024 : index
    %get3A_158 = vector.load %arg3[%get3A_156, %get3A_157] : memref<8x2048xf32, #tpu.memory_space<vmem>>, vector<1x128xf32>
    %add3A_159 = arith.addf %get3A_155, %get3A_158 : vector<1x128xf32>
    %add3A_160 = arith.constant 1.000000e+00 : f32
    %add3A_161 = vector.broadcast %add3A_160 : f32 to vector<1x128xf32>
    %add3A_162 = arith.addf %add3A_159, %add3A_161 : vector<1x128xf32>
    %rsqrt3A_163 = math.rsqrt %add3A_162 : vector<1x128xf32>
    %broadcast_in_dim3A_164 = vector.shape_cast %rsqrt3A_163 : vector<1x128xf32> to vector<1x128xf32>
    %broadcast_in_dim3A_165 = vector.broadcast %broadcast_in_dim3A_164 : vector<1x128xf32> to vector<128x128xf32>
    %jit3A_166 = arith.constant 0.000000e+00 : f32
    %broadcast_in_dim3A_167 = vector.broadcast %jit3A_166 : f32 to vector<128x128xf32>
    %select_n3A_168 = arith.select %eq3A, %broadcast_in_dim3A_165, %broadcast_in_dim3A_167 : vector<128x128xi1>, vector<128x128xf32>
    %reduce_sum3A_169 = arith.constant dense<0.000000e+00> : vector<128xf32>
    %reduce_sum3A_170 = vector.multi_reduction <add>, %select_n3A_168, %reduce_sum3A_169 [1] : vector<128x128xf32> to vector<128xf32>
    %broadcast_in_dim3A_171 = vector.shape_cast %reduce_sum3A_170 : vector<128xf32> to vector<128x1xf32>
    %get3A_172 = arith.constant 0 : index
    %get3A_173 = arith.constant 1152 : index
    %get3A_174 = vector.load %arg3[%get3A_172, %get3A_173] : memref<8x2048xf32, #tpu.memory_space<vmem>>, vector<1x128xf32>
    %get3A_175 = arith.constant 1 : index
    %get3A_176 = arith.constant 1152 : index
    %get3A_177 = vector.load %arg3[%get3A_175, %get3A_176] : memref<8x2048xf32, #tpu.memory_space<vmem>>, vector<1x128xf32>
    %add3A_178 = arith.addf %get3A_174, %get3A_177 : vector<1x128xf32>
    %add3A_179 = arith.constant 1.000000e+00 : f32
    %add3A_180 = vector.broadcast %add3A_179 : f32 to vector<1x128xf32>
    %add3A_181 = arith.addf %add3A_178, %add3A_180 : vector<1x128xf32>
    %rsqrt3A_182 = math.rsqrt %add3A_181 : vector<1x128xf32>
    %broadcast_in_dim3A_183 = vector.shape_cast %rsqrt3A_182 : vector<1x128xf32> to vector<1x128xf32>
    %broadcast_in_dim3A_184 = vector.broadcast %broadcast_in_dim3A_183 : vector<1x128xf32> to vector<128x128xf32>
    %jit3A_185 = arith.constant 0.000000e+00 : f32
    %broadcast_in_dim3A_186 = vector.broadcast %jit3A_185 : f32 to vector<128x128xf32>
    %select_n3A_187 = arith.select %eq3A, %broadcast_in_dim3A_184, %broadcast_in_dim3A_186 : vector<128x128xi1>, vector<128x128xf32>
    %reduce_sum3A_188 = arith.constant dense<0.000000e+00> : vector<128xf32>
    %reduce_sum3A_189 = vector.multi_reduction <add>, %select_n3A_187, %reduce_sum3A_188 [1] : vector<128x128xf32> to vector<128xf32>
    %broadcast_in_dim3A_190 = vector.shape_cast %reduce_sum3A_189 : vector<128xf32> to vector<128x1xf32>
    %get3A_191 = arith.constant 0 : index
    %get3A_192 = arith.constant 1280 : index
    %get3A_193 = vector.load %arg3[%get3A_191, %get3A_192] : memref<8x2048xf32, #tpu.memory_space<vmem>>, vector<1x128xf32>
    %get3A_194 = arith.constant 1 : index
    %get3A_195 = arith.constant 1280 : index
    %get3A_196 = vector.load %arg3[%get3A_194, %get3A_195] : memref<8x2048xf32, #tpu.memory_space<vmem>>, vector<1x128xf32>
    %add3A_197 = arith.addf %get3A_193, %get3A_196 : vector<1x128xf32>
    %add3A_198 = arith.constant 1.000000e+00 : f32
    %add3A_199 = vector.broadcast %add3A_198 : f32 to vector<1x128xf32>
    %add3A_200 = arith.addf %add3A_197, %add3A_199 : vector<1x128xf32>
    %rsqrt3A_201 = math.rsqrt %add3A_200 : vector<1x128xf32>
    %broadcast_in_dim3A_202 = vector.shape_cast %rsqrt3A_201 : vector<1x128xf32> to vector<1x128xf32>
    %broadcast_in_dim3A_203 = vector.broadcast %broadcast_in_dim3A_202 : vector<1x128xf32> to vector<128x128xf32>
    %jit3A_204 = arith.constant 0.000000e+00 : f32
    %broadcast_in_dim3A_205 = vector.broadcast %jit3A_204 : f32 to vector<128x128xf32>
    %select_n3A_206 = arith.select %eq3A, %broadcast_in_dim3A_203, %broadcast_in_dim3A_205 : vector<128x128xi1>, vector<128x128xf32>
    %reduce_sum3A_207 = arith.constant dense<0.000000e+00> : vector<128xf32>
    %reduce_sum3A_208 = vector.multi_reduction <add>, %select_n3A_206, %reduce_sum3A_207 [1] : vector<128x128xf32> to vector<128xf32>
    %broadcast_in_dim3A_209 = vector.shape_cast %reduce_sum3A_208 : vector<128xf32> to vector<128x1xf32>
    %get3A_210 = arith.constant 0 : index
    %get3A_211 = arith.constant 1408 : index
    %get3A_212 = vector.load %arg3[%get3A_210, %get3A_211] : memref<8x2048xf32, #tpu.memory_space<vmem>>, vector<1x128xf32>
    %get3A_213 = arith.constant 1 : index
    %get3A_214 = arith.constant 1408 : index
    %get3A_215 = vector.load %arg3[%get3A_213, %get3A_214] : memref<8x2048xf32, #tpu.memory_space<vmem>>, vector<1x128xf32>
    %add3A_216 = arith.addf %get3A_212, %get3A_215 : vector<1x128xf32>
    %add3A_217 = arith.constant 1.000000e+00 : f32
    %add3A_218 = vector.broadcast %add3A_217 : f32 to vector<1x128xf32>
    %add3A_219 = arith.addf %add3A_216, %add3A_218 : vector<1x128xf32>
    %rsqrt3A_220 = math.rsqrt %add3A_219 : vector<1x128xf32>
    %broadcast_in_dim3A_221 = vector.shape_cast %rsqrt3A_220 : vector<1x128xf32> to vector<1x128xf32>
    %broadcast_in_dim3A_222 = vector.broadcast %broadcast_in_dim3A_221 : vector<1x128xf32> to vector<128x128xf32>
    %jit3A_223 = arith.constant 0.000000e+00 : f32
    %broadcast_in_dim3A_224 = vector.broadcast %jit3A_223 : f32 to vector<128x128xf32>
    %select_n3A_225 = arith.select %eq3A, %broadcast_in_dim3A_222, %broadcast_in_dim3A_224 : vector<128x128xi1>, vector<128x128xf32>
    %reduce_sum3A_226 = arith.constant dense<0.000000e+00> : vector<128xf32>
    %reduce_sum3A_227 = vector.multi_reduction <add>, %select_n3A_225, %reduce_sum3A_226 [1] : vector<128x128xf32> to vector<128xf32>
    %broadcast_in_dim3A_228 = vector.shape_cast %reduce_sum3A_227 : vector<128xf32> to vector<128x1xf32>
    %get3A_229 = arith.constant 0 : index
    %get3A_230 = arith.constant 1536 : index
    %get3A_231 = vector.load %arg3[%get3A_229, %get3A_230] : memref<8x2048xf32, #tpu.memory_space<vmem>>, vector<1x128xf32>
    %get3A_232 = arith.constant 1 : index
    %get3A_233 = arith.constant 1536 : index
    %get3A_234 = vector.load %arg3[%get3A_232, %get3A_233] : memref<8x2048xf32, #tpu.memory_space<vmem>>, vector<1x128xf32>
    %add3A_235 = arith.addf %get3A_231, %get3A_234 : vector<1x128xf32>
    %add3A_236 = arith.constant 1.000000e+00 : f32
    %add3A_237 = vector.broadcast %add3A_236 : f32 to vector<1x128xf32>
    %add3A_238 = arith.addf %add3A_235, %add3A_237 : vector<1x128xf32>
    %rsqrt3A_239 = math.rsqrt %add3A_238 : vector<1x128xf32>
    %broadcast_in_dim3A_240 = vector.shape_cast %rsqrt3A_239 : vector<1x128xf32> to vector<1x128xf32>
    %broadcast_in_dim3A_241 = vector.broadcast %broadcast_in_dim3A_240 : vector<1x128xf32> to vector<128x128xf32>
    %jit3A_242 = arith.constant 0.000000e+00 : f32
    %broadcast_in_dim3A_243 = vector.broadcast %jit3A_242 : f32 to vector<128x128xf32>
    %select_n3A_244 = arith.select %eq3A, %broadcast_in_dim3A_241, %broadcast_in_dim3A_243 : vector<128x128xi1>, vector<128x128xf32>
    %reduce_sum3A_245 = arith.constant dense<0.000000e+00> : vector<128xf32>
    %reduce_sum3A_246 = vector.multi_reduction <add>, %select_n3A_244, %reduce_sum3A_245 [1] : vector<128x128xf32> to vector<128xf32>
    %broadcast_in_dim3A_247 = vector.shape_cast %reduce_sum3A_246 : vector<128xf32> to vector<128x1xf32>
    %get3A_248 = arith.constant 0 : index
    %get3A_249 = arith.constant 1664 : index
    %get3A_250 = vector.load %arg3[%get3A_248, %get3A_249] : memref<8x2048xf32, #tpu.memory_space<vmem>>, vector<1x128xf32>
    %get3A_251 = arith.constant 1 : index
    %get3A_252 = arith.constant 1664 : index
    %get3A_253 = vector.load %arg3[%get3A_251, %get3A_252] : memref<8x2048xf32, #tpu.memory_space<vmem>>, vector<1x128xf32>
    %add3A_254 = arith.addf %get3A_250, %get3A_253 : vector<1x128xf32>
    %add3A_255 = arith.constant 1.000000e+00 : f32
    %add3A_256 = vector.broadcast %add3A_255 : f32 to vector<1x128xf32>
    %add3A_257 = arith.addf %add3A_254, %add3A_256 : vector<1x128xf32>
    %rsqrt3A_258 = math.rsqrt %add3A_257 : vector<1x128xf32>
    %broadcast_in_dim3A_259 = vector.shape_cast %rsqrt3A_258 : vector<1x128xf32> to vector<1x128xf32>
    %broadcast_in_dim3A_260 = vector.broadcast %broadcast_in_dim3A_259 : vector<1x128xf32> to vector<128x128xf32>
    %jit3A_261 = arith.constant 0.000000e+00 : f32
    %broadcast_in_dim3A_262 = vector.broadcast %jit3A_261 : f32 to vector<128x128xf32>
    %select_n3A_263 = arith.select %eq3A, %broadcast_in_dim3A_260, %broadcast_in_dim3A_262 : vector<128x128xi1>, vector<128x128xf32>
    %reduce_sum3A_264 = arith.constant dense<0.000000e+00> : vector<128xf32>
    %reduce_sum3A_265 = vector.multi_reduction <add>, %select_n3A_263, %reduce_sum3A_264 [1] : vector<128x128xf32> to vector<128xf32>
    %broadcast_in_dim3A_266 = vector.shape_cast %reduce_sum3A_265 : vector<128xf32> to vector<128x1xf32>
    %get3A_267 = arith.constant 0 : index
    %get3A_268 = arith.constant 1792 : index
    %get3A_269 = vector.load %arg3[%get3A_267, %get3A_268] : memref<8x2048xf32, #tpu.memory_space<vmem>>, vector<1x128xf32>
    %get3A_270 = arith.constant 1 : index
    %get3A_271 = arith.constant 1792 : index
    %get3A_272 = vector.load %arg3[%get3A_270, %get3A_271] : memref<8x2048xf32, #tpu.memory_space<vmem>>, vector<1x128xf32>
    %add3A_273 = arith.addf %get3A_269, %get3A_272 : vector<1x128xf32>
    %add3A_274 = arith.constant 1.000000e+00 : f32
    %add3A_275 = vector.broadcast %add3A_274 : f32 to vector<1x128xf32>
    %add3A_276 = arith.addf %add3A_273, %add3A_275 : vector<1x128xf32>
    %rsqrt3A_277 = math.rsqrt %add3A_276 : vector<1x128xf32>
    %broadcast_in_dim3A_278 = vector.shape_cast %rsqrt3A_277 : vector<1x128xf32> to vector<1x128xf32>
    %broadcast_in_dim3A_279 = vector.broadcast %broadcast_in_dim3A_278 : vector<1x128xf32> to vector<128x128xf32>
    %jit3A_280 = arith.constant 0.000000e+00 : f32
    %broadcast_in_dim3A_281 = vector.broadcast %jit3A_280 : f32 to vector<128x128xf32>
    %select_n3A_282 = arith.select %eq3A, %broadcast_in_dim3A_279, %broadcast_in_dim3A_281 : vector<128x128xi1>, vector<128x128xf32>
    %reduce_sum3A_283 = arith.constant dense<0.000000e+00> : vector<128xf32>
    %reduce_sum3A_284 = vector.multi_reduction <add>, %select_n3A_282, %reduce_sum3A_283 [1] : vector<128x128xf32> to vector<128xf32>
    %broadcast_in_dim3A_285 = vector.shape_cast %reduce_sum3A_284 : vector<128xf32> to vector<128x1xf32>
    %get3A_286 = arith.constant 0 : index
    %get3A_287 = arith.constant 1920 : index
    %get3A_288 = vector.load %arg3[%get3A_286, %get3A_287] : memref<8x2048xf32, #tpu.memory_space<vmem>>, vector<1x128xf32>
    %get3A_289 = arith.constant 1 : index
    %get3A_290 = arith.constant 1920 : index
    %get3A_291 = vector.load %arg3[%get3A_289, %get3A_290] : memref<8x2048xf32, #tpu.memory_space<vmem>>, vector<1x128xf32>
    %add3A_292 = arith.addf %get3A_288, %get3A_291 : vector<1x128xf32>
    %add3A_293 = arith.constant 1.000000e+00 : f32
    %add3A_294 = vector.broadcast %add3A_293 : f32 to vector<1x128xf32>
    %add3A_295 = arith.addf %add3A_292, %add3A_294 : vector<1x128xf32>
    %rsqrt3A_296 = math.rsqrt %add3A_295 : vector<1x128xf32>
    %broadcast_in_dim3A_297 = vector.shape_cast %rsqrt3A_296 : vector<1x128xf32> to vector<1x128xf32>
    %broadcast_in_dim3A_298 = vector.broadcast %broadcast_in_dim3A_297 : vector<1x128xf32> to vector<128x128xf32>
    %jit3A_299 = arith.constant 0.000000e+00 : f32
    %broadcast_in_dim3A_300 = vector.broadcast %jit3A_299 : f32 to vector<128x128xf32>
    %select_n3A_301 = arith.select %eq3A, %broadcast_in_dim3A_298, %broadcast_in_dim3A_300 : vector<128x128xi1>, vector<128x128xf32>
    %reduce_sum3A_302 = arith.constant dense<0.000000e+00> : vector<128xf32>
    %reduce_sum3A_303 = vector.multi_reduction <add>, %select_n3A_301, %reduce_sum3A_302 [1] : vector<128x128xf32> to vector<128xf32>
    %broadcast_in_dim3A_304 = vector.shape_cast %reduce_sum3A_303 : vector<128xf32> to vector<128x1xf32>
    %concatenate3A = tpu.concatenate %broadcast_in_dim3A_19, %broadcast_in_dim3A_38, %broadcast_in_dim3A_57, %broadcast_in_dim3A_76, %broadcast_in_dim3A_95, %broadcast_in_dim3A_114, %broadcast_in_dim3A_133, %broadcast_in_dim3A_152, %broadcast_in_dim3A_171, %broadcast_in_dim3A_190, %broadcast_in_dim3A_209, %broadcast_in_dim3A_228, %broadcast_in_dim3A_247, %broadcast_in_dim3A_266, %broadcast_in_dim3A_285, %broadcast_in_dim3A_304 in 0 : vector<128x1xf32>, vector<128x1xf32>, vector<128x1xf32>, vector<128x1xf32>, vector<128x1xf32>, vector<128x1xf32>, vector<128x1xf32>, vector<128x1xf32>, vector<128x1xf32>, vector<128x1xf32>, vector<128x1xf32>, vector<128x1xf32>, vector<128x1xf32>, vector<128x1xf32>, vector<128x1xf32>, vector<128x1xf32> -> vector<2048x1xf32>
    %mul3A = vector.broadcast %concatenate3A : vector<2048x1xf32> to vector<2048x128xf32>
    %mul3A_305 = arith.mulf %mul3A, %add3A : vector<2048x128xf32>
    %get3A_306 = arith.constant 0 : index
    %get3A_307 = arith.constant 0 : index
    %get3A_308 = vector.load %arg4[%get3A_306, %get3A_307] : memref<8x128xf32, #tpu.memory_space<vmem>>, vector<1x128xf32>
    %add3A_309 = vector.broadcast %get3A_308 : vector<1x128xf32> to vector<2048x128xf32>
    %add3A_310 = arith.addf %mul3A_305, %add3A_309 : vector<2048x128xf32>
    %swap3A = arith.constant 0 : index
    %swap3A_311 = arith.constant 0 : index
    %swap3A_312 = vector.load %arg5[%swap3A, %swap3A_311] : memref<2048x128xf32, #tpu.memory_space<vmem>>, vector<2048x128xf32>
    tpu.vector_store %arg5[%swap3A, %swap3A_311], %add3A_310 {strides = array<i32>} : memref<2048x128xf32, #tpu.memory_space<vmem>>, vector<2048x128xf32>,
    return
  }
  func.func @transform_0(%arg0: i32) -> (i32, i32) {
    %c0_i32 = arith.constant 0 : i32
    %c0_i32_0 = arith.constant 0 : i32
    return %arg0, %c0_i32 : i32, i32
  }
  func.func @transform_1(%arg0: i32) -> (i32, i32) {
    %c0_i32 = arith.constant 0 : i32
    %c0_i32_0 = arith.constant 0 : i32
    return %arg0, %c0_i32 : i32, i32
  }
  func.func @transform_2(%arg0: i32) -> (i32, i32) {
    %c0_i32 = arith.constant 0 : i32
    %c0_i32_0 = arith.constant 0 : i32
    return %c0_i32, %arg0 : i32, i32
  }
  func.func @transform_3(%arg0: i32) -> (i32, i32) {
    %c0_i32 = arith.constant 0 : i32
    %c0_i32_0 = arith.constant 0 : i32
    %c0_i32_1 = arith.constant 0 : i32
    return %c0_i32, %c0_i32_0 : i32, i32
  }
  func.func @transform_4(%arg0: i32) -> (i32, i32) {
    %c0_i32 = arith.constant 0 : i32
    %c0_i32_0 = arith.constant 0 : i32
    return %arg0, %c0_i32 : i32, i32
  }
}

</mosaic_0001>

<sc_bundles>
// kernel: kernel.6.cloned.1.call-start
scs
__scs_entry_jumppad:
0x0: {  	(pc) =	sbr.rel $0x88, $3  }
0x1: {  	(tag) =	ssettag $0x0;
	lr =	simm.s32 $0x1  }
0x2: {  	[smem:$0x3F9D] =	sst lr;
	_ =	strace $0xD0000000  }
0x3: {  	_ = 	snop  }
0x4: {  	_ = 	snop  }
0x5: {  	_ = 	snop  }
0x6: {  	_ = 	snop  }
0x7: {  	_ = 	snop  }
__scs_overlays_trampoline_lowered:
0x8: {  	[smem:$0x3FAC] =	sst s0  }
0x9: {  	[smem:$0x3FAD] =	sst s1  }
0xa: {  	[smem:$0x3FAE] =	sst s2  }
0xb: {  	[smem:$0x3FAF] =	sst s3  }
0xc: {  	[smem:$0x3FB0] =	sst s4  }
0xd: {  	[smem:$0x3FB1] =	sst s5  }
0xe: {  	[smem:$0x3FB2] =	sst s6  }
0xf: {  	[smem:$0x3FB3] =	sst s7  }
0x10: {  	[smem:$0x3FB4] =	sst s8  }
0x11: {  	[smem:$0x3FB5] =	sst s9;
	s0 =	simm.s32 @!p0 $0x0  }
0x12: {  	s1 =	sld [smem:$0x3F9B];
	s0 =	simm.s32 @p0 $0x1  }
0x13: {  	[smem:$0x3FB6] =	sst s0;
	s0 =	simm.s32 @!p1 $0x0  }
0x14: {  	s2 =	sld [smem:$0x3F9A];
	s0 =	simm.s32 @p1 $0x1  }
0x15: {  	[smem:$0x3FB7] =	sst s0;
	s0 =	simm.s32 @!p2 $0x0  }
0x16: {  	s3 =	sld [smem:$0x3FDB];
	s0 =	simm.s32 @p2 $0x1  }
0x17: {  	s4 =	simm.s32 $0x1BF5;
	[smem:$0x3FB9] =	sst s0  }
0x18: {  	s0 =	sld [smem:$0x3F9C];
	_ =	swait.ge [sflag:s4], $0x0  }
0x19: {  	s7 =	sld [smem:$0x3F9D]  }
0x1a: {  	s8 =	sadd.s32 $0xFFFFE003, lr  }
0x1b: {  	s9 =	sadd.s32 $0xFFFFFEF7, lr;
	s5 =	simm.s32 $0xFFFFFFFF;
	p2 =	slt.u32 s8, $0xFFFFF086  }
0x1c: {  	p1 =	slt.u32 s9, $0xF7A;
	s5 =	simm.s32 @!p2 $0x0  }
0x1d: {  	s5 =	simm.s32 @p1 $0x1;
	p0 =	seq.s32 s7, s2  }
0x1e: {  	s7 =	smul.u32 @!p0 $0xF7A, s2;
	p2 =	seq.s32 @!p0 s5, $0x0  }
0x1f: {  	s9 =	smul.u32 $0xF7A, s1;
	s8 =	simm.s32 @!p0 $0x1BF5;
	p2 =	por !p2, p0  }
0x20: {  	[sflag:s8] =	ssyncset.s32 @!p0 $0xFFFFF086;
	s6 =	sadd.s32 @!p0 s3, s7;
	s7 =	simm.s32 @!p0 $0x108  }
0x21: {  	s3 =	sadd.s32 s3, s9;
	s6 =	sadd.s32 @!p0 $0x88, s6;
	s7 =	simm.s32 @p2 $0x1082  }
0x22: {  	[simem:s7], [sflag:s8] =	dma.local @!p0 [hbm:s6], $0xF7A  }
0x23: {  	s9 =	sor.u32 $0xD0000000, s2;
	s6 =	simm.s32 $0x108;
	_ =	swait.ge @!p0 [sflag:s8], $0x0  }
0x24: {  	s3 =	sadd.s32 $0x88, s3;
	s6 =	simm.s32 @!p1 $0x1082;
	[sflag:s4] =	ssyncset.s32 $0xFFFFF086  }
0x25: {  	[simem:s6], [sflag:s4] =	dma.local [hbm:s3], $0xF7A  }
0x26: {  	[smem:$0x3F9D] =	sst s1;
	(tag) =	ssettag s2;
	_ =	strace s9  }
0x27: {  	s1 =	sld [smem:$0x3FAD]  }
0x28: {  	s2 =	sld [smem:$0x3FAE]  }
0x29: {  	s4 =	sld [smem:$0x3FB0]  }
0x2a: {  	p0 =	seq.s32 s5, $0x0;
	s5 =	sld [smem:$0x3FB1]  }
0x2b: {  	s6 =	sld [smem:$0x3FB2]  }
0x2c: {  	s7 =	sld [smem:$0x3FB3]  }
0x2d: {  	s3 =	simm.s32 $0x108;
	s8 =	sld [smem:$0x3FB4]  }
0x2e: {  	s3 =	simm.s32 @!p0 $0x1082;
	s9 =	sld [smem:$0x3FB5]  }
0x2f: {  	lr =	sadd.s32 s0, s3;
	s0 =	sld [smem:$0x3FAC]  }
0x30: {  	s3 =	sld [smem:$0x3FAF]  }
0x31: {  	[smem:$0x3FB8] =	sst s10  }
0x32: {  	s10 =	sld [smem:$0x3FB6];
	_ =	sdelay $0x3  }
0x33: {  	p0 =	seq.s32 s10, $0x1;
	s10 =	sld [smem:$0x3FB8];
	_ =	sdelay $0x3  }
0x34: {  	[smem:$0x3FB8] =	sst s10  }
0x35: {  	s10 =	sld [smem:$0x3FB7];
	_ =	sdelay $0x3  }
0x36: {  	p1 =	seq.s32 s10, $0x1;
	s10 =	sld [smem:$0x3FB8];
	_ =	sdelay $0x3  }
0x37: {  	[smem:$0x3FB8] =	sst s10  }
0x38: {  	s10 =	sld [smem:$0x3FB9]  }
0x39: {  	_ = 	snop;
	(pc) =	sbr.ind lr, $3  }
0x3a: {  	_ = 	snop  }
0x3b: {  	_ = 	snop  }
0x3c: {  	p2 =	seq.s32 s10, $0x1;
	s10 =	sld [smem:$0x3FB8]  }
0x3d: {  	_ =	shalt  }
0x3e: {  	_ =	shalt  }
0x3f: {  	_ =	shalt  }
0x40: {  	_ =	shalt  }
0x41: {  	_ =	shalt  }
0x42: {  	_ =	shalt  }
0x43: {  	_ =	shalt  }
0x44: {  	_ =	shalt  }
0x45: {  	_ =	shalt  }
0x46: {  	_ =	shalt  }
0x47: {  	_ =	shalt  }
0x48: {  	_ =	shalt  }
0x49: {  	_ =	shalt  }
0x4a: {  	_ =	shalt  }
0x4b: {  	_ =	shalt  }
0x4c: {  	_ =	shalt  }
0x4d: {  	_ =	shalt  }
0x4e: {  	_ =	shalt  }
0x4f: {  	_ =	shalt  }
0x50: {  	_ =	shalt  }
0x51: {  	_ =	shalt  }
0x52: {  	_ =	shalt  }
0x53: {  	_ =	shalt  }
0x54: {  	_ =	shalt  }
0x55: {  	_ =	shalt  }
0x56: {  	_ =	shalt  }
0x57: {  	_ =	shalt  }
0x58: {  	_ =	shalt  }
0x59: {  	_ =	shalt  }
0x5a: {  	_ =	shalt  }
0x5b: {  	_ =	shalt  }
0x5c: {  	_ =	shalt  }
0x5d: {  	_ =	shalt  }
0x5e: {  	_ =	shalt  }
0x5f: {  	_ =	shalt  }
0x60: {  	_ =	shalt  }
0x61: {  	_ =	shalt  }
0x62: {  	_ =	shalt  }
0x63: {  	_ =	shalt  }
0x64: {  	_ =	shalt  }
0x65: {  	_ =	shalt  }
0x66: {  	_ =	shalt  }
0x67: {  	_ =	shalt  }
0x68: {  	_ =	shalt  }
0x69: {  	_ =	shalt  }
0x6a: {  	_ =	shalt  }
0x6b: {  	_ =	shalt  }
0x6c: {  	_ =	shalt  }
0x6d: {  	_ =	shalt  }
0x6e: {  	_ =	shalt  }
0x6f: {  	_ =	shalt  }
0x70: {  	_ =	shalt  }
0x71: {  	_ =	shalt  }
0x72: {  	_ =	shalt  }
0x73: {  	_ =	shalt  }
0x74: {  	_ =	shalt  }
0x75: {  	_ =	shalt  }
0x76: {  	_ =	shalt  }
0x77: {  	_ =	shalt  }
0x78: {  	_ =	shalt  }
0x79: {  	_ =	shalt  }
0x7a: {  	_ =	shalt  }
0x7b: {  	_ =	shalt  }
0x7c: {  	_ =	shalt  }
0x7d: {  	_ =	shalt  }
0x7e: {  	_ =	shalt  }
0x7f: {  	_ =	shalt  }
0x80: {  	_ =	shalt  }
0x81: {  	_ =	shalt  }
0x82: {  	_ =	shalt  }
0x83: {  	_ =	shalt  }
0x84: {  	_ =	shalt  }
0x85: {  	_ =	shalt  }
0x86: {  	_ =	shalt  }
0x87: {  	_ =	shalt  }
.Lfunc_end0:
.L_simem_size_0:
called_computation_lowered:
.L_overlay_start_0:
0x88: {  	s2 =	sld [smem:$0x3FD9]  }
0x89: {  	s3 =	sld [smem:$0x3FFE];
	_ =	sdelay $0x1  }
0x8a: {  	s1 =	srdreg.scid  }
0x8b: {  	s0 =	sand.u32 $0x1, s1  }
0x8c: {  	s17 =	sshll.u32 s0, $0xA;
	s2 =	sadd.s32 s3, s2  }
0x8d: {  	s2 =	sadd.s32 s2, s17  }
0x8e: {  	[smem:$0x3FC4] =	sst s2  }
0x8f: {  	_ = 	snop  }
0x90: {  	s2 =	sld [smem:$0x3FD0];
	(tm) =	ssettm $0x1  }
0x91: {  	s18 =	sld [smem:$0x3FFB];
	_ =	sdelay $0x3  }
0x92: {  	_ =	strace s18  }
0x93: {  	s3 =	sld [smem:$0x3FFC];
	_ =	sdelay $0x3  }
0x94: {  	_ =	strace s3  }
0x95: {  	s3 =	sld [smem:$0x3FFD];
	_ =	sdelay $0x3  }
0x96: {  	_ =	strace s3  }
0x97: {  	_ =	strace $0x8FFFFFFF  }
0x98: {  	s19 =	sld [smem:$0x3FDB];
	_ =	sdelay $0x1  }
0x99: {  	s4 =	simm.s32 $_scs_section_size  }
0x9a: {  	s5 =	simm.s32 $_size__tile_overlayer_lowered;
	s6 =	simm.s32 $_tile_overlayer_lowered  }
0x9b: {  	s22 =	simm.s32 $0x1BFF;
	s21 =	sshll.u32 s6, $0x1;
	s3 =	sadd.s32 s4, s19  }
0x9c: {  	s7 =	simm.s32 $0x0;
	s20 =	sshll.u32 s5, $0x1;
	s5 =	sadd.s32 s21, s3  }
0x9d: {  	[timem:s7], [sflag:s22] =	dma.local [hbm:s5], s20  }
0x9e: {  	_ =	swait.ge [sflag:s22], s20  }
0x9f: {  	s4 =	ssub.s32 $0x0, s20;
	[sflag:s22] =	ssyncset.done $0x0  }
0xa0: {  	[sflag:s22] =	ssyncadd.s32 s4;
	_ =	sdelay $0x1  }
0xa1: {  	s23 =	simm.s32 $0x1B8B  }
0xa2: {  	_ =	swait.ge [sflag:s23], $0x1  }
0xa3: {  	[sflag:s23] =	ssyncset.done $0x0  }
0xa4: {  	s25 =	simm.s32 $0x1B8E;
	s24 =	sld [smem:$0x3FFE];
	[sflag:s23] =	ssyncadd.s32 $0xFFFFFFFF  }
0xa5: {  	s26 =	simm.s32 $execute0_lowered;
	[smem:$0x3FD2] =	sst s25  }
0xa6: {  	s5 =	sshll.u32 s26, $0x1;
	_ =	strace $0x80000046;
	[dreg:$0x1] =	wrdreg $0xFFFFFFFF  }
0xa7: {  	s28 =	simm.s32 $_size_execute0_lowered;
	s3 =	sadd.s32 s3, s5;
	[dreg:$0x0] =	wrdreg $0x0  }
0xa8: {  	s5 =	sshll.u32 s28, $0x1;
	[dreg:$0x2] =	wrdreg s3  }
0xa9: {  	[dreg:$0x3] =	wrdreg s5  }
0xaa: {  	[dreg:$0x4] =	wrdreg $0xC0  }
0xab: {  	_ =	task [dreg:s7], $0x5FFFF  }
0xac: {  	[dreg:$0x1] =	wrdreg $0xFFFFFFFF  }
0xad: {  	[dreg:$0x0] =	wrdreg $0x60  }
0xae: {  	[dreg:$0x2] =	wrdreg s2  }
0xaf: {  	[dreg:$0x3] =	wrdreg s24  }
0xb0: {  	[dreg:$0x4] =	wrdreg $0xC8000  }
0xb1: {  	[dreg:$0x5] =	wrdreg $0x9  }
0xb2: {  	_ =	task.clear_ibuf [dreg:s7], $0x6FFFF;
	_ =	strace $0x90000046  }
0xb3: {  	s29 =	simm.s32 $0x9;
	_ =	strace $0x80000048  }
0xb4: {  	_ =	swait.ge [sflag:s29], $0x1  }
0xb5: {  	[sflag:s29] =	ssyncadd.s32 $0xFFFFFFFF  }
0xb6: {  	_ =	strace $0x90000048  }
0xb7: {  	_ =	sfence  }
0xb8: {  	s30 =	sld [smem:$0x0];
	_ =	sdelay $0x2  }
0xb9: {  	s31 =	sshll.u32 s1, $0xD;
	s1 =	sshrl.u32 s1, $0x2  }
0xba: {  	s3 =	sand.u32 $0x4000, s31;
	s1 =	sadd.s32 s1, s30  }
0xbb: {  	s0 =	sor.u32 s3, s0;
	s1 =	sshll.u32 s1, $0x11  }
0xbc: {  	s0 =	sor.u32 s1, s0  }
0xbd: {  	s0 =	sadd.s32 $0x8F2B, s0  }
0xbe: {  	[sflag:s0] =	ssyncadd.remote.s32 $0x1  }
0xbf: {  	_ =	sfence.sel $0xFFFF  }
0xc0: {  	[dreg:$0x0] =	wrdreg $0xFFFFFFFF;
	(pc) =	sbr.abs _section_cstart, $3  }
0xc1: {  	[dreg:$0x1] =	wrdreg $0xFFFFFFFF  }
0xc2: {  	_ =	task.clear_ibuf [dreg:s7], $0x2FFFF;
	_ =	strace $0x9FFFFFFF  }
0xc3: {  	(tm) =	ssettm $0x7FFFFFFF  }
tec
execute0_lowered:
.L_overlay_start_1:
0x0: {  	(tag) =	ssettag $0x1  }
0x1: {  	s7 =	rddreg [dreg:$0x0]  }
0x2: {  	s4 =	rddreg [dreg:$0x1];
	s1 =	srdreg.scid  }
0x3: {  	s0 =	stileid.u32;
	s2 =	rddreg [dreg:$0x2];
	s3 =	simm.s32 $0x0  }
0x4: {  	s17 =	simm.s32 $0x2780;
	s18 =	simm.s32 $0x80;
	s19 =	simm.s32 $0x2700  }
0x5: {  	s20 =	simm.s32 $0xC500;
	s21 =	simm.s32 $0x1;
	s22 =	simm.s32 $0x4F00  }
0x6: {  	s23 =	simm.s32 $0x7680;
	s5 =	sand.u32 $0x1, s1;
	s1 =	rddreg [dreg:$0x3]  }
0x7: {  	s24 =	simm.s32 $0x0;
	s6 =	smul.u32 $0x280, s0;
	[smem:$0x7FF] =	sst s3  }
0x8: {  	s11 =	sadd.s32 $0x3000, s4;
	s12 =	sadd.s32 $0xCE00, s4;
	s8 =	smul.u32 $0x2800, s5  }
0x9: {  	s9 =	sshll.u32 s5, $0x4;
	_ =	strace $0x80000047;
	s30 =	ssub.s32 $0x2, s5  }
0xa: {  	s15 =	sor.u32 s0, s9;
	s5 =	sshrl.u32 s30, $0x1;
	s8 =	sadd.s32 s6, s8  }
0xb: {  	s9 =	smul.u32 $0x2700, s15;
	s31 =	sshll.u32 s15, $0x4;
	s14 =	ssub.s32 s30, s5  }
0xc: {  	s5 =	sadd.s32 s6, s2;
	p0 =	slt.u32 s15, $0x1C;
	s15 =	simm.s32 $0xC580  }
0xd: {  	s8 =	sshrl.u32 s8, $0x3;
	s16 =	sadd.s32 $0x9A40, s31;
	s10 =	sshrl.u32 s9, $0x3  }
0xe: {  	v0 =	vlaneseq.u32;
	s14 =	smax.u32 s14, $0x1;
	s13 =	sadd.s32 s8, s4;
	s4 =	sadd.s32 s7, s10  }
0xf: {  	v2 =	vmul.u32 $0x2, v0;
	s7 =	sadd.s32 s7, s16;
	s9 =	sadd.s32 s11, s10;
	s10 =	sadd.s32 s12, s10  }
0x10: {  	s11 =	sadd.s32 s11, s16;
	s12 =	sadd.s32 s12, s16;
	s13 =	sadd.s32 $0x2600, s13  }
0x11: {  	v1 =	vimm.f32 $1.000000000e+00;
	v0 =	vimm.f32 $0.0e+00;
	v2 =	vadd.s32 $0x4E22, v2;
	s16 =	simm.s32 $0x2;
	s6 =	sadd.s32 $0x9C40, s4;
	s8 =	sadd.s32 $0x9C40, s7  }
.LBB2_1:
0x12: {  	[tilespmem:$0xC580] =	vst v0  }
0x13: {  	[tilespmem:$0xC590] =	vst v0  }
0x14: {  	[tilespmem:$0xC5A0] =	vst v0  }
0x15: {  	[tilespmem:$0xC5B0] =	vst v0  }
0x16: {  	[tilespmem:$0xC5C0] =	vst v0  }
0x17: {  	[tilespmem:$0xC5D0] =	vst v0  }
0x18: {  	[tilespmem:$0xC5E0] =	vst v0  }
0x19: {  	[tilespmem:$0xC5F0] =	vst v0  }
0x1a: {  	[tilespmem:$0xC600] =	vst v0  }
0x1b: {  	[tilespmem:$0xC610] =	vst v0  }
0x1c: {  	[tilespmem:$0xC620] =	vst v0  }
0x1d: {  	[tilespmem:$0xC630] =	vst v0  }
0x1e: {  	[tilespmem:$0xC640] =	vst v0  }
0x1f: {  	[tilespmem:$0xC650] =	vst v0  }
0x20: {  	[tilespmem:$0xC660] =	vst v0  }
0x21: {  	[tilespmem:$0xC670] =	vst v0  }
0x22: {  	[tilespmem:$0xC680] =	vst v0  }
0x23: {  	[tilespmem:$0xC690] =	vst v0  }
0x24: {  	[tilespmem:$0xC6A0] =	vst v0  }
0x25: {  	[tilespmem:$0xC6B0] =	vst v0  }
0x26: {  	[tilespmem:$0xC6C0] =	vst v0  }
0x27: {  	[tilespmem:$0xC6D0] =	vst v0  }
0x28: {  	[tilespmem:$0xC6E0] =	vst v0  }
0x29: {  	[tilespmem:$0xC6F0] =	vst v0  }
0x2a: {  	[tilespmem:$0xC700] =	vst v0  }
0x2b: {  	[tilespmem:$0xC710] =	vst v0  }
0x2c: {  	[tilespmem:$0xC720] =	vst v0  }
0x2d: {  	[tilespmem:$0xC730] =	vst v0  }
0x2e: {  	[tilespmem:$0xC740] =	vst v0  }
0x2f: {  	[tilespmem:$0xC750] =	vst v0  }
0x30: {  	[tilespmem:$0xC760] =	vst v0  }
0x31: {  	[tilespmem:$0xC770] =	vst v0  }
0x32: {  	[tilespmem:$0xC780] =	vst v0  }
0x33: {  	[tilespmem:$0xC790] =	vst v0  }
0x34: {  	[tilespmem:$0xC7A0] =	vst v0  }
0x35: {  	[tilespmem:$0xC7B0] =	vst v0  }
0x36: {  	[tilespmem:$0xC7C0] =	vst v0  }
0x37: {  	[tilespmem:$0xC7D0] =	vst v0  }
0x38: {  	[tilespmem:$0xC7E0] =	vst v0  }
0x39: {  	[tilespmem:$0xC7F0] =	vst v0  }
0x3a: {  	[spmem:s5] =	stream.linear.scatter [tilespmem:s15], [sflag:$0x2], $0x280, $0x38;
	[tilespmem:$0xCA80] =	vst v63  }
0x3b: {  	_ =	swait.ge [sflag:s16], $0x280  }
0x3c: {  	[sflag:s16] =	ssyncset.done $0x0  }
0x3d: {  	[sflag:s16] =	ssyncadd.s32 $0xFFFFFD80  }
0x3e: {  	[bflag:$0x0] =	sbarrier.arrive $0xFFFF  }
0x3f: {  	[tilespmem:s3], [sflag:$0x2] =	stream.linear.gather [hbm4b:s4+s3], $0x2700, $0x38;
	[tilespmem:$0xCA80] =	vst v63  }
0x40: {  	_ =	swait.ge [sflag:s16], $0x2700  }
0x41: {  	[sflag:s16] =	ssyncset.done $0x0  }
0x42: {  	[sflag:s16] =	ssyncadd.s32 $0xFFFFD900  }
0x43: {  	[tilespmem:s17], [sflag:$0x2] =	stream.linear.gather [hbm4b:s6+s3], $0x2700, $0x38;
	[tilespmem:$0xCA80] =	vst v63  }
0x44: {  	_ =	swait.ge [sflag:s16], $0x2700  }
0x45: {  	[sflag:s16] =	ssyncset.done $0x0  }
0x46: {  	s25 =	simm.s32 @!p0 $0x0;
	s26 =	simm.s32 @!p0 $0x2700;
	[sflag:s16] =	ssyncadd.s32 $0xFFFFD900  }
0x47: {  	[tilespmem:s26], [sflag:$0x2] =	stream.linear.gather @!p0 [hbm4b:s7+s25], $0x80, $0x38;
	[tilespmem:$0xCA80] =	vst v63  }
0x48: {  	s26 =	simm.s32 @!p0 $0x2  }
0x49: {  	_ =	swait.ge @!p0 [sflag:s26], $0x80  }
0x4a: {  	[sflag:s26] =	ssyncset.done @!p0 $0x0  }
0x4b: {  	s28 =	simm.s32 @!p0 $0x4E80;
	[sflag:s26] =	ssyncadd.s32 @!p0 $0xFFFFFF80  }
0x4c: {  	[tilespmem:s28], [sflag:$0x2] =	stream.linear.gather @!p0 [hbm4b:s8+s25], $0x80, $0x38;
	[tilespmem:$0xCA80] =	vst v63  }
0x4d: {  	_ =	swait.ge @!p0 [sflag:s26], $0x80  }
0x4e: {  	[sflag:s26] =	ssyncset.done @!p0 $0x0  }
0x4f: {  	s25 =	simm.s32 $0x0;
	[sflag:s26] =	ssyncadd.s32 @!p0 $0xFFFFFF80  }
0x50: {  	v3 =	vld [tilespmem:s25+$0x2780]  }
0x51: {  	v4 =	vld [tilespmem:s25+$0x0];
	_ =	sdelay $0x1  }
0x52: {  	v5 =	vld [tilespmem:s25+$0x2790]  }
0x53: {  	v6 =	vld [tilespmem:s25+$0x10];
	_ =	sdelay $0x1  }
0x54: {  	v8 =	vld [tilespmem:s25+$0x20];
	vm0 =	veq.s32 v4, v3  }
0x55: {  	v3 =	vld [tilespmem:s25+$0x27A0];
	v4 =	vshll.u32 v4, $0x1;
	v7 =	vsel vm0, $0x0, v1  }
0x56: {  	v4 =	vsel vm0, v2, v4;
	[tilespmem:s25+$0x9E00] =	vst v7  }
0x57: {  	vm0 =	veq.s32 v6, v5;
	v5 =	vshll.u32 v6, $0x1;
	v6 =	vld [tilespmem:s25+$0x30];
	[tilespmem:s25+$0x4F00] =	vst v4;
	v4 =	vor.u32 $0x1, v4  }
0x58: {  	v7 =	vld [tilespmem:s25+$0x27B0];
	[tilespmem:s25+$0x7680] =	vst v4;
	v4 =	vsel vm0, $0x0, v1  }
0x59: {  	[tilespmem:s25+$0x9E10] =	vst v4;
	v4 =	vsel vm0, v2, v5  }
0x5a: {  	v5 =	vld [tilespmem:s25+$0x27C0];
	[tilespmem:s25+$0x4F10] =	vst v4;
	v4 =	vor.u32 $0x1, v4;
	vm0 =	veq.s32 v8, v3  }
0x5b: {  	[tilespmem:s25+$0x7690] =	vst v4;
	v3 =	vsel vm0, $0x0, v1;
	v4 =	vshll.u32 v8, $0x1;
	v8 =	vld [tilespmem:s25+$0x40]  }
0x5c: {  	[tilespmem:s25+$0x9E20] =	vst v3;
	v3 =	vsel vm0, v2, v4  }
0x5d: {  	v9 =	vld [tilespmem:s25+$0x27D0];
	vm0 =	veq.s32 v6, v7;
	[tilespmem:s25+$0x4F20] =	vst v3;
	v3 =	vor.u32 $0x1, v3  }
0x5e: {  	v4 =	vshll.u32 v6, $0x1;
	v6 =	vld [tilespmem:s25+$0x50];
	[tilespmem:s25+$0x76A0] =	vst v3;
	v3 =	vsel vm0, $0x0, v1  }
0x5f: {  	[tilespmem:s25+$0x9E30] =	vst v3;
	v3 =	vsel vm0, v2, v4  }
0x60: {  	[tilespmem:s25+$0x4F30] =	vst v3;
	v4 =	vor.u32 $0x1, v3;
	v3 =	vld [tilespmem:s25+$0x27E0];
	vm0 =	veq.s32 v8, v5  }
0x61: {  	v7 =	vshll.u32 v8, $0x1;
	[tilespmem:s25+$0x76B0] =	vst v4;
	v5 =	vsel vm0, $0x0, v1;
	v4 =	vld [tilespmem:s25+$0x60]  }
0x62: {  	[tilespmem:s25+$0x9E40] =	vst v5;
	v5 =	vsel vm0, v2, v7  }
0x63: {  	v8 =	vshll.u32 v6, $0x1;
	vm0 =	veq.s32 v6, v9;
	v6 =	vld [tilespmem:s25+$0x70];
	[tilespmem:s25+$0x4F40] =	vst v5;
	v7 =	vor.u32 $0x1, v5  }
0x64: {  	s26 =	simm.s32 $0x200;
	v5 =	vld [tilespmem:s25+$0x27F0];
	[tilespmem:s25+$0x76C0] =	vst v7;
	v7 =	vsel vm0, $0x0, v1  }
.LBB2_2:
0x65: {  	p1 =	sne.s32 s26, $0x9A00;
	[tilespmem:s25+$0x9E50] =	vst v7;
	v7 =	vsel vm0, v2, v8  }
0x66: {  	[tilespmem:s25+$0x4F50] =	vst v7;
	v7 =	vor.u32 $0x1, v7;
	vm0 =	veq.s32 v4, v3  }
0x67: {  	v4 =	vshll.u32 v4, $0x1;
	[tilespmem:s25+$0x76D0] =	vst v7;
	v3 =	vsel vm0, $0x0, v1  }
0x68: {  	[tilespmem:s25+$0x9E60] =	vst v3;
	v3 =	vsel vm0, v2, v4  }
0x69: {  	[tilespmem:s25+$0x4F60] =	vst v3;
	v3 =	vor.u32 $0x1, v3;
	vm0 =	veq.s32 v6, v5  }
0x6a: {  	v4 =	vshll.u32 v6, $0x1;
	[tilespmem:s25+$0x76E0] =	vst v3;
	v3 =	vsel vm0, $0x0, v1  }
0x6b: {  	[tilespmem:s25+$0x9E70] =	vst v3;
	v3 =	vsel vm0, v2, v4  }
0x6c: {  	s28 =	sshra.s32 s26, $0x2;
	s29 =	sadd.s32 $0x9E00, s25;
	[tilespmem:s25+$0x4F70] =	vst v3;
	v3 =	vor.u32 $0x1, v3  }
0x6d: {  	[tilespmem:s25+$0x76F0] =	vst v3;
	[spmem:s2] =	stream.indirect.scatter.add.f32 [tilespmem:s29], [sflag:$0x1], $0x1, s25, s18, $0xb8  }
0x6e: {  	s25 =	smov.u32 s28;
	v3 =	vld [tilespmem:s28+$0x2780]  }
0x6f: {  	v4 =	vld [tilespmem:s25+$0x0];
	_ =	sdelay $0x1  }
0x70: {  	v5 =	vld [tilespmem:s25+$0x2790]  }
0x71: {  	v6 =	vld [tilespmem:s25+$0x10];
	_ =	sdelay $0x1  }
0x72: {  	vm0 =	veq.s32 v4, v3;
	v3 =	vld [tilespmem:s25+$0x27A0]  }
0x73: {  	v4 =	vshll.u32 v4, $0x1;
	v7 =	vsel vm0, $0x0, v1;
	v8 =	vld [tilespmem:s25+$0x20]  }
0x74: {  	v4 =	vsel vm0, v2, v4;
	[tilespmem:s25+$0x9E00] =	vst v7  }
0x75: {  	[tilespmem:s25+$0x4F00] =	vst v4;
	v4 =	vor.u32 $0x1, v4;
	vm0 =	veq.s32 v6, v5;
	v5 =	vld [tilespmem:s25+$0x27B0]  }
0x76: {  	v6 =	vshll.u32 v6, $0x1;
	[tilespmem:s25+$0x7680] =	vst v4;
	v4 =	vsel vm0, $0x0, v1;
	v7 =	vld [tilespmem:s25+$0x30]  }
0x77: {  	[tilespmem:s25+$0x9E10] =	vst v4;
	v4 =	vsel vm0, v2, v6  }
0x78: {  	[tilespmem:s25+$0x4F10] =	vst v4;
	v4 =	vor.u32 $0x1, v4;
	vm0 =	veq.s32 v8, v3;
	v3 =	vld [tilespmem:s25+$0x27C0]  }
0x79: {  	v6 =	vshll.u32 v8, $0x1;
	[tilespmem:s25+$0x7690] =	vst v4;
	v4 =	vsel vm0, $0x0, v1;
	v8 =	vld [tilespmem:s25+$0x40]  }
0x7a: {  	[tilespmem:s25+$0x9E20] =	vst v4;
	v4 =	vsel vm0, v2, v6  }
0x7b: {  	[tilespmem:s25+$0x4F20] =	vst v4;
	v4 =	vor.u32 $0x1, v4;
	vm0 =	veq.s32 v7, v5;
	v5 =	vld [tilespmem:s25+$0x27D0]  }
0x7c: {  	v6 =	vshll.u32 v7, $0x1;
	[tilespmem:s25+$0x76A0] =	vst v4;
	v4 =	vsel vm0, $0x0, v1;
	v9 =	vld [tilespmem:s25+$0x50]  }
0x7d: {  	[tilespmem:s25+$0x9E30] =	vst v4;
	v4 =	vsel vm0, v2, v6  }
.Ltmp0:
0x7e: {  	[tilespmem:s25+$0x4F30] =	vst v4;
	v4 =	vor.u32 $0x1, v4;
	vm0 =	veq.s32 v8, v3;
	v3 =	vld [tilespmem:s25+$0x27E0];
	(pc) =	sbr.rel @p1 .LBB2_2-.Ltmp0, $4  }
0x7f: {  	v7 =	vshll.u32 v8, $0x1;
	[tilespmem:s25+$0x76B0] =	vst v4;
	v6 =	vsel vm0, $0x0, v1;
	v4 =	vld [tilespmem:s25+$0x60]  }
0x80: {  	[tilespmem:s25+$0x9E40] =	vst v6;
	v6 =	vsel vm0, v2, v7  }
0x81: {  	[tilespmem:s25+$0x4F40] =	vst v6;
	v6 =	vor.u32 $0x1, v6;
	vm0 =	veq.s32 v9, v5;
	v5 =	vld [tilespmem:s25+$0x27F0]  }
0x82: {  	s26 =	sadd.s32 $0x200, s26;
	v8 =	vshll.u32 v9, $0x1;
	[tilespmem:s25+$0x76C0] =	vst v6;
	v7 =	vsel vm0, $0x0, v1;
	v6 =	vld [tilespmem:s25+$0x70]  }
0x83: {  	[tilespmem:s25+$0x9E50] =	vst v7;
	v61 =	vsel vm0, v2, v8  }
0x84: {  	[tilespmem:s25+$0x4F50] =	vst v61;
	v7 =	vor.u32 $0x1, v61;
	vm14 =	veq.s32 v4, v3  }
0x85: {  	v62 =	vshll.u32 v4, $0x1;
	[tilespmem:s25+$0x76D0] =	vst v7;
	v3 =	vsel vm14, $0x0, v1  }
0x86: {  	[tilespmem:s25+$0x9E60] =	vst v3;
	v3 =	vsel vm14, v2, v62  }
0x87: {  	[tilespmem:s25+$0x4F60] =	vst v3;
	v3 =	vor.u32 $0x1, v3;
	vm15 =	veq.s32 v6, v5  }
.Ltmp1:
0x88: {  	v63 =	vshll.u32 v6, $0x1;
	[tilespmem:s25+$0x76E0] =	vst v3;
	v3 =	vsel vm15, $0x0, v1;
	(pc) =	sbr.rel @p0 .LBB2_5-.Ltmp1, $4  }
0x89: {  	[tilespmem:s25+$0x9E70] =	vst v3;
	v3 =	vsel vm15, v2, v63  }
0x8a: {  	[tilespmem:s25+$0x4F70] =	vst v3;
	v3 =	vor.u32 $0x1, v3  }
0x8b: {  	s26 =	sadd.s32 $0x9E00, s25;
	[tilespmem:s25+$0x76F0] =	vst v3  }
0x8c: {  	[spmem:s2] =	stream.indirect.scatter.add.f32 [tilespmem:s26], [sflag:$0x1], $0x1, s25, s18, $0xb8;
	[tilespmem:$0xCA80] =	vst v63  }
0x8d: {  	v3 =	vld [tilespmem:$0x2700]  }
0x8e: {  	v4 =	vld [tilespmem:$0x4E80];
	_ =	sdelay $0x1  }
0x8f: {  	v5 =	vld [tilespmem:$0x2710]  }
0x90: {  	v6 =	vld [tilespmem:$0x4E90];
	_ =	sdelay $0x1  }
0x91: {  	v51 =	vld [tilespmem:$0x2720];
	vm0 =	veq.s32 v3, v4  }
0x92: {  	v8 =	vld [tilespmem:$0x4EA0];
	v3 =	vshll.u32 v3, $0x1;
	v7 =	vsel vm0, $0x0, v1  }
0x93: {  	v3 =	vsel vm0, v2, v3;
	[tilespmem:$0xC500] =	vst v7  }
0x94: {  	v52 =	vld [tilespmem:$0x2730];
	vm9 =	veq.s32 v5, v6;
	[tilespmem:$0x7600] =	vst v3;
	v3 =	vor.u32 $0x1, v3  }
0x95: {  	v53 =	vld [tilespmem:$0x4EB0];
	v5 =	vshll.u32 v5, $0x1;
	[tilespmem:$0x9D80] =	vst v3;
	v3 =	vsel vm9, $0x0, v1  }
0x96: {  	[tilespmem:$0xC510] =	vst v3;
	v3 =	vsel vm9, v2, v5  }
0x97: {  	v54 =	vld [tilespmem:$0x2740];
	vm10 =	veq.s32 v51, v8;
	[tilespmem:$0x7610] =	vst v3;
	v3 =	vor.u32 $0x1, v3  }
0x98: {  	v55 =	vld [tilespmem:$0x4EC0];
	v4 =	vshll.u32 v51, $0x1;
	[tilespmem:$0x9D90] =	vst v3;
	v3 =	vsel vm10, $0x0, v1  }
0x99: {  	[tilespmem:$0xC520] =	vst v3;
	v3 =	vsel vm10, v2, v4  }
0x9a: {  	v56 =	vld [tilespmem:$0x2750];
	vm11 =	veq.s32 v52, v53;
	[tilespmem:$0x7620] =	vst v3;
	v3 =	vor.u32 $0x1, v3  }
0x9b: {  	v57 =	vld [tilespmem:$0x4ED0];
	v6 =	vshll.u32 v52, $0x1;
	[tilespmem:$0x9DA0] =	vst v3;
	v3 =	vsel vm11, $0x0, v1  }
0x9c: {  	[tilespmem:$0xC530] =	vst v3;
	v3 =	vsel vm11, v2, v6  }
0x9d: {  	v58 =	vld [tilespmem:$0x2760];
	vm12 =	veq.s32 v54, v55;
	[tilespmem:$0x7630] =	vst v3;
	v3 =	vor.u32 $0x1, v3  }
0x9e: {  	v59 =	vld [tilespmem:$0x4EE0];
	v5 =	vshll.u32 v54, $0x1;
	[tilespmem:$0x9DB0] =	vst v3;
	v3 =	vsel vm12, $0x0, v1  }
0x9f: {  	[tilespmem:$0xC540] =	vst v3;
	v3 =	vsel vm12, v2, v5  }
0xa0: {  	v60 =	vld [tilespmem:$0x2770];
	vm13 =	veq.s32 v56, v57;
	[tilespmem:$0x7640] =	vst v3;
	v3 =	vor.u32 $0x1, v3  }
0xa1: {  	v61 =	vld [tilespmem:$0x4EF0];
	v4 =	vshll.u32 v56, $0x1;
	[tilespmem:$0x9DC0] =	vst v3;
	v3 =	vsel vm13, $0x0, v1  }
0xa2: {  	[tilespmem:$0xC550] =	vst v3;
	v3 =	vsel vm13, v2, v4  }
0xa3: {  	vm14 =	veq.s32 v58, v59;
	[tilespmem:$0x7650] =	vst v3;
	v3 =	vor.u32 $0x1, v3  }
0xa4: {  	v62 =	vshll.u32 v58, $0x1;
	[tilespmem:$0x9DD0] =	vst v3;
	v3 =	vsel vm14, $0x0, v1  }
0xa5: {  	[tilespmem:$0xC560] =	vst v3;
	v3 =	vsel vm14, v2, v62  }
0xa6: {  	vm15 =	veq.s32 v60, v61;
	[tilespmem:$0x7660] =	vst v3;
	v3 =	vor.u32 $0x1, v3  }
0xa7: {  	v63 =	vshll.u32 v60, $0x1;
	[tilespmem:$0x9DE0] =	vst v3;
	v3 =	vsel vm15, $0x0, v1  }
0xa8: {  	[tilespmem:$0xC570] =	vst v3;
	v3 =	vsel vm15, v2, v63  }
0xa9: {  	[tilespmem:$0x7670] =	vst v3;
	v3 =	vor.u32 $0x1, v3  }
0xaa: {  	[tilespmem:$0x9DF0] =	vst v3  }
0xab: {  	[spmem:s2] =	stream.indirect.scatter.add.f32 [tilespmem:s20], [sflag:$0x2], $0x1, s19, s18, $0xb8;
	[tilespmem:$0xCA80] =	vst v63  }
0xac: {  	_ =	swait.ge [sflag:s16], $0x80  }
0xad: {  	[sflag:s16] =	ssyncset.done $0x0  }
0xae: {  	[sflag:s16] =	ssyncadd.s32 $0xFFFFFF80  }
.LBB2_5:
0xaf: {  	_ =	swait.ge [sflag:s21], $0x80  }
0xb0: {  	s25 =	simm.s32 $0x4D;
	[sflag:s21] =	ssyncset.done $0x0  }
.LBB2_6:
0xb1: {  	p1 =	sne.s32 s25, $0x1;
	s25 =	sadd.s32 $0xFFFFFFFF, s25;
	[sflag:s21] =	ssyncadd.s32 $0xFFFFFF80  }
.Ltmp2:
0xb2: {  	(pc) =	sbr.rel @p1 .LBB2_6-.Ltmp2, $3  }
0xb3: {  	_ =	sdelay $0x1  }
0xb4: {  	_ =	swait.ge [sflag:s21], $0x80  }
0xb5: {  	[sflag:s21] =	ssyncset.done $0x0  }
0xb6: {  	[sflag:s21] =	ssyncadd.s32 $0xFFFFFF80  }
0xb7: {  	[bflag:$0x0] =	sbarrier.arrive $0xFFFF  }
0xb8: {  	[hbm4b:s9+s3] =	stream.linear.scatter [tilespmem:s22], [sflag:$0x2], $0x2700, $0x38;
	[tilespmem:$0xCA80] =	vst v63  }
0xb9: {  	_ =	swait.ge [sflag:s16], $0x2700  }
0xba: {  	[sflag:s16] =	ssyncset.done $0x0  }
0xbb: {  	[sflag:s16] =	ssyncadd.s32 $0xFFFFD900  }
0xbc: {  	[hbm4b:s10+s3] =	stream.linear.scatter [tilespmem:s23], [sflag:$0x2], $0x2700, $0x38;
	[tilespmem:$0xCA80] =	vst v63  }
0xbd: {  	_ =	swait.ge [sflag:s16], $0x2700  }
0xbe: {  	[sflag:s16] =	ssyncset.done $0x0  }
0xbf: {  	s25 =	simm.s32 @!p0 $0x0;
	s26 =	simm.s32 @!p0 $0x7600;
	[sflag:s16] =	ssyncadd.s32 $0xFFFFD900  }
0xc0: {  	[hbm4b:s11+s25] =	stream.linear.scatter @!p0 [tilespmem:s26], [sflag:$0x2], $0x80, $0x38;
	[tilespmem:$0xCA80] =	vst v63  }
0xc1: {  	s26 =	simm.s32 @!p0 $0x2  }
0xc2: {  	_ =	swait.ge @!p0 [sflag:s26], $0x80  }
0xc3: {  	[sflag:s26] =	ssyncset.done @!p0 $0x0  }
0xc4: {  	s28 =	simm.s32 @!p0 $0x9D80;
	[sflag:s26] =	ssyncadd.s32 @!p0 $0xFFFFFF80  }
0xc5: {  	[hbm4b:s12+s25] =	stream.linear.scatter @!p0 [tilespmem:s28], [sflag:$0x2], $0x80, $0x38;
	[tilespmem:$0xCA80] =	vst v63  }
0xc6: {  	_ =	swait.ge @!p0 [sflag:s26], $0x80  }
0xc7: {  	[sflag:s26] =	ssyncset.done @!p0 $0x0  }
0xc8: {  	[sflag:s26] =	ssyncadd.s32 @!p0 $0xFFFFFF80  }
0xc9: {  	[tilespmem:s15], [sflag:$0x2] =	stream.linear.gather [spmem:s5], $0x280, $0x38;
	[tilespmem:$0xCA80] =	vst v63  }
0xca: {  	s24 =	sadd.s32 $0x1, s24;
	_ =	swait.ge [sflag:s16], $0x280  }
0xcb: {  	p1 =	sne.s32 s24, s14;
	[sflag:s16] =	ssyncset.done $0x0  }
.Ltmp3:
0xcc: {  	[sflag:s16] =	ssyncadd.s32 $0xFFFFFD80;
	(pc) =	sbr.rel @p1 .LBB2_1-.Ltmp3, $4  }
0xcd: {  	[hbm4b:s13+s3] =	stream.linear.scatter [tilespmem:s15], [sflag:$0x2], $0x280, $0x38;
	[tilespmem:$0xCA80] =	vst v63  }
0xce: {  	_ =	swait.ge [sflag:s16], $0x280  }
0xcf: {  	[sflag:s16] =	ssyncset.done $0x0  }
0xd0: {  	[sflag:s16] =	ssyncadd.s32 $0xFFFFFD80  }
0xd1: {  	_ =	sfence.sel $0x180000  }
0xd2: {  	[bflag:$0x0] =	sbarrier.arrive $0xFFFF  }
0xd3: {  	p0 =	sne.s32 s0, $0x0;
	_ =	strace $0x90000047  }
0xd4: {  	s0 =	sadd.s32 @!p0 $0x100000, s1;
	[bflag:$0x2] =	sbarrier.arrive $0xFFFF  }
0xd5: {  	[sflag:s0] =	ssyncadd.tile.s32 @!p0 $0x1;
	_ =	shalt  }
.Lfunc_end2:
_tile_overlayer_lowered:
.L_overlay_start_2:
0xd6: {  	(tag) =	ssettag $0x2  }
0xd7: {  	s0 =	rddreg [dreg:$0x0];
	s2 =	stileid.u32  }
0xd8: {  	s1 =	rddreg [dreg:$0x1];
	p0 =	sne.s32 s2, $0x0  }
0xd9: {  	s3 =	rddreg [dreg:$0x2];
	[bflag:$0x3] =	sbarrier.arrive $0xFFFF;
	s2 =	simm.s32 @!p0 $0x1C02  }
0xda: {  	[timem:s3], [sflag:s2] =	dma.local @!p0 [hbm:s0], s1  }
0xdb: {  	s0 =	simm.s32 @!p0 $0x2  }
0xdc: {  	_ =	swait.ge @!p0 [sflag:s0], s1  }
0xdd: {  	s1 =	ssub.s32 @!p0 $0x0, s1;
	[sflag:s0] =	ssyncset.done @!p0 $0x0  }
0xde: {  	[sflag:s0] =	ssyncadd.s32 @!p0 s1  }
0xdf: {  	[bflag:$0x3] =	sbarrier.arrive $0xFFFF  }
0xe0: {  	_ =	shalt  }

// kernel: kernel.9.cloned.1.call-start
scs
__scs_entry_jumppad:
0x0: {  	(pc) =	sbr.rel $0x88, $3  }
0x1: {  	(tag) =	ssettag $0x0;
	lr =	simm.s32 $0x1  }
0x2: {  	[smem:$0x3F9D] =	sst lr;
	_ =	strace $0xD0000000  }
0x3: {  	_ = 	snop  }
0x4: {  	_ = 	snop  }
0x5: {  	_ = 	snop  }
0x6: {  	_ = 	snop  }
0x7: {  	_ = 	snop  }
__scs_overlays_trampoline_lowered:
0x8: {  	[smem:$0x3FAC] =	sst s0  }
0x9: {  	[smem:$0x3FAD] =	sst s1  }
0xa: {  	[smem:$0x3FAE] =	sst s2  }
0xb: {  	[smem:$0x3FAF] =	sst s3  }
0xc: {  	[smem:$0x3FB0] =	sst s4  }
0xd: {  	[smem:$0x3FB1] =	sst s5  }
0xe: {  	[smem:$0x3FB2] =	sst s6  }
0xf: {  	[smem:$0x3FB3] =	sst s7  }
0x10: {  	[smem:$0x3FB4] =	sst s8  }
0x11: {  	[smem:$0x3FB5] =	sst s9;
	s0 =	simm.s32 @!p0 $0x0  }
0x12: {  	s1 =	sld [smem:$0x3F9B];
	s0 =	simm.s32 @p0 $0x1  }
0x13: {  	[smem:$0x3FB6] =	sst s0;
	s0 =	simm.s32 @!p1 $0x0  }
0x14: {  	s2 =	sld [smem:$0x3F9A];
	s0 =	simm.s32 @p1 $0x1  }
0x15: {  	[smem:$0x3FB7] =	sst s0;
	s0 =	simm.s32 @!p2 $0x0  }
0x16: {  	s3 =	sld [smem:$0x3FDB];
	s0 =	simm.s32 @p2 $0x1  }
0x17: {  	s4 =	simm.s32 $0x1BF5;
	[smem:$0x3FB9] =	sst s0  }
0x18: {  	s0 =	sld [smem:$0x3F9C];
	_ =	swait.ge [sflag:s4], $0x0  }
0x19: {  	s7 =	sld [smem:$0x3F9D]  }
0x1a: {  	s8 =	sadd.s32 $0xFFFFE003, lr  }
0x1b: {  	s9 =	sadd.s32 $0xFFFFFEF7, lr;
	s5 =	simm.s32 $0xFFFFFFFF;
	p2 =	slt.u32 s8, $0xFFFFF086  }
0x1c: {  	p1 =	slt.u32 s9, $0xF7A;
	s5 =	simm.s32 @!p2 $0x0  }
0x1d: {  	s5 =	simm.s32 @p1 $0x1;
	p0 =	seq.s32 s7, s2  }
0x1e: {  	s7 =	smul.u32 @!p0 $0xF7A, s2;
	p2 =	seq.s32 @!p0 s5, $0x0  }
0x1f: {  	s9 =	smul.u32 $0xF7A, s1;
	s8 =	simm.s32 @!p0 $0x1BF5;
	p2 =	por !p2, p0  }
0x20: {  	[sflag:s8] =	ssyncset.s32 @!p0 $0xFFFFF086;
	s6 =	sadd.s32 @!p0 s3, s7;
	s7 =	simm.s32 @!p0 $0x108  }
0x21: {  	s3 =	sadd.s32 s3, s9;
	s6 =	sadd.s32 @!p0 $0x88, s6;
	s7 =	simm.s32 @p2 $0x1082  }
0x22: {  	[simem:s7], [sflag:s8] =	dma.local @!p0 [hbm:s6], $0xF7A  }
0x23: {  	s9 =	sor.u32 $0xD0000000, s2;
	s6 =	simm.s32 $0x108;
	_ =	swait.ge @!p0 [sflag:s8], $0x0  }
0x24: {  	s3 =	sadd.s32 $0x88, s3;
	s6 =	simm.s32 @!p1 $0x1082;
	[sflag:s4] =	ssyncset.s32 $0xFFFFF086  }
0x25: {  	[simem:s6], [sflag:s4] =	dma.local [hbm:s3], $0xF7A  }
0x26: {  	[smem:$0x3F9D] =	sst s1;
	(tag) =	ssettag s2;
	_ =	strace s9  }
0x27: {  	s1 =	sld [smem:$0x3FAD]  }
0x28: {  	s2 =	sld [smem:$0x3FAE]  }
0x29: {  	s4 =	sld [smem:$0x3FB0]  }
0x2a: {  	p0 =	seq.s32 s5, $0x0;
	s5 =	sld [smem:$0x3FB1]  }
0x2b: {  	s6 =	sld [smem:$0x3FB2]  }
0x2c: {  	s7 =	sld [smem:$0x3FB3]  }
0x2d: {  	s3 =	simm.s32 $0x108;
	s8 =	sld [smem:$0x3FB4]  }
0x2e: {  	s3 =	simm.s32 @!p0 $0x1082;
	s9 =	sld [smem:$0x3FB5]  }
0x2f: {  	lr =	sadd.s32 s0, s3;
	s0 =	sld [smem:$0x3FAC]  }
0x30: {  	s3 =	sld [smem:$0x3FAF]  }
0x31: {  	[smem:$0x3FB8] =	sst s10  }
0x32: {  	s10 =	sld [smem:$0x3FB6];
	_ =	sdelay $0x3  }
0x33: {  	p0 =	seq.s32 s10, $0x1;
	s10 =	sld [smem:$0x3FB8];
	_ =	sdelay $0x3  }
0x34: {  	[smem:$0x3FB8] =	sst s10  }
0x35: {  	s10 =	sld [smem:$0x3FB7];
	_ =	sdelay $0x3  }
0x36: {  	p1 =	seq.s32 s10, $0x1;
	s10 =	sld [smem:$0x3FB8];
	_ =	sdelay $0x3  }
0x37: {  	[smem:$0x3FB8] =	sst s10  }
0x38: {  	s10 =	sld [smem:$0x3FB9]  }
0x39: {  	_ = 	snop;
	(pc) =	sbr.ind lr, $3  }
0x3a: {  	_ = 	snop  }
0x3b: {  	_ = 	snop  }
0x3c: {  	p2 =	seq.s32 s10, $0x1;
	s10 =	sld [smem:$0x3FB8]  }
0x3d: {  	_ =	shalt  }
0x3e: {  	_ =	shalt  }
0x3f: {  	_ =	shalt  }
0x40: {  	_ =	shalt  }
0x41: {  	_ =	shalt  }
0x42: {  	_ =	shalt  }
0x43: {  	_ =	shalt  }
0x44: {  	_ =	shalt  }
0x45: {  	_ =	shalt  }
0x46: {  	_ =	shalt  }
0x47: {  	_ =	shalt  }
0x48: {  	_ =	shalt  }
0x49: {  	_ =	shalt  }
0x4a: {  	_ =	shalt  }
0x4b: {  	_ =	shalt  }
0x4c: {  	_ =	shalt  }
0x4d: {  	_ =	shalt  }
0x4e: {  	_ =	shalt  }
0x4f: {  	_ =	shalt  }
0x50: {  	_ =	shalt  }
0x51: {  	_ =	shalt  }
0x52: {  	_ =	shalt  }
0x53: {  	_ =	shalt  }
0x54: {  	_ =	shalt  }
0x55: {  	_ =	shalt  }
0x56: {  	_ =	shalt  }
0x57: {  	_ =	shalt  }
0x58: {  	_ =	shalt  }
0x59: {  	_ =	shalt  }
0x5a: {  	_ =	shalt  }
0x5b: {  	_ =	shalt  }
0x5c: {  	_ =	shalt  }
0x5d: {  	_ =	shalt  }
0x5e: {  	_ =	shalt  }
0x5f: {  	_ =	shalt  }
0x60: {  	_ =	shalt  }
0x61: {  	_ =	shalt  }
0x62: {  	_ =	shalt  }
0x63: {  	_ =	shalt  }
0x64: {  	_ =	shalt  }
0x65: {  	_ =	shalt  }
0x66: {  	_ =	shalt  }
0x67: {  	_ =	shalt  }
0x68: {  	_ =	shalt  }
0x69: {  	_ =	shalt  }
0x6a: {  	_ =	shalt  }
0x6b: {  	_ =	shalt  }
0x6c: {  	_ =	shalt  }
0x6d: {  	_ =	shalt  }
0x6e: {  	_ =	shalt  }
0x6f: {  	_ =	shalt  }
0x70: {  	_ =	shalt  }
0x71: {  	_ =	shalt  }
0x72: {  	_ =	shalt  }
0x73: {  	_ =	shalt  }
0x74: {  	_ =	shalt  }
0x75: {  	_ =	shalt  }
0x76: {  	_ =	shalt  }
0x77: {  	_ =	shalt  }
0x78: {  	_ =	shalt  }
0x79: {  	_ =	shalt  }
0x7a: {  	_ =	shalt  }
0x7b: {  	_ =	shalt  }
0x7c: {  	_ =	shalt  }
0x7d: {  	_ =	shalt  }
0x7e: {  	_ =	shalt  }
0x7f: {  	_ =	shalt  }
0x80: {  	_ =	shalt  }
0x81: {  	_ =	shalt  }
0x82: {  	_ =	shalt  }
0x83: {  	_ =	shalt  }
0x84: {  	_ =	shalt  }
0x85: {  	_ =	shalt  }
0x86: {  	_ =	shalt  }
0x87: {  	_ =	shalt  }
.Lfunc_end0:
.L_simem_size_0:
called_computation.1_lowered:
.L_overlay_start_0:
0x88: {  	s2 =	sld [smem:$0x3FD9]  }
0x89: {  	s3 =	sld [smem:$0x3FFE];
	_ =	sdelay $0x1  }
0x8a: {  	s1 =	srdreg.scid  }
0x8b: {  	s0 =	sand.u32 $0x1, s1  }
0x8c: {  	s16 =	sshll.u32 s0, $0xA;
	s2 =	sadd.s32 s3, s2  }
0x8d: {  	s2 =	sadd.s32 s2, s16  }
0x8e: {  	[smem:$0x3FC4] =	sst s2  }
0x8f: {  	_ = 	snop  }
0x90: {  	(tm) =	ssettm $0x1  }
0x91: {  	s17 =	sld [smem:$0x3FFB];
	_ =	sdelay $0x3  }
0x92: {  	_ =	strace s17  }
0x93: {  	s2 =	sld [smem:$0x3FFC];
	_ =	sdelay $0x3  }
0x94: {  	_ =	strace s2  }
0x95: {  	s2 =	sld [smem:$0x3FFD];
	_ =	sdelay $0x3  }
0x96: {  	_ =	strace s2  }
0x97: {  	_ =	strace $0x8FFFFFFF  }
0x98: {  	s18 =	sld [smem:$0x3FDB];
	_ =	sdelay $0x1  }
0x99: {  	s19 =	simm.s32 $_scs_section_size  }
0x9a: {  	s4 =	simm.s32 $_size__tile_overlayer_lowered;
	s5 =	simm.s32 $_tile_overlayer_lowered  }
0x9b: {  	s22 =	simm.s32 $0x1BFF;
	s21 =	sshll.u32 s5, $0x1;
	s2 =	sadd.s32 s19, s18  }
0x9c: {  	s6 =	simm.s32 $0x0;
	s20 =	sshll.u32 s4, $0x1;
	s4 =	sadd.s32 s21, s2  }
0x9d: {  	[timem:s6], [sflag:s22] =	dma.local [hbm:s4], s20  }
0x9e: {  	_ =	swait.ge [sflag:s22], s20  }
0x9f: {  	s3 =	ssub.s32 $0x0, s20;
	[sflag:s22] =	ssyncset.done $0x0  }
0xa0: {  	[sflag:s22] =	ssyncadd.s32 s3;
	_ =	sdelay $0x1  }
0xa1: {  	s23 =	simm.s32 $0x1B8B  }
0xa2: {  	_ =	swait.ge [sflag:s23], $0x1  }
0xa3: {  	[sflag:s23] =	ssyncset.done $0x0  }
0xa4: {  	s25 =	simm.s32 $0x1B8E;
	s24 =	sld [smem:$0x3FFE];
	[sflag:s23] =	ssyncadd.s32 $0xFFFFFFFF  }
0xa5: {  	s26 =	simm.s32 $execute0_lowered;
	[smem:$0x3FD2] =	sst s25  }
0xa6: {  	s4 =	sshll.u32 s26, $0x1;
	_ =	strace $0x80000049;
	[dreg:$0x1] =	wrdreg $0xFFFFFFFF  }
0xa7: {  	s28 =	simm.s32 $_size_execute0_lowered;
	s2 =	sadd.s32 s2, s4;
	[dreg:$0x0] =	wrdreg $0x0  }
0xa8: {  	s4 =	sshll.u32 s28, $0x1;
	[dreg:$0x2] =	wrdreg s2  }
0xa9: {  	[dreg:$0x3] =	wrdreg s4  }
0xaa: {  	[dreg:$0x4] =	wrdreg $0xC0  }
0xab: {  	_ =	task [dreg:s6], $0x5FFFF  }
0xac: {  	[dreg:$0x1] =	wrdreg $0xFFFFFFFF  }
0xad: {  	[dreg:$0x0] =	wrdreg $0x60  }
0xae: {  	[dreg:$0x2] =	wrdreg s24  }
0xaf: {  	[dreg:$0x3] =	wrdreg $0x13D000  }
0xb0: {  	[dreg:$0x4] =	wrdreg $0x9  }
0xb1: {  	_ =	task.clear_ibuf [dreg:s6], $0x5FFFF;
	_ =	strace $0x90000049  }
0xb2: {  	s29 =	simm.s32 $0x9;
	_ =	strace $0x8000004B  }
0xb3: {  	_ =	swait.ge [sflag:s29], $0x1  }
0xb4: {  	[sflag:s29] =	ssyncadd.s32 $0xFFFFFFFF  }
0xb5: {  	_ =	strace $0x9000004B  }
0xb6: {  	_ =	sfence  }
0xb7: {  	s30 =	sld [smem:$0x0];
	_ =	sdelay $0x2  }
0xb8: {  	s31 =	sshll.u32 s1, $0xD;
	s1 =	sshrl.u32 s1, $0x2  }
0xb9: {  	s3 =	sand.u32 $0x4000, s31;
	s1 =	sadd.s32 s1, s30  }
0xba: {  	s0 =	sor.u32 s3, s0;
	s1 =	sshll.u32 s1, $0x11  }
0xbb: {  	s0 =	sor.u32 s1, s0  }
0xbc: {  	s0 =	sadd.s32 $0x8F2B, s0  }
0xbd: {  	[sflag:s0] =	ssyncadd.remote.s32 $0x1  }
0xbe: {  	_ =	sfence.sel $0xFFFF  }
0xbf: {  	[dreg:$0x0] =	wrdreg $0xFFFFFFFF;
	(pc) =	sbr.abs _section_cstart, $3  }
0xc0: {  	[dreg:$0x1] =	wrdreg $0xFFFFFFFF  }
0xc1: {  	_ =	task.clear_ibuf [dreg:s6], $0x2FFFF;
	_ =	strace $0x9FFFFFFF  }
0xc2: {  	(tm) =	ssettm $0x7FFFFFFF  }
0xc3: {  	_ =	shalt  }
tec
execute0_lowered:
.L_overlay_start_1:
0x0: {  	(tag) =	ssettag $0x1  }
0x1: {  	s0 =	rddreg [dreg:$0x0]  }
0x2: {  	s1 =	rddreg [dreg:$0x1];
	s2 =	simm.s32 $0x0;
	s3 =	srdreg.scid  }
0x3: {  	s25 =	stileid.u32;
	s29 =	simm.s32 $0x80;
	s30 =	simm.s32 $0x9D00  }
0x4: {  	s31 =	simm.s32 $0xBD00;
	s28 =	simm.s32 $0xFD00;
	[smem:$0x7FF] =	sst s2  }
0x5: {  	s17 =	sadd.s32 $0x3000, s0;
	s19 =	sadd.s32 $0xCE00, s0;
	s10 =	smul.u32 $0x280, s25  }
0x6: {  	s3 =	sand.u32 $0x1, s3;
	s4 =	sadd.s32 $0x16C00, s0;
	s8 =	smul.u32 $0x28000, s25  }
0x7: {  	s6 =	sadd.s32 $0x20A00, s0;
	s0 =	sadd.s32 $0x48A00, s0;
	s16 =	smul.u32 $0x9C0, s25  }
0x8: {  	s24 =	sshll.u32 s25, $0x4;
	s18 =	smul.u32 $0x14000, s25;
	p1 =	slt.u32 s25, $0xC  }
0x9: {  	p2 =	sgt.u32 s25, $0xB;
	s25 =	simm.s32 $0x0;
	_ =	strace $0x8000004A  }
0xa: {  	s5 =	ssub.s32 $0x2, s3;
	p0 =	seq.s32 s3, $0x1;
	[dreg:$0x3] =	wrdreg s17  }
0xb: {  	s20 =	sadd.s32 $0x9B40, s24;
	s3 =	sshll.u32 s3, $0x6;
	[dreg:$0x4] =	wrdreg s19  }
0xc: {  	s7 =	sshrl.u32 s5, $0x1;
	s12 =	sadd.s32 $0x80, s10;
	s21 =	sshrl.u32 s8, $0x2  }
0xd: {  	s13 =	sadd.s32 $0x100, s10;
	s14 =	sadd.s32 $0x180, s10;
	s15 =	sadd.s32 $0x200, s10  }
0xe: {  	s17 =	sadd.s32 s17, s16;
	s26 =	sadd.s32 s19, s16;
	s18 =	sor.u32 s3, s18  }
0xf: {  	s16 =	sadd.s32 s4, s16;
	[dreg:$0x6] =	wrdreg s20;
	s4 =	sadd.s32 s4, s20  }
0x10: {  	s5 =	ssub.s32 s5, s7;
	s22 =	sshll.u32 s12, $0x6;
	[dreg:$0x5] =	wrdreg s17  }
0x11: {  	s7 =	sadd.s32 s21, s1;
	s9 =	sshll.u32 s13, $0x6;
	[dreg:$0x7] =	wrdreg s26  }
0x12: {  	s23 =	sshll.u32 s14, $0x6;
	s11 =	sshll.u32 s15, $0x6;
	[dreg:$0x8] =	wrdreg s16  }
0x13: {  	s12 =	sshll.u32 s12, $0x7;
	s19 =	sshrl.u32 s18, $0x3;
	[dreg:$0x9] =	wrdreg s4  }
0x14: {  	s24 =	sshll.u32 s14, $0x7;
	s26 =	sshll.u32 s15, $0x7;
	s14 =	simm.s32 $0x2  }
0x15: {  	s16 =	simm.s32 $0x4;
	s8 =	sadd.s32 s22, s1;
	s9 =	sadd.s32 s9, s1  }
0x16: {  	s10 =	sadd.s32 s23, s1;
	s11 =	sadd.s32 s11, s1;
	s12 =	sor.u32 s3, s12  }
0x17: {  	s21 =	sadd.s32 s0, s19;
	s23 =	sshll.u32 s13, $0x7;
	s13 =	simm.s32 $0x40  }
0x18: {  	s12 =	sshrl.u32 s12, $0x3;
	[dreg:$0xa] =	wrdreg s21;
	s4 =	sor.u32 s3, s23  }
0x19: {  	s23 =	simm.s32 $0x11D00;
	s22 =	sadd.s32 s0, s12;
	s12 =	sor.u32 s3, s24  }
0x1a: {  	s3 =	sor.u32 s3, s26;
	s4 =	sshrl.u32 s4, $0x3;
	s24 =	simm.s32 $0x6  }
0x1b: {  	s26 =	simm.s32 $0x4E80;
	[dreg:$0xb] =	wrdreg s22;
	s12 =	sshrl.u32 s12, $0x3  }
0x1c: {  	s3 =	sshrl.u32 s3, $0x3;
	s19 =	sadd.s32 s0, s4;
	s22 =	smax.u32 s5, $0x1  }
0x1d: {  	s4 =	simm.s32 $0x1;
	s20 =	sadd.s32 s0, s12;
	s21 =	sadd.s32 s0, s3  }
0x1e: {  	v0 =	vimm.f32 $0.0e+00;
	s3 =	simm.s32 $0xDD00;
	s12 =	simm.s32 $0x5;
	s0 =	simm.s32 $0x3  }
.LBB2_1:
0x1f: {  	s15 =	simm.s32 $0x100;
	s5 =	simm.s32 $0x0  }
.LBB2_2:
0x20: {  	p3 =	sne.s32 s15, $0x7F00;
	[tilespmem:s5+$0x11D30] =	vst v0;
	s17 =	smov.u32 s15;
	s15 =	sadd.s32 $0x100, s15  }
.Ltmp0:
0x21: {  	[tilespmem:s5+$0x11D20] =	vst v0;
	(pc) =	sbr.rel @p3 .LBB2_2-.Ltmp0, $3  }
0x22: {  	[tilespmem:s5+$0x11D00] =	vst v0  }
0x23: {  	[tilespmem:s5+$0x11D10] =	vst v0;
	_ =	sdelay $0x1  }
0x24: {  	s5 =	sshra.s32 s17, $0x2  }
0x25: {  	[tilespmem:s5+$0x11D30] =	vst v0  }
0x26: {  	[tilespmem:s5+$0x11D20] =	vst v0  }
0x27: {  	[tilespmem:s5+$0x11D00] =	vst v0  }
0x28: {  	[tilespmem:s5+$0x11D10] =	vst v0  }
0x29: {  	[spmem:s7] =	stream.linear.scatter [tilespmem:s23], [sflag:$0x6], $0x2000, $0x38;
	[tilespmem:$0x1DD00] =	vst v63  }
0x2a: {  	_ =	swait.ge [sflag:s24], $0x2000  }
0x2b: {  	[sflag:s24] =	ssyncset.done $0x0  }
0x2c: {  	[sflag:s24] =	ssyncadd.s32 $0xFFFFE000  }
0x2d: {  	[spmem:s8] =	stream.linear.scatter [tilespmem:s23], [sflag:$0x6], $0x2000, $0x38;
	[tilespmem:$0x1DD00] =	vst v63  }
0x2e: {  	_ =	swait.ge [sflag:s24], $0x2000  }
0x2f: {  	[sflag:s24] =	ssyncset.done $0x0  }
0x30: {  	[sflag:s24] =	ssyncadd.s32 $0xFFFFE000  }
0x31: {  	[spmem:s9] =	stream.linear.scatter [tilespmem:s23], [sflag:$0x6], $0x2000, $0x38;
	[tilespmem:$0x1DD00] =	vst v63  }
0x32: {  	_ =	swait.ge [sflag:s24], $0x2000  }
0x33: {  	[sflag:s24] =	ssyncset.done $0x0  }
0x34: {  	[sflag:s24] =	ssyncadd.s32 $0xFFFFE000  }
0x35: {  	[spmem:s10] =	stream.linear.scatter [tilespmem:s23], [sflag:$0x6], $0x2000, $0x38;
	[tilespmem:$0x1DD00] =	vst v63  }
0x36: {  	_ =	swait.ge [sflag:s24], $0x2000  }
0x37: {  	[sflag:s24] =	ssyncset.done $0x0  }
0x38: {  	[sflag:s24] =	ssyncadd.s32 $0xFFFFE000  }
0x39: {  	[spmem:s11] =	stream.linear.scatter [tilespmem:s23], [sflag:$0x6], $0x2000, $0x38;
	[tilespmem:$0x1DD00] =	vst v63  }
.Ltmp1:
0x3a: {  	_ =	swait.ge [sflag:s24], $0x2000;
	(pc) =	sbr.rel @!p0 .LBB2_4-.Ltmp1, $3  }
0x3b: {  	[sflag:s24] =	ssyncset.done $0x0  }
0x3c: {  	[sflag:s24] =	ssyncadd.s32 $0xFFFFE000  }
0x3d: {  	[bflag:$0x0] =	sbarrier.arrive $0xFFFF;
	_ =	sdelay $0x1  }
.Ltmp2:
0x3e: {  	s5 =	rddreg [dreg:$0x7];
	(pc) =	sbr.rel @!p1 .LBB2_7-.Ltmp2, $4  }
0x3f: {  	[tilespmem:s2], [sflag:$0x6] =	stream.linear.gather [hbm4b:s5+s2], $0x4E00, $0x38;
	[tilespmem:$0x1DD00] =	vst v63  }
0x40: {  	_ =	swait.ge [sflag:s24], $0x4E00  }
0x41: {  	[sflag:s24] =	ssyncset.done $0x0  }
0x42: {  	s5 =	rddreg [dreg:$0x4];
	[sflag:s24] =	ssyncadd.s32 $0xFFFFB200  }
.LBB2_5:
.Ltmp3:
0x43: {  	s5 =	rddreg [dreg:$0x8];
	(pc) =	sbr.rel .LBB2_8-.Ltmp3, $4  }
0x44: {  	[tilespmem:s26], [sflag:$0x6] =	stream.linear.gather [hbm4b:s5+s2], $0x4E00, $0x38;
	[tilespmem:$0x1DD00] =	vst v63  }
0x45: {  	_ =	swait.ge [sflag:s24], $0x4E00  }
0x46: {  	[sflag:s24] =	ssyncset.done $0x0  }
0x47: {  	[sflag:s24] =	ssyncadd.s32 $0xFFFFB200  }
.LBB2_4:
.Ltmp4:
0x48: {  	s5 =	rddreg [dreg:$0x5];
	(pc) =	sbr.rel @!p2 .LBB2_5-.Ltmp4, $4  }
0x49: {  	[tilespmem:s2], [sflag:$0x6] =	stream.linear.gather [hbm4b:s5+s2], $0x4E00, $0x38;
	[tilespmem:$0x1DD00] =	vst v63  }
0x4a: {  	_ =	swait.ge [sflag:s24], $0x4E00  }
0x4b: {  	[sflag:s24] =	ssyncset.done $0x0  }
0x4c: {  	s5 =	rddreg [dreg:$0x3];
	[sflag:s24] =	ssyncadd.s32 $0xFFFFB200  }
.LBB2_7:
0x4d: {  	s15 =	rddreg [dreg:$0x6]  }
0x4e: {  	s18 =	simm.s32 $0x4E00;
	s5 =	sadd.s32 s5, s15  }
0x4f: {  	[tilespmem:s18], [sflag:$0x6] =	stream.linear.gather [hbm4b:s5+s2], $0x80, $0x38;
	[tilespmem:$0x1DD00] =	vst v63  }
0x50: {  	_ =	swait.ge [sflag:s24], $0x80  }
0x51: {  	[sflag:s24] =	ssyncset.done $0x0  }
0x52: {  	s15 =	rddreg [dreg:$0x8];
	[sflag:s24] =	ssyncadd.s32 $0xFFFFFF80  }
0x53: {  	[tilespmem:s26], [sflag:$0x6] =	stream.linear.gather [hbm4b:s15+s2], $0x4E00, $0x38;
	[tilespmem:$0x1DD00] =	vst v63  }
0x54: {  	_ =	swait.ge [sflag:s24], $0x4E00  }
0x55: {  	[sflag:s24] =	ssyncset.done $0x0  }
0x56: {  	s18 =	simm.s32 $0x9C80;
	s17 =	rddreg [dreg:$0x9];
	[sflag:s24] =	ssyncadd.s32 $0xFFFFB200  }
0x57: {  	[tilespmem:s18], [sflag:$0x6] =	stream.linear.gather [hbm4b:s17+s2], $0x80, $0x38;
	[tilespmem:$0x1DD00] =	vst v63  }
0x58: {  	_ =	swait.ge [sflag:s24], $0x80  }
0x59: {  	[sflag:s24] =	ssyncset.done $0x0  }
0x5a: {  	[sflag:s24] =	ssyncadd.s32 $0xFFFFFF80  }
.LBB2_8:
0x5b: {  	s5 =	simm.s32 $0x0  }
0x5c: {  	[tilespmem:s30], [sflag:$0x1] =	stream.indirect.gather [hbm4b:s6+s29], $0x40, s5, s29, $0xb8;
	[tilespmem:$0x1DD00] =	vst v63  }
0x5d: {  	_ = 	snop  }
0x5e: {  	[tilespmem:s31], [sflag:$0x2] =	stream.indirect.gather [hbm4b:s6+s29], $0x40, s29, s29, $0xb8;
	[tilespmem:$0x1DD00] =	vst v63  }
0x5f: {  	s15 =	simm.s32 $0x100  }
0x60: {  	[tilespmem:s3], [sflag:$0x3] =	stream.indirect.gather [hbm4b:s6+s29], $0x40, s15, s29, $0xb8;
	[tilespmem:$0x1DD00] =	vst v63  }
0x61: {  	s17 =	simm.s32 $0x180  }
0x62: {  	[tilespmem:s28], [sflag:$0x4] =	stream.indirect.gather [hbm4b:s6+s29], $0x40, s17, s29, $0xb8;
	[tilespmem:$0x1DD00] =	vst v63  }
0x63: {  	_ =	swait.ge [sflag:s4], $0x2000  }
0x64: {  	[sflag:s4] =	ssyncset.done $0x0  }
0x65: {  	[sflag:s4] =	ssyncadd.s32 $0xFFFFE000  }
0x66: {  	[spmem:s1] =	stream.indirect.scatter.add.f32 [tilespmem:s30], [sflag:$0x5], $0x40, s26, s29, $0xb8;
	[tilespmem:$0x1DD00] =	vst v63  }
0x67: {  	_ =	swait.ge [sflag:s12], $0x2000  }
0x68: {  	[sflag:s12] =	ssyncset.done $0x0  }
0x69: {  	s18 =	simm.s32 $0x200;
	[sflag:s12] =	ssyncadd.s32 $0xFFFFE000  }
0x6a: {  	[tilespmem:s30], [sflag:$0x1] =	stream.indirect.gather [hbm4b:s6+s29], $0x40, s18, s29, $0xb8;
	[tilespmem:$0x1DD00] =	vst v63  }
0x6b: {  	_ =	swait.ge [sflag:s14], $0x2000  }
0x6c: {  	[sflag:s14] =	ssyncset.done $0x0  }
0x6d: {  	s15 =	simm.s32 $0x4F00;
	[sflag:s14] =	ssyncadd.s32 $0xFFFFE000  }
0x6e: {  	[spmem:s1] =	stream.indirect.scatter.add.f32 [tilespmem:s31], [sflag:$0x5], $0x40, s15, s29, $0xb8;
	[tilespmem:$0x1DD00] =	vst v63  }
0x6f: {  	_ =	swait.ge [sflag:s12], $0x2000  }
0x70: {  	[sflag:s12] =	ssyncset.done $0x0  }
0x71: {  	s17 =	simm.s32 $0x280;
	[sflag:s12] =	ssyncadd.s32 $0xFFFFE000  }
0x72: {  	[tilespmem:s31], [sflag:$0x2] =	stream.indirect.gather [hbm4b:s6+s29], $0x40, s17, s29, $0xb8;
	[tilespmem:$0x1DD00] =	vst v63  }
0x73: {  	_ =	swait.ge [sflag:s0], $0x2000  }
0x74: {  	[sflag:s0] =	ssyncset.done $0x0  }
0x75: {  	s18 =	simm.s32 $0x4F80;
	[sflag:s0] =	ssyncadd.s32 $0xFFFFE000  }
0x76: {  	[spmem:s1] =	stream.indirect.scatter.add.f32 [tilespmem:s3], [sflag:$0x5], $0x40, s18, s29, $0xb8;
	[tilespmem:$0x1DD00] =	vst v63  }
0x77: {  	_ =	swait.ge [sflag:s12], $0x2000  }
0x78: {  	[sflag:s12] =	ssyncset.done $0x0  }
0x79: {  	s15 =	simm.s32 $0x300;
	[sflag:s12] =	ssyncadd.s32 $0xFFFFE000  }
0x7a: {  	[tilespmem:s3], [sflag:$0x3] =	stream.indirect.gather [hbm4b:s6+s29], $0x40, s15, s29, $0xb8;
	[tilespmem:$0x1DD00] =	vst v63  }
0x7b: {  	_ =	swait.ge [sflag:s16], $0x2000  }
0x7c: {  	[sflag:s16] =	ssyncset.done $0x0  }
0x7d: {  	s17 =	simm.s32 $0x5000;
	[sflag:s16] =	ssyncadd.s32 $0xFFFFE000  }
0x7e: {  	[spmem:s1] =	stream.indirect.scatter.add.f32 [tilespmem:s28], [sflag:$0x5], $0x40, s17, s29, $0xb8;
	[tilespmem:$0x1DD00] =	vst v63  }
0x7f: {  	_ =	swait.ge [sflag:s12], $0x2000  }
0x80: {  	[sflag:s12] =	ssyncset.done $0x0  }
0x81: {  	s18 =	simm.s32 $0x380;
	[sflag:s12] =	ssyncadd.s32 $0xFFFFE000  }
0x82: {  	[tilespmem:s28], [sflag:$0x4] =	stream.indirect.gather [hbm4b:s6+s29], $0x40, s18, s29, $0xb8;
	[tilespmem:$0x1DD00] =	vst v63  }
0x83: {  	_ =	swait.ge [sflag:s4], $0x2000  }
0x84: {  	[sflag:s4] =	ssyncset.done $0x0  }
0x85: {  	s15 =	simm.s32 $0x5080;
	[sflag:s4] =	ssyncadd.s32 $0xFFFFE000  }
0x86: {  	[spmem:s1] =	stream.indirect.scatter.add.f32 [tilespmem:s30], [sflag:$0x5], $0x40, s15, s29, $0xb8;
	[tilespmem:$0x1DD00] =	vst v63  }
0x87: {  	_ =	swait.ge [sflag:s12], $0x2000  }
0x88: {  	[sflag:s12] =	ssyncset.done $0x0  }
0x89: {  	s17 =	simm.s32 $0x400;
	[sflag:s12] =	ssyncadd.s32 $0xFFFFE000  }
0x8a: {  	[tilespmem:s30], [sflag:$0x1] =	stream.indirect.gather [hbm4b:s6+s29], $0x40, s17, s29, $0xb8;
	[tilespmem:$0x1DD00] =	vst v63  }
0x8b: {  	_ =	swait.ge [sflag:s14], $0x2000  }
0x8c: {  	[sflag:s14] =	ssyncset.done $0x0  }
0x8d: {  	s18 =	simm.s32 $0x5100;
	[sflag:s14] =	ssyncadd.s32 $0xFFFFE000  }
0x8e: {  	[spmem:s1] =	stream.indirect.scatter.add.f32 [tilespmem:s31], [sflag:$0x5], $0x40, s18, s29, $0xb8;
	[tilespmem:$0x1DD00] =	vst v63  }
0x8f: {  	_ =	swait.ge [sflag:s12], $0x2000  }
0x90: {  	[sflag:s12] =	ssyncset.done $0x0  }
0x91: {  	s15 =	simm.s32 $0x480;
	[sflag:s12] =	ssyncadd.s32 $0xFFFFE000  }
0x92: {  	[tilespmem:s31], [sflag:$0x2] =	stream.indirect.gather [hbm4b:s6+s29], $0x40, s15, s29, $0xb8;
	[tilespmem:$0x1DD00] =	vst v63  }
0x93: {  	_ =	swait.ge [sflag:s0], $0x2000  }
0x94: {  	[sflag:s0] =	ssyncset.done $0x0  }
0x95: {  	s17 =	simm.s32 $0x5180;
	[sflag:s0] =	ssyncadd.s32 $0xFFFFE000  }
0x96: {  	[spmem:s1] =	stream.indirect.scatter.add.f32 [tilespmem:s3], [sflag:$0x5], $0x40, s17, s29, $0xb8;
	[tilespmem:$0x1DD00] =	vst v63  }
0x97: {  	_ =	swait.ge [sflag:s12], $0x2000  }
0x98: {  	[sflag:s12] =	ssyncset.done $0x0  }
0x99: {  	s18 =	simm.s32 $0x500;
	[sflag:s12] =	ssyncadd.s32 $0xFFFFE000  }
0x9a: {  	[tilespmem:s3], [sflag:$0x3] =	stream.indirect.gather [hbm4b:s6+s29], $0x40, s18, s29, $0xb8;
	[tilespmem:$0x1DD00] =	vst v63  }
0x9b: {  	_ =	swait.ge [sflag:s16], $0x2000  }
0x9c: {  	[sflag:s16] =	ssyncset.done $0x0  }
0x9d: {  	s5 =	simm.s32 $0x800;
	s15 =	simm.s32 $0x5200;
	[sflag:s16] =	ssyncadd.s32 $0xFFFFE000  }
.LBB2_9:
0x9e: {  	[spmem:s1] =	stream.indirect.scatter.add.f32 [tilespmem:s28], [sflag:$0x5], $0x40, s15, s29, $0xb8;
	[tilespmem:$0x1DD00] =	vst v63  }
0x9f: {  	s15 =	smov.u32 s5  }
0xa0: {  	p3 =	sne.s32 s5, $0x12000;
	s5 =	sadd.s32 $0x800, s5;
	_ =	swait.ge [sflag:s12], $0x2000  }
0xa1: {  	s15 =	sshra.s32 s15, $0x2;
	[sflag:s12] =	ssyncset.done $0x0  }
0xa2: {  	s17 =	sadd.s32 $0x380, s15;
	[sflag:s12] =	ssyncadd.s32 $0xFFFFE000  }
0xa3: {  	[tilespmem:s28], [sflag:$0x4] =	stream.indirect.gather [hbm4b:s6+s29], $0x40, s17, s29, $0xb8;
	[tilespmem:$0x1DD00] =	vst v63  }
0xa4: {  	_ =	swait.ge [sflag:s4], $0x2000  }
0xa5: {  	[sflag:s4] =	ssyncset.done $0x0  }
0xa6: {  	s17 =	sadd.s32 $0x5080, s15;
	[sflag:s4] =	ssyncadd.s32 $0xFFFFE000  }
0xa7: {  	[spmem:s1] =	stream.indirect.scatter.add.f32 [tilespmem:s30], [sflag:$0x5], $0x40, s17, s29, $0xb8;
	[tilespmem:$0x1DD00] =	vst v63  }
0xa8: {  	_ =	swait.ge [sflag:s12], $0x2000  }
0xa9: {  	[sflag:s12] =	ssyncset.done $0x0  }
0xaa: {  	s17 =	sadd.s32 $0x400, s15;
	[sflag:s12] =	ssyncadd.s32 $0xFFFFE000  }
0xab: {  	[tilespmem:s30], [sflag:$0x1] =	stream.indirect.gather [hbm4b:s6+s29], $0x40, s17, s29, $0xb8;
	[tilespmem:$0x1DD00] =	vst v63  }
0xac: {  	_ =	swait.ge [sflag:s14], $0x2000  }
0xad: {  	[sflag:s14] =	ssyncset.done $0x0  }
0xae: {  	s17 =	sadd.s32 $0x5100, s15;
	[sflag:s14] =	ssyncadd.s32 $0xFFFFE000  }
0xaf: {  	[spmem:s1] =	stream.indirect.scatter.add.f32 [tilespmem:s31], [sflag:$0x5], $0x40, s17, s29, $0xb8;
	[tilespmem:$0x1DD00] =	vst v63  }
0xb0: {  	_ =	swait.ge [sflag:s12], $0x2000  }
0xb1: {  	[sflag:s12] =	ssyncset.done $0x0  }
0xb2: {  	s17 =	sadd.s32 $0x480, s15;
	[sflag:s12] =	ssyncadd.s32 $0xFFFFE000  }
0xb3: {  	[tilespmem:s31], [sflag:$0x2] =	stream.indirect.gather [hbm4b:s6+s29], $0x40, s17, s29, $0xb8;
	[tilespmem:$0x1DD00] =	vst v63  }
0xb4: {  	_ =	swait.ge [sflag:s0], $0x2000  }
0xb5: {  	[sflag:s0] =	ssyncset.done $0x0  }
0xb6: {  	s17 =	sadd.s32 $0x5180, s15;
	[sflag:s0] =	ssyncadd.s32 $0xFFFFE000  }
0xb7: {  	[spmem:s1] =	stream.indirect.scatter.add.f32 [tilespmem:s3], [sflag:$0x5], $0x40, s17, s29, $0xb8;
	[tilespmem:$0x1DD00] =	vst v63  }
0xb8: {  	_ =	swait.ge [sflag:s12], $0x2000  }
0xb9: {  	[sflag:s12] =	ssyncset.done $0x0  }
.Ltmp5:
0xba: {  	s17 =	sadd.s32 $0x500, s15;
	[sflag:s12] =	ssyncadd.s32 $0xFFFFE000;
	(pc) =	sbr.rel @p3 .LBB2_9-.Ltmp5, $4  }
0xbb: {  	[tilespmem:s3], [sflag:$0x3] =	stream.indirect.gather [hbm4b:s6+s29], $0x40, s17, s29, $0xb8;
	[tilespmem:$0x1DD00] =	vst v63  }
0xbc: {  	_ =	swait.ge [sflag:s16], $0x2000  }
0xbd: {  	[sflag:s16] =	ssyncset.done $0x0  }
0xbe: {  	s15 =	sadd.s32 $0x5200, s15;
	[sflag:s16] =	ssyncadd.s32 $0xFFFFE000  }
0xbf: {  	[spmem:s1] =	stream.indirect.scatter.add.f32 [tilespmem:s28], [sflag:$0x5], $0x40, s15, s29, $0xb8;
	[tilespmem:$0x1DD00] =	vst v63  }
0xc0: {  	_ =	swait.ge [sflag:s12], $0x2000  }
0xc1: {  	[sflag:s12] =	ssyncset.done $0x0  }
0xc2: {  	s5 =	simm.s32 $0x4D80;
	[sflag:s12] =	ssyncadd.s32 $0xFFFFE000  }
0xc3: {  	[tilespmem:s28], [sflag:$0x4] =	stream.indirect.gather [hbm4b:s6+s29], $0x40, s5, s29, $0xb8;
	[tilespmem:$0x1DD00] =	vst v63  }
0xc4: {  	_ =	swait.ge [sflag:s4], $0x2000  }
0xc5: {  	[sflag:s4] =	ssyncset.done $0x0  }
0xc6: {  	s15 =	simm.s32 $0x9A80;
	[sflag:s4] =	ssyncadd.s32 $0xFFFFE000  }
0xc7: {  	[spmem:s1] =	stream.indirect.scatter.add.f32 [tilespmem:s30], [sflag:$0x5], $0x40, s15, s29, $0xb8;
	[tilespmem:$0x1DD00] =	vst v63  }
0xc8: {  	_ =	swait.ge [sflag:s12], $0x2000  }
0xc9: {  	[sflag:s12] =	ssyncset.done $0x0  }
0xca: {  	[sflag:s12] =	ssyncadd.s32 $0xFFFFE000  }
0xcb: {  	_ =	swait.ge [sflag:s14], $0x2000  }
0xcc: {  	[sflag:s14] =	ssyncset.done $0x0  }
0xcd: {  	s17 =	simm.s32 $0x9B00;
	[sflag:s14] =	ssyncadd.s32 $0xFFFFE000  }
0xce: {  	[spmem:s1] =	stream.indirect.scatter.add.f32 [tilespmem:s31], [sflag:$0x5], $0x40, s17, s29, $0xb8;
	[tilespmem:$0x1DD00] =	vst v63  }
0xcf: {  	_ =	swait.ge [sflag:s12], $0x2000  }
0xd0: {  	[sflag:s12] =	ssyncset.done $0x0  }
0xd1: {  	[sflag:s12] =	ssyncadd.s32 $0xFFFFE000  }
0xd2: {  	_ =	swait.ge [sflag:s0], $0x2000  }
0xd3: {  	[sflag:s0] =	ssyncset.done $0x0  }
0xd4: {  	s18 =	simm.s32 $0x9B80;
	[sflag:s0] =	ssyncadd.s32 $0xFFFFE000  }
0xd5: {  	[spmem:s1] =	stream.indirect.scatter.add.f32 [tilespmem:s3], [sflag:$0x5], $0x40, s18, s29, $0xb8;
	[tilespmem:$0x1DD00] =	vst v63  }
0xd6: {  	_ =	swait.ge [sflag:s12], $0x2000  }
0xd7: {  	[sflag:s12] =	ssyncset.done $0x0  }
0xd8: {  	[sflag:s12] =	ssyncadd.s32 $0xFFFFE000  }
0xd9: {  	_ =	swait.ge [sflag:s16], $0x2000  }
0xda: {  	[sflag:s16] =	ssyncset.done $0x0  }
0xdb: {  	s15 =	simm.s32 $0x9C00;
	[sflag:s16] =	ssyncadd.s32 $0xFFFFE000  }
0xdc: {  	[spmem:s1] =	stream.indirect.scatter.add.f32 [tilespmem:s28], [sflag:$0x5], $0x40, s15, s29, $0xb8;
	[tilespmem:$0x1DD00] =	vst v63  }
0xdd: {  	_ =	swait.ge [sflag:s12], $0x2000  }
0xde: {  	s5 =	simm.s32 @!p1 $0x80;
	[sflag:s12] =	ssyncset.done $0x0  }
0xdf: {  	s17 =	simm.s32 @!p1 $0x9D00;
	s15 =	simm.s32 @!p1 $0x4E00;
	[sflag:s12] =	ssyncadd.s32 $0xFFFFE000  }
0xe0: {  	[tilespmem:s17], [sflag:$0x6] =	stream.indirect.gather @!p1 [hbm4b:s6+s5], $0x40, s15, s5, $0xb8;
	[tilespmem:$0x1DD00] =	vst v63  }
0xe1: {  	s15 =	simm.s32 @!p1 $0x6  }
0xe2: {  	_ =	swait.ge @!p1 [sflag:s15], $0x2000  }
0xe3: {  	[sflag:s15] =	ssyncset.done @!p1 $0x0  }
0xe4: {  	s18 =	simm.s32 @!p1 $0x9C80;
	[sflag:s15] =	ssyncadd.s32 @!p1 $0xFFFFE000  }
0xe5: {  	[spmem:s1] =	stream.indirect.scatter.add.f32 @!p1 [tilespmem:s17], [sflag:$0x6], $0x40, s18, s5, $0xb8;
	[tilespmem:$0x1DD00] =	vst v63  }
0xe6: {  	_ =	swait.ge @!p1 [sflag:s15], $0x2000  }
0xe7: {  	[sflag:s15] =	ssyncset.done @!p1 $0x0  }
0xe8: {  	[sflag:s15] =	ssyncadd.s32 @!p1 $0xFFFFE000  }
0xe9: {  	[bflag:$0x0] =	sbarrier.arrive $0xFFFF  }
0xea: {  	[tilespmem:s23], [sflag:$0x6] =	stream.linear.gather [spmem:s7], $0x2000, $0x38;
	[tilespmem:$0x1DD00] =	vst v63  }
0xeb: {  	_ =	swait.ge [sflag:s24], $0x2000  }
0xec: {  	[sflag:s24] =	ssyncset.done $0x0  }
0xed: {  	s17 =	rddreg [dreg:$0xa];
	[sflag:s24] =	ssyncadd.s32 $0xFFFFE000  }
0xee: {  	[hbm4b:s17+s13] =	stream.strided.scatter [tilespmem:s23], [sflag:$0x6], $0x2000, s29, s13, $0x38;
	[tilespmem:$0x1DD00] =	vst v63  }
0xef: {  	_ =	swait.ge [sflag:s24], $0x2000  }
0xf0: {  	[sflag:s24] =	ssyncset.done $0x0  }
0xf1: {  	[sflag:s24] =	ssyncadd.s32 $0xFFFFE000  }
0xf2: {  	[tilespmem:s23], [sflag:$0x6] =	stream.linear.gather [spmem:s8], $0x2000, $0x38;
	[tilespmem:$0x1DD00] =	vst v63  }
0xf3: {  	_ =	swait.ge [sflag:s24], $0x2000  }
0xf4: {  	[sflag:s24] =	ssyncset.done $0x0  }
0xf5: {  	s18 =	rddreg [dreg:$0xb];
	[sflag:s24] =	ssyncadd.s32 $0xFFFFE000  }
0xf6: {  	[hbm4b:s18+s13] =	stream.strided.scatter [tilespmem:s23], [sflag:$0x6], $0x2000, s29, s13, $0x38;
	[tilespmem:$0x1DD00] =	vst v63  }
0xf7: {  	_ =	swait.ge [sflag:s24], $0x2000  }
0xf8: {  	[sflag:s24] =	ssyncset.done $0x0  }
0xf9: {  	[sflag:s24] =	ssyncadd.s32 $0xFFFFE000  }
0xfa: {  	[tilespmem:s23], [sflag:$0x6] =	stream.linear.gather [spmem:s9], $0x2000, $0x38;
	[tilespmem:$0x1DD00] =	vst v63  }
0xfb: {  	_ =	swait.ge [sflag:s24], $0x2000  }
0xfc: {  	[sflag:s24] =	ssyncset.done $0x0  }
0xfd: {  	[sflag:s24] =	ssyncadd.s32 $0xFFFFE000  }
0xfe: {  	[hbm4b:s19+s13] =	stream.strided.scatter [tilespmem:s23], [sflag:$0x6], $0x2000, s29, s13, $0x38;
	[tilespmem:$0x1DD00] =	vst v63  }
0xff: {  	_ =	swait.ge [sflag:s24], $0x2000  }
0x100: {  	[sflag:s24] =	ssyncset.done $0x0  }
0x101: {  	[sflag:s24] =	ssyncadd.s32 $0xFFFFE000  }
0x102: {  	[tilespmem:s23], [sflag:$0x6] =	stream.linear.gather [spmem:s10], $0x2000, $0x38;
	[tilespmem:$0x1DD00] =	vst v63  }
0x103: {  	_ =	swait.ge [sflag:s24], $0x2000  }
0x104: {  	[sflag:s24] =	ssyncset.done $0x0  }
0x105: {  	[sflag:s24] =	ssyncadd.s32 $0xFFFFE000  }
0x106: {  	[hbm4b:s20+s13] =	stream.strided.scatter [tilespmem:s23], [sflag:$0x6], $0x2000, s29, s13, $0x38;
	[tilespmem:$0x1DD00] =	vst v63  }
0x107: {  	_ =	swait.ge [sflag:s24], $0x2000  }
0x108: {  	[sflag:s24] =	ssyncset.done $0x0  }
0x109: {  	[sflag:s24] =	ssyncadd.s32 $0xFFFFE000  }
0x10a: {  	[tilespmem:s23], [sflag:$0x6] =	stream.linear.gather [spmem:s11], $0x2000, $0x38;
	[tilespmem:$0x1DD00] =	vst v63  }
0x10b: {  	s25 =	sadd.s32 $0x1, s25;
	_ =	swait.ge [sflag:s24], $0x2000  }
0x10c: {  	p3 =	sne.s32 s25, s22;
	[sflag:s24] =	ssyncset.done $0x0  }
.Ltmp6:
0x10d: {  	[sflag:s24] =	ssyncadd.s32 $0xFFFFE000;
	(pc) =	sbr.rel @p3 .LBB2_1-.Ltmp6, $4  }
0x10e: {  	[hbm4b:s21+s13] =	stream.strided.scatter [tilespmem:s23], [sflag:$0x6], $0x2000, s29, s13, $0x38;
	[tilespmem:$0x1DD00] =	vst v63  }
0x10f: {  	_ =	swait.ge [sflag:s24], $0x2000  }
0x110: {  	[sflag:s24] =	ssyncset.done $0x0  }
0x111: {  	[sflag:s24] =	ssyncadd.s32 $0xFFFFE000  }
0x112: {  	_ =	sfence.sel $0x180000  }
0x113: {  	[bflag:$0x0] =	sbarrier.arrive $0xFFFF  }
0x114: {  	_ =	strace $0x9000004A  }
0x115: {  	s0 =	stileid.u32;
	[bflag:$0x2] =	sbarrier.arrive $0xFFFF  }
0x116: {  	p0 =	sne.s32 s0, $0x0;
	s0 =	rddreg [dreg:$0x2]  }
0x117: {  	s0 =	sadd.s32 @!p0 $0x100000, s0  }
0x118: {  	[sflag:s0] =	ssyncadd.tile.s32 @!p0 $0x1;
	_ =	shalt  }
.Lfunc_end2:
_tile_overlayer_lowered:
.L_overlay_start_2:
0x119: {  	(tag) =	ssettag $0x2  }
0x11a: {  	s0 =	rddreg [dreg:$0x0];
	s2 =	stileid.u32  }
0x11b: {  	s1 =	rddreg [dreg:$0x1];
	p0 =	sne.s32 s2, $0x0  }
0x11c: {  	s3 =	rddreg [dreg:$0x2];
	[bflag:$0x3] =	sbarrier.arrive $0xFFFF;
	s2 =	simm.s32 @!p0 $0x1C06  }
0x11d: {  	[timem:s3], [sflag:s2] =	dma.local @!p0 [hbm:s0], s1  }
0x11e: {  	s0 =	simm.s32 @!p0 $0x6  }
0x11f: {  	_ =	swait.ge @!p0 [sflag:s0], s1  }
0x120: {  	s1 =	ssub.s32 @!p0 $0x0, s1;
	[sflag:s0] =	ssyncset.done @!p0 $0x0  }
0x121: {  	[sflag:s0] =	ssyncadd.s32 @!p0 s1  }
0x122: {  	[bflag:$0x3] =	sbarrier.arrive $0xFFFF  }
0x123: {  	_ =	shalt  }

</sc_bundles>
